<compile_context>
chip_gen: v7x
topology: tpu7x:2x2x1
jax: 0.10.2.dev20260603
libtpu: 0.0.44.dev20260713+nightly
codegen_flags: <defaults>
</compile_context>

<pallas_src>
import functools

import jax
import jax.numpy as jnp
from jax import lax
from jax.experimental import pallas as pl
from jax.experimental.pallas import tpu as pltpu
from jax.experimental.pallas import tpu_sc as plsc

N = 10000
E = 320000
IN_DIM = 128
DIM = 32
NUM_GRAPHS = 128

NPAD = 10240
ROWS_PER_TILE = NPAD // 16
CHUNK = 128
NTILES = 32
CHUNKS_PER_TILE = 80
EPAD = NTILES * CHUNKS_PER_TILE * CHUNK



NBUF = 4


def _sc_agg_body(y_hbm, src_hbm, dst_hbm, zeros_hbm, out_hbm,
                 sidx, didx, rows, acc, *gsems):
    c = lax.axis_index("c")
    s = lax.axis_index("s")
    wid = c * 16 + s

    pltpu.sync_copy(zeros_hbm.at[pl.ds(s * ROWS_PER_TILE, ROWS_PER_TILE)],
                    acc.at[pl.ds(s * ROWS_PER_TILE, ROWS_PER_TILE)])

    pltpu.sync_copy(src_hbm.at[pl.ds(wid * CHUNKS_PER_TILE, CHUNKS_PER_TILE)], sidx)
    pltpu.sync_copy(dst_hbm.at[pl.ds(wid * CHUNKS_PER_TILE, CHUNKS_PER_TILE)], didx)

    plsc.subcore_barrier()

    for b in range(NBUF):
        pltpu.async_copy(y_hbm.at[sidx.at[b]], rows.at[b], gsems[b])

    def body(k0, carry):
        for b in range(NBUF):
            k = k0 * NBUF + b
            pltpu.make_async_copy(y_hbm.at[sidx.at[k]], rows.at[b],
                                  gsems[b]).wait()
            pltpu.sync_copy(rows.at[b], acc.at[didx.at[k]], add=True)
            pltpu.async_copy(y_hbm.at[sidx.at[k + NBUF]], rows.at[b], gsems[b])
        return carry

    lax.fori_loop(0, CHUNKS_PER_TILE // NBUF - 1, body, 0, unroll=False)

    for b in range(NBUF):
        k = CHUNKS_PER_TILE - NBUF + b
        pltpu.make_async_copy(y_hbm.at[sidx.at[k]], rows.at[b],
                              gsems[b]).wait()
        pltpu.sync_copy(rows.at[b], acc.at[didx.at[k]], add=True)

    plsc.subcore_barrier()

    pltpu.sync_copy(acc.at[pl.ds(s * ROWS_PER_TILE, ROWS_PER_TILE)],
                    out_hbm.at[c, pl.ds(s * ROWS_PER_TILE, ROWS_PER_TILE)])


_sc_agg = functools.partial(
    pl.kernel,
    out_type=jax.ShapeDtypeStruct((2, NPAD, DIM), jnp.float32),
    mesh=plsc.VectorSubcoreMesh(core_axis_name="c", subcore_axis_name="s"),
    scratch_types=[
        pltpu.VMEM((CHUNKS_PER_TILE, CHUNK), jnp.int32),
        pltpu.VMEM((CHUNKS_PER_TILE, CHUNK), jnp.int32),
        pltpu.VMEM((NBUF, CHUNK, DIM), jnp.float32),
        pltpu.VMEM_SHARED((NPAD, DIM), jnp.float32),
    ] + [pltpu.SemaphoreType.DMA] * NBUF,
    compiler_params=pltpu.CompilerParams(use_tc_tiling_on_sc=False),
)(_sc_agg_body)



def _stage0_body(x_ref, w_ref, y_ref):
    y_ref[:N, :] = jnp.dot(x_ref[...], w_ref[...],
                           preferred_element_type=jnp.float32)
    y_ref[N:, :] = jnp.zeros((NPAD - N, DIM), jnp.float32)


def _onehot_pool(batch_ref, h):
    gid = lax.broadcasted_iota(jnp.int32, (NUM_GRAPHS, N), 0)
    onehot = (gid == batch_ref[...]).astype(jnp.float32)
    return jnp.dot(onehot, h, preferred_element_type=jnp.float32)


def _stage_mid_body(p_ref, y_ref, b1_ref, w2_ref, b2_ref, batch_ref, w1n_ref,
                    scale_ref, yn_ref, pool_ref):
    scale = scale_ref[0]
    y = y_ref[:N, :]
    z = p_ref[0, :N, :] + p_ref[1, :N, :] + scale * y + b1_ref[...]
    t = jnp.maximum(z, 0.0)
    h = jnp.maximum(jnp.dot(t, w2_ref[...], preferred_element_type=jnp.float32)
                    + b2_ref[...], 0.0)
    pool_ref[...] = _onehot_pool(batch_ref, h)
    yn_ref[:N, :] = jnp.dot(h, w1n_ref[...], preferred_element_type=jnp.float32)
    yn_ref[N:, :] = jnp.zeros((NPAD - N, DIM), jnp.float32)


def _stage_last_body(p_ref, y_ref, b1_ref, w2_ref, b2_ref, batch_ref,
                     pool0_ref, pool1_ref, p1a_ref, p1b_ref, p1c_ref,
                     pb1_ref, p2_ref, pb2_ref, scale_ref, out_ref):
    scale = scale_ref[0]
    y = y_ref[:N, :]
    z = p_ref[0, :N, :] + p_ref[1, :N, :] + scale * y + b1_ref[...]
    t = jnp.maximum(z, 0.0)
    h = jnp.maximum(jnp.dot(t, w2_ref[...], preferred_element_type=jnp.float32)
                    + b2_ref[...], 0.0)
    pool2 = _onehot_pool(batch_ref, h)
    g = (jnp.dot(pool0_ref[...], p1a_ref[...], preferred_element_type=jnp.float32)
         + jnp.dot(pool1_ref[...], p1b_ref[...], preferred_element_type=jnp.float32)
         + jnp.dot(pool2, p1c_ref[...], preferred_element_type=jnp.float32)
         + pb1_ref[...])
    g = jnp.maximum(g, 0.0)
    out_ref[...] = (jnp.dot(g, p2_ref[...], preferred_element_type=jnp.float32)
                    + pb2_ref[...])


_VMEM = pl.BlockSpec(memory_space=pltpu.VMEM)
_SMEM = pl.BlockSpec(memory_space=pltpu.SMEM)

_stage0 = pl.pallas_call(
    _stage0_body,
    out_shape=jax.ShapeDtypeStruct((NPAD, DIM), jnp.float32),
    in_specs=[_VMEM, _VMEM],
    out_specs=_VMEM,
)

_stage_mid = pl.pallas_call(
    _stage_mid_body,
    out_shape=(jax.ShapeDtypeStruct((NPAD, DIM), jnp.float32),
               jax.ShapeDtypeStruct((NUM_GRAPHS, DIM), jnp.float32)),
    in_specs=[_VMEM] * 7 + [_SMEM],
    out_specs=(_VMEM, _VMEM),
)

_stage_last = pl.pallas_call(
    _stage_last_body,
    out_shape=jax.ShapeDtypeStruct((NUM_GRAPHS, DIM), jnp.float32),
    in_specs=[_VMEM] * 14 + [_SMEM],
    out_specs=_VMEM,
)


def kernel(x, edge_index, batch, W1_0, b1_0, W2_0, b2_0, eps_0, W1_1, b1_1,
           W2_1, b2_1, eps_1, W1_2, b1_2, W2_2, b2_2, eps_2, P1, pb1, P2, pb2):
    edge_index = edge_index.astype(jnp.int32)
    pad_rows = N + jnp.arange(EPAD - E, dtype=jnp.int32) % (NPAD - N)
    src = jnp.concatenate([edge_index[0], pad_rows])
    dst = jnp.concatenate([edge_index[1], pad_rows])
    src2d = src.reshape(NTILES * CHUNKS_PER_TILE, CHUNK)
    dst2d = dst.reshape(NTILES * CHUNKS_PER_TILE, CHUNK)
    batch2d = batch.astype(jnp.int32).reshape(1, N)
    zeros = jnp.zeros((NPAD, DIM), jnp.float32)

    b1 = [b1_0.reshape(1, DIM), b1_1.reshape(1, DIM), b1_2.reshape(1, DIM)]
    b2 = [b2_0.reshape(1, DIM), b2_1.reshape(1, DIM), b2_2.reshape(1, DIM)]
    W2 = [W2_0, W2_1, W2_2]
    scales = [jnp.reshape(1.0 + eps_0, (1,)), jnp.reshape(1.0 + eps_1, (1,)),
              jnp.reshape(1.0 + eps_2, (1,))]

    y0 = _stage0(x, W1_0)
    p0 = _sc_agg(y0, src2d, dst2d, zeros)
    y1, pool0 = _stage_mid(p0, y0, b1[0], W2[0], b2[0], batch2d, W1_1,
                           scales[0])
    p1 = _sc_agg(y1, src2d, dst2d, zeros)
    y2, pool1 = _stage_mid(p1, y1, b1[1], W2[1], b2[1], batch2d, W1_2,
                           scales[1])
    p2 = _sc_agg(y2, src2d, dst2d, zeros)
    out = _stage_last(p2, y2, b1[2], W2[2], b2[2], batch2d, pool0, pool1,
                      P1[:DIM], P1[DIM:2 * DIM], P1[2 * DIM:],
                      pb1.reshape(1, DIM), P2, pb2.reshape(1, DIM), scales[2])
    return out

# --- scband reference (transcript-rebuilt; emitter-appended) ---
"""Pipeline reference for scband-graph-clmodel-21174188770059 (READ-ONLY COPY).

The authoritative reference and input builder live on the scoring server;
editing this copy changes nothing except your own understanding.
"""

import jax, jax.numpy as jnp
import numpy as np

N = 10000
E = 320000
IN_DIM = 128
DIM = 32
NUM_LAYERS = 3
PROJ_DIM = 32
NUM_GRAPHS = 128


def setup_inputs(seed: int = 0) -> dict:
    key = jax.random.key(seed)
    ks = jax.random.split(key, 16)
    inp = {}
    inp["x"] = jax.random.normal(ks[0], (N, IN_DIM), dtype=jnp.float32)
    inp["edge_index"] = jax.random.randint(ks[1], (2, E), 0, N)
    inp["batch"] = jnp.sort(jax.random.randint(ks[2], (N,), 0, NUM_GRAPHS))
    d_in = IN_DIM
    ki = 3
    for l in range(NUM_LAYERS):
        inp[f"W1_{l}"] = jax.random.normal(ks[ki], (d_in, DIM), dtype=jnp.float32) * (1.0 / np.sqrt(d_in)); ki += 1
        inp[f"b1_{l}"] = jnp.zeros((DIM,), dtype=jnp.float32)
        inp[f"W2_{l}"] = jax.random.normal(ks[ki], (DIM, DIM), dtype=jnp.float32) * (1.0 / np.sqrt(DIM)); ki += 1
        inp[f"b2_{l}"] = jnp.zeros((DIM,), dtype=jnp.float32)
        inp[f"eps_{l}"] = jnp.zeros((), dtype=jnp.float32)
        d_in = DIM
    inp["P1"] = jax.random.normal(ks[ki], (DIM * NUM_LAYERS, PROJ_DIM), dtype=jnp.float32) * (1.0 / np.sqrt(DIM * NUM_LAYERS)); ki += 1
    inp["pb1"] = jnp.zeros((PROJ_DIM,), dtype=jnp.float32)
    inp["P2"] = jax.random.normal(ks[ki], (PROJ_DIM, PROJ_DIM), dtype=jnp.float32) * (1.0 / np.sqrt(PROJ_DIM)); ki += 1
    inp["pb2"] = jnp.zeros((PROJ_DIM,), dtype=jnp.float32)
    return inp


def _encoder_project(x, edge_index, batch, layer_params, P1, pb1, P2, pb2):
    src = edge_index[0]
    dst = edge_index[1]
    h = x
    pooled = []
    for (W1, b1, W2, b2, eps) in layer_params:
        # GIN-style message passing: sum-aggregate neighbors + (1+eps)*self, then 2-layer MLP
        msg = h[src]
        agg = jnp.zeros(h.shape, dtype=h.dtype).at[dst].add(msg)
        z = agg + (1.0 + eps) * h
        h = jax.nn.relu(z @ W1 + b1)
        h = jax.nn.relu(h @ W2 + b2)
        # per-layer global add pooling over graphs in the batch
        pooled.append(jax.ops.segment_sum(h, batch, num_segments=NUM_GRAPHS))
    g = jnp.concatenate(pooled, axis=-1)  # [NUM_GRAPHS, dim * num_layers]
    out = jax.nn.relu(g @ P1 + pb1) @ P2 + pb2
    return out


def reference(x, edge_index, batch, W1_0, b1_0, W2_0, b2_0, eps_0, W1_1, b1_1, W2_1, b2_1, eps_1, W1_2, b1_2, W2_2, b2_2, eps_2, P1, pb1, P2, pb2):
    layer_params = [
        (W1_0, b1_0, W2_0, b2_0, eps_0),
        (W1_1, b1_1, W2_1, b2_1, eps_1),
        (W1_2, b1_2, W2_2, b2_2, eps_2),
    ]
    return _encoder_project(x, edge_index, batch, layer_params, P1, pb1, P2, pb2)

if __name__ == "__main__":
    import jax
    _d = setup_inputs()
    print(jax.jit(kernel)(*tuple(_d.values())))

</pallas_src>

<mosaic_0001>
#map = affine_map<(d0, d1) -> (0, 0)>
#map1 = affine_map<(d0, d1) -> (0, 0, 0)>
module attributes {stable_mosaic.version = 14 : i64} {
  func.func @_sc_agg_body(%arg0: i32, %arg1: i32, %arg2: memref<10240x32xf32, #tpu.memory_space<hbm>>, %arg3: memref<2560x128xi32, #tpu.memory_space<hbm>>, %arg4: memref<2560x128xi32, #tpu.memory_space<hbm>>, %arg5: memref<10240x32xf32, #tpu.memory_space<hbm>>, %arg6: memref<2x10240x32xf32, #tpu.memory_space<hbm>>, %arg7: memref<80x128xi32, #tpu.memory_space<vmem>>, %arg8: memref<80x128xi32, #tpu.memory_space<vmem>>, %arg9: memref<4x128x32xf32, #tpu.memory_space<vmem>>, %arg10: memref<10240x32xf32, #tpu.memory_space<vmem_shared>>, %arg11: memref<!tpu.dma_semaphore, #tpu.memory_space<semaphore_mem>>, %arg12: memref<!tpu.dma_semaphore, #tpu.memory_space<semaphore_mem>>, %arg13: memref<!tpu.dma_semaphore, #tpu.memory_space<semaphore_mem>>, %arg14: memref<!tpu.dma_semaphore, #tpu.memory_space<semaphore_mem>>) attributes {dimension_semantics = [#tpu.dimension_semantics<core_parallel>, #tpu.dimension_semantics<subcore_parallel>], iteration_bounds = array<i64: 2, 16>, scalar_prefetch = 0 : i64, scratch_operands = 8 : i64, tpu.core_type = #tpu.core_type<sc_vector_subcore>, window_params = [{transform_indices = #map}, {transform_indices = #map}, {transform_indices = #map}, {transform_indices = #map}, {transform_indices = #map1}]} {
    %mul3A = arith.constant 16 : i32
    %mul3A_0 = arith.muli %arg0, %mul3A : i32
    %add3A = arith.addi %mul3A_0, %arg1 : i32
    %mul3A_1 = arith.constant 640 : i32
    %mul3A_2 = arith.muli %arg1, %mul3A_1 : i32
    %mul3A_3 = arith.constant 640 : i32
    %mul3A_4 = arith.muli %arg1, %mul3A_3 : i32
    "tpu.region"() ({
      %run_scoped3A_120 = tpu.sem_alloc : memref<!tpu.dma_semaphore, #tpu.memory_space<semaphore_mem>>
      %dma_start3A_121 = arith.constant 0 : i32
      %dma_start3A_122 = tpu.memref_slice %arg10[%mul3A_4, %dma_start3A_121] : memref<10240x32xf32, #tpu.memory_space<vmem_shared>> -> memref<640x32xf32, #tpu.memory_space<vmem_shared>>
      %dma_start3A_123 = arith.constant 0 : i32
      %dma_start3A_124 = tpu.memref_slice %arg5[%mul3A_2, %dma_start3A_123] : memref<10240x32xf32, #tpu.memory_space<hbm>> -> memref<640x32xf32, #tpu.memory_space<hbm>>
      tpu.enqueue_dma source(%dma_start3A_124 : memref<640x32xf32, #tpu.memory_space<hbm>>) target(%dma_start3A_122 : memref<640x32xf32, #tpu.memory_space<vmem_shared>>) target_semaphore(%run_scoped3A_120 : memref<!tpu.dma_semaphore, #tpu.memory_space<semaphore_mem>>)
      %dma_wait3A_125 = arith.constant 0 : i32
      %dma_wait3A_126 = tpu.memref_slice %arg10[%mul3A_4, %dma_wait3A_125] : memref<10240x32xf32, #tpu.memory_space<vmem_shared>> -> memref<640x32xf32, #tpu.memory_space<vmem_shared>>
      %dma_wait3A_127 = arith.constant 0 : i32
      %dma_wait3A_128 = tpu.memref_slice %arg5[%mul3A_2, %dma_wait3A_127] : memref<10240x32xf32, #tpu.memory_space<hbm>> -> memref<640x32xf32, #tpu.memory_space<hbm>>
      tpu.wait_dma2 semaphore(%run_scoped3A_120 : memref<!tpu.dma_semaphore, #tpu.memory_space<semaphore_mem>>) src(%dma_wait3A_128 : memref<640x32xf32, #tpu.memory_space<hbm>>) dst(%dma_wait3A_126 : memref<640x32xf32, #tpu.memory_space<vmem_shared>>)
      tpu.yield
    }) : () -> ()
    %mul3A_5 = arith.constant 80 : i32
    %mul3A_6 = arith.muli %add3A, %mul3A_5 : i32
    "tpu.region"() ({
      %run_scoped3A_120 = tpu.sem_alloc : memref<!tpu.dma_semaphore, #tpu.memory_space<semaphore_mem>>
      %dma_start3A_121 = arith.constant 0 : i32
      %dma_start3A_122 = tpu.memref_slice %arg3[%mul3A_6, %dma_start3A_121] : memref<2560x128xi32, #tpu.memory_space<hbm>> -> memref<80x128xi32, #tpu.memory_space<hbm>>
      %dma_start3A_123 = arith.constant 0 : i32
      %dma_start3A_124 = tpu.memref_slice %arg3[%mul3A_6, %dma_start3A_123] : memref<2560x128xi32, #tpu.memory_space<hbm>> -> memref<80x128xi32, #tpu.memory_space<hbm>>
      tpu.enqueue_dma source(%dma_start3A_124 : memref<80x128xi32, #tpu.memory_space<hbm>>) target(%arg7 : memref<80x128xi32, #tpu.memory_space<vmem>>) target_semaphore(%run_scoped3A_120 : memref<!tpu.dma_semaphore, #tpu.memory_space<semaphore_mem>>)
      %dma_wait3A_125 = arith.constant 0 : i32
      %dma_wait3A_126 = tpu.memref_slice %arg3[%mul3A_6, %dma_wait3A_125] : memref<2560x128xi32, #tpu.memory_space<hbm>> -> memref<80x128xi32, #tpu.memory_space<hbm>>
      %dma_wait3A_127 = arith.constant 0 : i32
      %dma_wait3A_128 = tpu.memref_slice %arg3[%mul3A_6, %dma_wait3A_127] : memref<2560x128xi32, #tpu.memory_space<hbm>> -> memref<80x128xi32, #tpu.memory_space<hbm>>
      tpu.wait_dma2 semaphore(%run_scoped3A_120 : memref<!tpu.dma_semaphore, #tpu.memory_space<semaphore_mem>>) src(%dma_wait3A_128 : memref<80x128xi32, #tpu.memory_space<hbm>>) dst(%arg7 : memref<80x128xi32, #tpu.memory_space<vmem>>)
      tpu.yield
    }) : () -> ()
    %mul3A_7 = arith.constant 80 : i32
    %mul3A_8 = arith.muli %add3A, %mul3A_7 : i32
    "tpu.region"() ({
      %run_scoped3A_120 = tpu.sem_alloc : memref<!tpu.dma_semaphore, #tpu.memory_space<semaphore_mem>>
      %dma_start3A_121 = arith.constant 0 : i32
      %dma_start3A_122 = tpu.memref_slice %arg4[%mul3A_8, %dma_start3A_121] : memref<2560x128xi32, #tpu.memory_space<hbm>> -> memref<80x128xi32, #tpu.memory_space<hbm>>
      %dma_start3A_123 = arith.constant 0 : i32
      %dma_start3A_124 = tpu.memref_slice %arg4[%mul3A_8, %dma_start3A_123] : memref<2560x128xi32, #tpu.memory_space<hbm>> -> memref<80x128xi32, #tpu.memory_space<hbm>>
      tpu.enqueue_dma source(%dma_start3A_124 : memref<80x128xi32, #tpu.memory_space<hbm>>) target(%arg8 : memref<80x128xi32, #tpu.memory_space<vmem>>) target_semaphore(%run_scoped3A_120 : memref<!tpu.dma_semaphore, #tpu.memory_space<semaphore_mem>>)
      %dma_wait3A_125 = arith.constant 0 : i32
      %dma_wait3A_126 = tpu.memref_slice %arg4[%mul3A_8, %dma_wait3A_125] : memref<2560x128xi32, #tpu.memory_space<hbm>> -> memref<80x128xi32, #tpu.memory_space<hbm>>
      %dma_wait3A_127 = arith.constant 0 : i32
      %dma_wait3A_128 = tpu.memref_slice %arg4[%mul3A_8, %dma_wait3A_127] : memref<2560x128xi32, #tpu.memory_space<hbm>> -> memref<80x128xi32, #tpu.memory_space<hbm>>
      tpu.wait_dma2 semaphore(%run_scoped3A_120 : memref<!tpu.dma_semaphore, #tpu.memory_space<semaphore_mem>>) src(%dma_wait3A_128 : memref<80x128xi32, #tpu.memory_space<hbm>>) dst(%arg8 : memref<80x128xi32, #tpu.memory_space<vmem>>)
      tpu.yield
    }) : () -> ()
    %barrier3A = arith.constant 0 : index
    tpu.barrier barrier_id(%barrier3A)
    %dma_start3A = arith.constant 0 : i32
    %dma_start3A_9 = arith.constant 0 : i32
    %dma_start3A_10 = arith.constant 0 : i32
    %dma_start3A_11 = arith.constant 0 : i32
    %dma_start3A_12 = tpu.memref_slice %arg9[%dma_start3A_9, %dma_start3A_10, %dma_start3A_11] : memref<4x128x32xf32, #tpu.memory_space<vmem>> -> memref<1x128x32xf32, #tpu.memory_space<vmem>>
    %dma_start3A_13 = tpu.memref_squeeze %dma_start3A_12 : memref<1x128x32xf32, #tpu.memory_space<vmem>> -> memref<128x32xf32, #tpu.memory_space<vmem>>
    %dma_start3A_14 = arith.constant 0 : i32
    %dma_start3A_15 = tpu.memref_slice %arg7[%dma_start3A, %dma_start3A_14] : memref<80x128xi32, #tpu.memory_space<vmem>> -> memref<1x128xi32, #tpu.memory_space<vmem>>
    %dma_start3A_16 = tpu.memref_squeeze %dma_start3A_15 : memref<1x128xi32, #tpu.memory_space<vmem>> -> memref<128xi32, #tpu.memory_space<vmem>>
    %dma_start3A_17 = arith.constant 0 : i32
    %dma_start3A_18 = arith.constant 0 : i32
    %dma_start3A_19 = tpu.memref_slice %arg2[%dma_start3A_17, %dma_start3A_18] : memref<10240x32xf32, #tpu.memory_space<hbm>> -> memref<10240x32xf32, #tpu.memory_space<hbm>>
    tpu.enqueue_indirect_dma source(%dma_start3A_19 : memref<10240x32xf32, #tpu.memory_space<hbm>>) target(%dma_start3A_13 : memref<128x32xf32, #tpu.memory_space<vmem>>) offsets(%dma_start3A_16 : memref<128xi32, #tpu.memory_space<vmem>>) semaphore(%arg11 : memref<!tpu.dma_semaphore, #tpu.memory_space<semaphore_mem>>)
    %dma_start3A_20 = arith.constant 1 : i32
    %dma_start3A_21 = arith.constant 1 : i32
    %dma_start3A_22 = arith.constant 0 : i32
    %dma_start3A_23 = arith.constant 0 : i32
    %dma_start3A_24 = tpu.memref_slice %arg9[%dma_start3A_21, %dma_start3A_22, %dma_start3A_23] : memref<4x128x32xf32, #tpu.memory_space<vmem>> -> memref<1x128x32xf32, #tpu.memory_space<vmem>>
    %dma_start3A_25 = tpu.memref_squeeze %dma_start3A_24 : memref<1x128x32xf32, #tpu.memory_space<vmem>> -> memref<128x32xf32, #tpu.memory_space<vmem>>
    %dma_start3A_26 = arith.constant 0 : i32
    %dma_start3A_27 = tpu.memref_slice %arg7[%dma_start3A_20, %dma_start3A_26] : memref<80x128xi32, #tpu.memory_space<vmem>> -> memref<1x128xi32, #tpu.memory_space<vmem>>
    %dma_start3A_28 = tpu.memref_squeeze %dma_start3A_27 : memref<1x128xi32, #tpu.memory_space<vmem>> -> memref<128xi32, #tpu.memory_space<vmem>>
    %dma_start3A_29 = arith.constant 0 : i32
    %dma_start3A_30 = arith.constant 0 : i32
    %dma_start3A_31 = tpu.memref_slice %arg2[%dma_start3A_29, %dma_start3A_30] : memref<10240x32xf32, #tpu.memory_space<hbm>> -> memref<10240x32xf32, #tpu.memory_space<hbm>>
    tpu.enqueue_indirect_dma source(%dma_start3A_31 : memref<10240x32xf32, #tpu.memory_space<hbm>>) target(%dma_start3A_25 : memref<128x32xf32, #tpu.memory_space<vmem>>) offsets(%dma_start3A_28 : memref<128xi32, #tpu.memory_space<vmem>>) semaphore(%arg12 : memref<!tpu.dma_semaphore, #tpu.memory_space<semaphore_mem>>)
    %dma_start3A_32 = arith.constant 2 : i32
    %dma_start3A_33 = arith.constant 2 : i32
    %dma_start3A_34 = arith.constant 0 : i32
    %dma_start3A_35 = arith.constant 0 : i32
    %dma_start3A_36 = tpu.memref_slice %arg9[%dma_start3A_33, %dma_start3A_34, %dma_start3A_35] : memref<4x128x32xf32, #tpu.memory_space<vmem>> -> memref<1x128x32xf32, #tpu.memory_space<vmem>>
    %dma_start3A_37 = tpu.memref_squeeze %dma_start3A_36 : memref<1x128x32xf32, #tpu.memory_space<vmem>> -> memref<128x32xf32, #tpu.memory_space<vmem>>
    %dma_start3A_38 = arith.constant 0 : i32
    %dma_start3A_39 = tpu.memref_slice %arg7[%dma_start3A_32, %dma_start3A_38] : memref<80x128xi32, #tpu.memory_space<vmem>> -> memref<1x128xi32, #tpu.memory_space<vmem>>
    %dma_start3A_40 = tpu.memref_squeeze %dma_start3A_39 : memref<1x128xi32, #tpu.memory_space<vmem>> -> memref<128xi32, #tpu.memory_space<vmem>>
    %dma_start3A_41 = arith.constant 0 : i32
    %dma_start3A_42 = arith.constant 0 : i32
    %dma_start3A_43 = tpu.memref_slice %arg2[%dma_start3A_41, %dma_start3A_42] : memref<10240x32xf32, #tpu.memory_space<hbm>> -> memref<10240x32xf32, #tpu.memory_space<hbm>>
    tpu.enqueue_indirect_dma source(%dma_start3A_43 : memref<10240x32xf32, #tpu.memory_space<hbm>>) target(%dma_start3A_37 : memref<128x32xf32, #tpu.memory_space<vmem>>) offsets(%dma_start3A_40 : memref<128xi32, #tpu.memory_space<vmem>>) semaphore(%arg13 : memref<!tpu.dma_semaphore, #tpu.memory_space<semaphore_mem>>)
    %dma_start3A_44 = arith.constant 3 : i32
    %dma_start3A_45 = arith.constant 3 : i32
    %dma_start3A_46 = arith.constant 0 : i32
    %dma_start3A_47 = arith.constant 0 : i32
    %dma_start3A_48 = tpu.memref_slice %arg9[%dma_start3A_45, %dma_start3A_46, %dma_start3A_47] : memref<4x128x32xf32, #tpu.memory_space<vmem>> -> memref<1x128x32xf32, #tpu.memory_space<vmem>>
    %dma_start3A_49 = tpu.memref_squeeze %dma_start3A_48 : memref<1x128x32xf32, #tpu.memory_space<vmem>> -> memref<128x32xf32, #tpu.memory_space<vmem>>
    %dma_start3A_50 = arith.constant 0 : i32
    %dma_start3A_51 = tpu.memref_slice %arg7[%dma_start3A_44, %dma_start3A_50] : memref<80x128xi32, #tpu.memory_space<vmem>> -> memref<1x128xi32, #tpu.memory_space<vmem>>
    %dma_start3A_52 = tpu.memref_squeeze %dma_start3A_51 : memref<1x128xi32, #tpu.memory_space<vmem>> -> memref<128xi32, #tpu.memory_space<vmem>>
    %dma_start3A_53 = arith.constant 0 : i32
    %dma_start3A_54 = arith.constant 0 : i32
    %dma_start3A_55 = tpu.memref_slice %arg2[%dma_start3A_53, %dma_start3A_54] : memref<10240x32xf32, #tpu.memory_space<hbm>> -> memref<10240x32xf32, #tpu.memory_space<hbm>>
    tpu.enqueue_indirect_dma source(%dma_start3A_55 : memref<10240x32xf32, #tpu.memory_space<hbm>>) target(%dma_start3A_49 : memref<128x32xf32, #tpu.memory_space<vmem>>) offsets(%dma_start3A_52 : memref<128xi32, #tpu.memory_space<vmem>>) semaphore(%arg14 : memref<!tpu.dma_semaphore, #tpu.memory_space<semaphore_mem>>)
    %scan3A = arith.constant 0 : i32
    %scan3A_56 = arith.constant 0 : i32
    %scan3A_57 = arith.constant 19 : i32
    %scan3A_58 = arith.addi %scan3A_56, %scan3A_57 : i32
    %scan3A_59 = arith.constant 1 : i32
    scf.for %scan3A_120 = %scan3A_56 to %scan3A_58 step %scan3A_59  : i32 {
      %mul3A_121 = arith.constant 4 : i32
      %mul3A_122 = arith.muli %scan3A_120, %mul3A_121 : i32
      %add3A_123 = arith.constant 0 : i32
      %add3A_124 = arith.addi %mul3A_122, %add3A_123 : i32
      %dma_wait3A_125 = arith.constant 0 : i32
      %dma_wait3A_126 = arith.constant 0 : i32
      %dma_wait3A_127 = arith.constant 0 : i32
      %dma_wait3A_128 = tpu.memref_slice %arg9[%dma_wait3A_125, %dma_wait3A_126, %dma_wait3A_127] : memref<4x128x32xf32, #tpu.memory_space<vmem>> -> memref<1x128x32xf32, #tpu.memory_space<vmem>>
      %dma_wait3A_129 = tpu.memref_squeeze %dma_wait3A_128 : memref<1x128x32xf32, #tpu.memory_space<vmem>> -> memref<128x32xf32, #tpu.memory_space<vmem>>
      %dma_wait3A_130 = arith.constant 0 : i32
      %dma_wait3A_131 = tpu.memref_slice %arg7[%add3A_124, %dma_wait3A_130] : memref<80x128xi32, #tpu.memory_space<vmem>> -> memref<1x128xi32, #tpu.memory_space<vmem>>
      %dma_wait3A_132 = tpu.memref_squeeze %dma_wait3A_131 : memref<1x128xi32, #tpu.memory_space<vmem>> -> memref<128xi32, #tpu.memory_space<vmem>>
      %dma_wait3A_133 = arith.constant 0 : i32
      %dma_wait3A_134 = arith.constant 0 : i32
      %dma_wait3A_135 = tpu.memref_slice %arg2[%dma_wait3A_133, %dma_wait3A_134] : memref<10240x32xf32, #tpu.memory_space<hbm>> -> memref<10240x32xf32, #tpu.memory_space<hbm>>
      tpu.wait_indirect_dma semaphore(%arg11 : memref<!tpu.dma_semaphore, #tpu.memory_space<semaphore_mem>>) src(%dma_wait3A_135 : memref<10240x32xf32, #tpu.memory_space<hbm>>) dst(%dma_wait3A_129 : memref<128x32xf32, #tpu.memory_space<vmem>>)
      %run_scoped3A_136 = arith.constant 0 : i32
      "tpu.region"() ({
        %run_scoped3A_237 = tpu.sem_alloc : memref<!tpu.dma_semaphore, #tpu.memory_space<semaphore_mem>>
        %dma_start3A_238 = arith.constant 0 : i32
        %dma_start3A_239 = arith.constant 0 : i32
        %dma_start3A_240 = tpu.memref_slice %arg9[%run_scoped3A_136, %dma_start3A_238, %dma_start3A_239] : memref<4x128x32xf32, #tpu.memory_space<vmem>> -> memref<1x128x32xf32, #tpu.memory_space<vmem>>
        %dma_start3A_241 = tpu.memref_squeeze %dma_start3A_240 : memref<1x128x32xf32, #tpu.memory_space<vmem>> -> memref<128x32xf32, #tpu.memory_space<vmem>>
        %dma_start3A_242 = arith.constant 0 : i32
        %dma_start3A_243 = tpu.memref_slice %arg8[%add3A_124, %dma_start3A_242] : memref<80x128xi32, #tpu.memory_space<vmem>> -> memref<1x128xi32, #tpu.memory_space<vmem>>
        %dma_start3A_244 = tpu.memref_squeeze %dma_start3A_243 : memref<1x128xi32, #tpu.memory_space<vmem>> -> memref<128xi32, #tpu.memory_space<vmem>>
        %dma_start3A_245 = arith.constant 0 : i32
        %dma_start3A_246 = arith.constant 0 : i32
        %dma_start3A_247 = tpu.memref_slice %arg10[%dma_start3A_245, %dma_start3A_246] : memref<10240x32xf32, #tpu.memory_space<vmem_shared>> -> memref<10240x32xf32, #tpu.memory_space<vmem_shared>>
        tpu.enqueue_indirect_dma source(%dma_start3A_241 : memref<128x32xf32, #tpu.memory_space<vmem>>) target(%dma_start3A_247 : memref<10240x32xf32, #tpu.memory_space<vmem_shared>>) offsets(%dma_start3A_244 : memref<128xi32, #tpu.memory_space<vmem>>) semaphore(%run_scoped3A_237 : memref<!tpu.dma_semaphore, #tpu.memory_space<semaphore_mem>>) {add = true}
        %dma_wait3A_248 = arith.constant 0 : i32
        %dma_wait3A_249 = arith.constant 0 : i32
        %dma_wait3A_250 = tpu.memref_slice %arg9[%run_scoped3A_136, %dma_wait3A_248, %dma_wait3A_249] : memref<4x128x32xf32, #tpu.memory_space<vmem>> -> memref<1x128x32xf32, #tpu.memory_space<vmem>>
        %dma_wait3A_251 = tpu.memref_squeeze %dma_wait3A_250 : memref<1x128x32xf32, #tpu.memory_space<vmem>> -> memref<128x32xf32, #tpu.memory_space<vmem>>
        %dma_wait3A_252 = arith.constant 0 : i32
        %dma_wait3A_253 = tpu.memref_slice %arg8[%add3A_124, %dma_wait3A_252] : memref<80x128xi32, #tpu.memory_space<vmem>> -> memref<1x128xi32, #tpu.memory_space<vmem>>
        %dma_wait3A_254 = tpu.memref_squeeze %dma_wait3A_253 : memref<1x128xi32, #tpu.memory_space<vmem>> -> memref<128xi32, #tpu.memory_space<vmem>>
        %dma_wait3A_255 = arith.constant 0 : i32
        %dma_wait3A_256 = arith.constant 0 : i32
        %dma_wait3A_257 = tpu.memref_slice %arg10[%dma_wait3A_255, %dma_wait3A_256] : memref<10240x32xf32, #tpu.memory_space<vmem_shared>> -> memref<10240x32xf32, #tpu.memory_space<vmem_shared>>
        tpu.wait_indirect_dma semaphore(%run_scoped3A_237 : memref<!tpu.dma_semaphore, #tpu.memory_space<semaphore_mem>>) src(%dma_wait3A_251 : memref<128x32xf32, #tpu.memory_space<vmem>>) dst(%dma_wait3A_257 : memref<10240x32xf32, #tpu.memory_space<vmem_shared>>)
        tpu.yield
      }) : () -> ()
      %add3A_137 = arith.constant 4 : i32
      %add3A_138 = arith.addi %add3A_124, %add3A_137 : i32
      %dma_start3A_139 = arith.constant 0 : i32
      %dma_start3A_140 = arith.constant 0 : i32
      %dma_start3A_141 = arith.constant 0 : i32
      %dma_start3A_142 = tpu.memref_slice %arg9[%dma_start3A_139, %dma_start3A_140, %dma_start3A_141] : memref<4x128x32xf32, #tpu.memory_space<vmem>> -> memref<1x128x32xf32, #tpu.memory_space<vmem>>
      %dma_start3A_143 = tpu.memref_squeeze %dma_start3A_142 : memref<1x128x32xf32, #tpu.memory_space<vmem>> -> memref<128x32xf32, #tpu.memory_space<vmem>>
      %dma_start3A_144 = arith.constant 0 : i32
      %dma_start3A_145 = tpu.memref_slice %arg7[%add3A_138, %dma_start3A_144] : memref<80x128xi32, #tpu.memory_space<vmem>> -> memref<1x128xi32, #tpu.memory_space<vmem>>
      %dma_start3A_146 = tpu.memref_squeeze %dma_start3A_145 : memref<1x128xi32, #tpu.memory_space<vmem>> -> memref<128xi32, #tpu.memory_space<vmem>>
      %dma_start3A_147 = arith.constant 0 : i32
      %dma_start3A_148 = arith.constant 0 : i32
      %dma_start3A_149 = tpu.memref_slice %arg2[%dma_start3A_147, %dma_start3A_148] : memref<10240x32xf32, #tpu.memory_space<hbm>> -> memref<10240x32xf32, #tpu.memory_space<hbm>>
      tpu.enqueue_indirect_dma source(%dma_start3A_149 : memref<10240x32xf32, #tpu.memory_space<hbm>>) target(%dma_start3A_143 : memref<128x32xf32, #tpu.memory_space<vmem>>) offsets(%dma_start3A_146 : memref<128xi32, #tpu.memory_space<vmem>>) semaphore(%arg11 : memref<!tpu.dma_semaphore, #tpu.memory_space<semaphore_mem>>)
      %mul3A_150 = arith.constant 4 : i32
      %mul3A_151 = arith.muli %scan3A_120, %mul3A_150 : i32
      %add3A_152 = arith.constant 1 : i32
      %add3A_153 = arith.addi %mul3A_151, %add3A_152 : i32
      %dma_wait3A_154 = arith.constant 1 : i32
      %dma_wait3A_155 = arith.constant 0 : i32
      %dma_wait3A_156 = arith.constant 0 : i32
      %dma_wait3A_157 = tpu.memref_slice %arg9[%dma_wait3A_154, %dma_wait3A_155, %dma_wait3A_156] : memref<4x128x32xf32, #tpu.memory_space<vmem>> -> memref<1x128x32xf32, #tpu.memory_space<vmem>>
      %dma_wait3A_158 = tpu.memref_squeeze %dma_wait3A_157 : memref<1x128x32xf32, #tpu.memory_space<vmem>> -> memref<128x32xf32, #tpu.memory_space<vmem>>
      %dma_wait3A_159 = arith.constant 0 : i32
      %dma_wait3A_160 = tpu.memref_slice %arg7[%add3A_153, %dma_wait3A_159] : memref<80x128xi32, #tpu.memory_space<vmem>> -> memref<1x128xi32, #tpu.memory_space<vmem>>
      %dma_wait3A_161 = tpu.memref_squeeze %dma_wait3A_160 : memref<1x128xi32, #tpu.memory_space<vmem>> -> memref<128xi32, #tpu.memory_space<vmem>>
      %dma_wait3A_162 = arith.constant 0 : i32
      %dma_wait3A_163 = arith.constant 0 : i32
      %dma_wait3A_164 = tpu.memref_slice %arg2[%dma_wait3A_162, %dma_wait3A_163] : memref<10240x32xf32, #tpu.memory_space<hbm>> -> memref<10240x32xf32, #tpu.memory_space<hbm>>
      tpu.wait_indirect_dma semaphore(%arg12 : memref<!tpu.dma_semaphore, #tpu.memory_space<semaphore_mem>>) src(%dma_wait3A_164 : memref<10240x32xf32, #tpu.memory_space<hbm>>) dst(%dma_wait3A_158 : memref<128x32xf32, #tpu.memory_space<vmem>>)
      %run_scoped3A_165 = arith.constant 1 : i32
      "tpu.region"() ({
        %run_scoped3A_237 = tpu.sem_alloc : memref<!tpu.dma_semaphore, #tpu.memory_space<semaphore_mem>>
        %dma_start3A_238 = arith.constant 0 : i32
        %dma_start3A_239 = arith.constant 0 : i32
        %dma_start3A_240 = tpu.memref_slice %arg9[%run_scoped3A_165, %dma_start3A_238, %dma_start3A_239] : memref<4x128x32xf32, #tpu.memory_space<vmem>> -> memref<1x128x32xf32, #tpu.memory_space<vmem>>
        %dma_start3A_241 = tpu.memref_squeeze %dma_start3A_240 : memref<1x128x32xf32, #tpu.memory_space<vmem>> -> memref<128x32xf32, #tpu.memory_space<vmem>>
        %dma_start3A_242 = arith.constant 0 : i32
        %dma_start3A_243 = tpu.memref_slice %arg8[%add3A_153, %dma_start3A_242] : memref<80x128xi32, #tpu.memory_space<vmem>> -> memref<1x128xi32, #tpu.memory_space<vmem>>
        %dma_start3A_244 = tpu.memref_squeeze %dma_start3A_243 : memref<1x128xi32, #tpu.memory_space<vmem>> -> memref<128xi32, #tpu.memory_space<vmem>>
        %dma_start3A_245 = arith.constant 0 : i32
        %dma_start3A_246 = arith.constant 0 : i32
        %dma_start3A_247 = tpu.memref_slice %arg10[%dma_start3A_245, %dma_start3A_246] : memref<10240x32xf32, #tpu.memory_space<vmem_shared>> -> memref<10240x32xf32, #tpu.memory_space<vmem_shared>>
        tpu.enqueue_indirect_dma source(%dma_start3A_241 : memref<128x32xf32, #tpu.memory_space<vmem>>) target(%dma_start3A_247 : memref<10240x32xf32, #tpu.memory_space<vmem_shared>>) offsets(%dma_start3A_244 : memref<128xi32, #tpu.memory_space<vmem>>) semaphore(%run_scoped3A_237 : memref<!tpu.dma_semaphore, #tpu.memory_space<semaphore_mem>>) {add = true}
        %dma_wait3A_248 = arith.constant 0 : i32
        %dma_wait3A_249 = arith.constant 0 : i32
        %dma_wait3A_250 = tpu.memref_slice %arg9[%run_scoped3A_165, %dma_wait3A_248, %dma_wait3A_249] : memref<4x128x32xf32, #tpu.memory_space<vmem>> -> memref<1x128x32xf32, #tpu.memory_space<vmem>>
        %dma_wait3A_251 = tpu.memref_squeeze %dma_wait3A_250 : memref<1x128x32xf32, #tpu.memory_space<vmem>> -> memref<128x32xf32, #tpu.memory_space<vmem>>
        %dma_wait3A_252 = arith.constant 0 : i32
        %dma_wait3A_253 = tpu.memref_slice %arg8[%add3A_153, %dma_wait3A_252] : memref<80x128xi32, #tpu.memory_space<vmem>> -> memref<1x128xi32, #tpu.memory_space<vmem>>
        %dma_wait3A_254 = tpu.memref_squeeze %dma_wait3A_253 : memref<1x128xi32, #tpu.memory_space<vmem>> -> memref<128xi32, #tpu.memory_space<vmem>>
        %dma_wait3A_255 = arith.constant 0 : i32
        %dma_wait3A_256 = arith.constant 0 : i32
        %dma_wait3A_257 = tpu.memref_slice %arg10[%dma_wait3A_255, %dma_wait3A_256] : memref<10240x32xf32, #tpu.memory_space<vmem_shared>> -> memref<10240x32xf32, #tpu.memory_space<vmem_shared>>
        tpu.wait_indirect_dma semaphore(%run_scoped3A_237 : memref<!tpu.dma_semaphore, #tpu.memory_space<semaphore_mem>>) src(%dma_wait3A_251 : memref<128x32xf32, #tpu.memory_space<vmem>>) dst(%dma_wait3A_257 : memref<10240x32xf32, #tpu.memory_space<vmem_shared>>)
        tpu.yield
      }) : () -> ()
      %add3A_166 = arith.constant 4 : i32
      %add3A_167 = arith.addi %add3A_153, %add3A_166 : i32
      %dma_start3A_168 = arith.constant 1 : i32
      %dma_start3A_169 = arith.constant 0 : i32
      %dma_start3A_170 = arith.constant 0 : i32
      %dma_start3A_171 = tpu.memref_slice %arg9[%dma_start3A_168, %dma_start3A_169, %dma_start3A_170] : memref<4x128x32xf32, #tpu.memory_space<vmem>> -> memref<1x128x32xf32, #tpu.memory_space<vmem>>
      %dma_start3A_172 = tpu.memref_squeeze %dma_start3A_171 : memref<1x128x32xf32, #tpu.memory_space<vmem>> -> memref<128x32xf32, #tpu.memory_space<vmem>>
      %dma_start3A_173 = arith.constant 0 : i32
      %dma_start3A_174 = tpu.memref_slice %arg7[%add3A_167, %dma_start3A_173] : memref<80x128xi32, #tpu.memory_space<vmem>> -> memref<1x128xi32, #tpu.memory_space<vmem>>
      %dma_start3A_175 = tpu.memref_squeeze %dma_start3A_174 : memref<1x128xi32, #tpu.memory_space<vmem>> -> memref<128xi32, #tpu.memory_space<vmem>>
      %dma_start3A_176 = arith.constant 0 : i32
      %dma_start3A_177 = arith.constant 0 : i32
      %dma_start3A_178 = tpu.memref_slice %arg2[%dma_start3A_176, %dma_start3A_177] : memref<10240x32xf32, #tpu.memory_space<hbm>> -> memref<10240x32xf32, #tpu.memory_space<hbm>>
      tpu.enqueue_indirect_dma source(%dma_start3A_178 : memref<10240x32xf32, #tpu.memory_space<hbm>>) target(%dma_start3A_172 : memref<128x32xf32, #tpu.memory_space<vmem>>) offsets(%dma_start3A_175 : memref<128xi32, #tpu.memory_space<vmem>>) semaphore(%arg12 : memref<!tpu.dma_semaphore, #tpu.memory_space<semaphore_mem>>)
      %mul3A_179 = arith.constant 4 : i32
      %mul3A_180 = arith.muli %scan3A_120, %mul3A_179 : i32
      %add3A_181 = arith.constant 2 : i32
      %add3A_182 = arith.addi %mul3A_180, %add3A_181 : i32
      %dma_wait3A_183 = arith.constant 2 : i32
      %dma_wait3A_184 = arith.constant 0 : i32
      %dma_wait3A_185 = arith.constant 0 : i32
      %dma_wait3A_186 = tpu.memref_slice %arg9[%dma_wait3A_183, %dma_wait3A_184, %dma_wait3A_185] : memref<4x128x32xf32, #tpu.memory_space<vmem>> -> memref<1x128x32xf32, #tpu.memory_space<vmem>>
      %dma_wait3A_187 = tpu.memref_squeeze %dma_wait3A_186 : memref<1x128x32xf32, #tpu.memory_space<vmem>> -> memref<128x32xf32, #tpu.memory_space<vmem>>
      %dma_wait3A_188 = arith.constant 0 : i32
      %dma_wait3A_189 = tpu.memref_slice %arg7[%add3A_182, %dma_wait3A_188] : memref<80x128xi32, #tpu.memory_space<vmem>> -> memref<1x128xi32, #tpu.memory_space<vmem>>
      %dma_wait3A_190 = tpu.memref_squeeze %dma_wait3A_189 : memref<1x128xi32, #tpu.memory_space<vmem>> -> memref<128xi32, #tpu.memory_space<vmem>>
      %dma_wait3A_191 = arith.constant 0 : i32
      %dma_wait3A_192 = arith.constant 0 : i32
      %dma_wait3A_193 = tpu.memref_slice %arg2[%dma_wait3A_191, %dma_wait3A_192] : memref<10240x32xf32, #tpu.memory_space<hbm>> -> memref<10240x32xf32, #tpu.memory_space<hbm>>
      tpu.wait_indirect_dma semaphore(%arg13 : memref<!tpu.dma_semaphore, #tpu.memory_space<semaphore_mem>>) src(%dma_wait3A_193 : memref<10240x32xf32, #tpu.memory_space<hbm>>) dst(%dma_wait3A_187 : memref<128x32xf32, #tpu.memory_space<vmem>>)
      %run_scoped3A_194 = arith.constant 2 : i32
      "tpu.region"() ({
        %run_scoped3A_237 = tpu.sem_alloc : memref<!tpu.dma_semaphore, #tpu.memory_space<semaphore_mem>>
        %dma_start3A_238 = arith.constant 0 : i32
        %dma_start3A_239 = arith.constant 0 : i32
        %dma_start3A_240 = tpu.memref_slice %arg9[%run_scoped3A_194, %dma_start3A_238, %dma_start3A_239] : memref<4x128x32xf32, #tpu.memory_space<vmem>> -> memref<1x128x32xf32, #tpu.memory_space<vmem>>
        %dma_start3A_241 = tpu.memref_squeeze %dma_start3A_240 : memref<1x128x32xf32, #tpu.memory_space<vmem>> -> memref<128x32xf32, #tpu.memory_space<vmem>>
        %dma_start3A_242 = arith.constant 0 : i32
        %dma_start3A_243 = tpu.memref_slice %arg8[%add3A_182, %dma_start3A_242] : memref<80x128xi32, #tpu.memory_space<vmem>> -> memref<1x128xi32, #tpu.memory_space<vmem>>
        %dma_start3A_244 = tpu.memref_squeeze %dma_start3A_243 : memref<1x128xi32, #tpu.memory_space<vmem>> -> memref<128xi32, #tpu.memory_space<vmem>>
        %dma_start3A_245 = arith.constant 0 : i32
        %dma_start3A_246 = arith.constant 0 : i32
        %dma_start3A_247 = tpu.memref_slice %arg10[%dma_start3A_245, %dma_start3A_246] : memref<10240x32xf32, #tpu.memory_space<vmem_shared>> -> memref<10240x32xf32, #tpu.memory_space<vmem_shared>>
        tpu.enqueue_indirect_dma source(%dma_start3A_241 : memref<128x32xf32, #tpu.memory_space<vmem>>) target(%dma_start3A_247 : memref<10240x32xf32, #tpu.memory_space<vmem_shared>>) offsets(%dma_start3A_244 : memref<128xi32, #tpu.memory_space<vmem>>) semaphore(%run_scoped3A_237 : memref<!tpu.dma_semaphore, #tpu.memory_space<semaphore_mem>>) {add = true}
        %dma_wait3A_248 = arith.constant 0 : i32
        %dma_wait3A_249 = arith.constant 0 : i32
        %dma_wait3A_250 = tpu.memref_slice %arg9[%run_scoped3A_194, %dma_wait3A_248, %dma_wait3A_249] : memref<4x128x32xf32, #tpu.memory_space<vmem>> -> memref<1x128x32xf32, #tpu.memory_space<vmem>>
        %dma_wait3A_251 = tpu.memref_squeeze %dma_wait3A_250 : memref<1x128x32xf32, #tpu.memory_space<vmem>> -> memref<128x32xf32, #tpu.memory_space<vmem>>
        %dma_wait3A_252 = arith.constant 0 : i32
        %dma_wait3A_253 = tpu.memref_slice %arg8[%add3A_182, %dma_wait3A_252] : memref<80x128xi32, #tpu.memory_space<vmem>> -> memref<1x128xi32, #tpu.memory_space<vmem>>
        %dma_wait3A_254 = tpu.memref_squeeze %dma_wait3A_253 : memref<1x128xi32, #tpu.memory_space<vmem>> -> memref<128xi32, #tpu.memory_space<vmem>>
        %dma_wait3A_255 = arith.constant 0 : i32
        %dma_wait3A_256 = arith.constant 0 : i32
        %dma_wait3A_257 = tpu.memref_slice %arg10[%dma_wait3A_255, %dma_wait3A_256] : memref<10240x32xf32, #tpu.memory_space<vmem_shared>> -> memref<10240x32xf32, #tpu.memory_space<vmem_shared>>
        tpu.wait_indirect_dma semaphore(%run_scoped3A_237 : memref<!tpu.dma_semaphore, #tpu.memory_space<semaphore_mem>>) src(%dma_wait3A_251 : memref<128x32xf32, #tpu.memory_space<vmem>>) dst(%dma_wait3A_257 : memref<10240x32xf32, #tpu.memory_space<vmem_shared>>)
        tpu.yield
      }) : () -> ()
      %add3A_195 = arith.constant 4 : i32
      %add3A_196 = arith.addi %add3A_182, %add3A_195 : i32
      %dma_start3A_197 = arith.constant 2 : i32
      %dma_start3A_198 = arith.constant 0 : i32
      %dma_start3A_199 = arith.constant 0 : i32
      %dma_start3A_200 = tpu.memref_slice %arg9[%dma_start3A_197, %dma_start3A_198, %dma_start3A_199] : memref<4x128x32xf32, #tpu.memory_space<vmem>> -> memref<1x128x32xf32, #tpu.memory_space<vmem>>
      %dma_start3A_201 = tpu.memref_squeeze %dma_start3A_200 : memref<1x128x32xf32, #tpu.memory_space<vmem>> -> memref<128x32xf32, #tpu.memory_space<vmem>>
      %dma_start3A_202 = arith.constant 0 : i32
      %dma_start3A_203 = tpu.memref_slice %arg7[%add3A_196, %dma_start3A_202] : memref<80x128xi32, #tpu.memory_space<vmem>> -> memref<1x128xi32, #tpu.memory_space<vmem>>
      %dma_start3A_204 = tpu.memref_squeeze %dma_start3A_203 : memref<1x128xi32, #tpu.memory_space<vmem>> -> memref<128xi32, #tpu.memory_space<vmem>>
      %dma_start3A_205 = arith.constant 0 : i32
      %dma_start3A_206 = arith.constant 0 : i32
      %dma_start3A_207 = tpu.memref_slice %arg2[%dma_start3A_205, %dma_start3A_206] : memref<10240x32xf32, #tpu.memory_space<hbm>> -> memref<10240x32xf32, #tpu.memory_space<hbm>>
      tpu.enqueue_indirect_dma source(%dma_start3A_207 : memref<10240x32xf32, #tpu.memory_space<hbm>>) target(%dma_start3A_201 : memref<128x32xf32, #tpu.memory_space<vmem>>) offsets(%dma_start3A_204 : memref<128xi32, #tpu.memory_space<vmem>>) semaphore(%arg13 : memref<!tpu.dma_semaphore, #tpu.memory_space<semaphore_mem>>)
      %mul3A_208 = arith.constant 4 : i32
      %mul3A_209 = arith.muli %scan3A_120, %mul3A_208 : i32
      %add3A_210 = arith.constant 3 : i32
      %add3A_211 = arith.addi %mul3A_209, %add3A_210 : i32
      %dma_wait3A_212 = arith.constant 3 : i32
      %dma_wait3A_213 = arith.constant 0 : i32
      %dma_wait3A_214 = arith.constant 0 : i32
      %dma_wait3A_215 = tpu.memref_slice %arg9[%dma_wait3A_212, %dma_wait3A_213, %dma_wait3A_214] : memref<4x128x32xf32, #tpu.memory_space<vmem>> -> memref<1x128x32xf32, #tpu.memory_space<vmem>>
      %dma_wait3A_216 = tpu.memref_squeeze %dma_wait3A_215 : memref<1x128x32xf32, #tpu.memory_space<vmem>> -> memref<128x32xf32, #tpu.memory_space<vmem>>
      %dma_wait3A_217 = arith.constant 0 : i32
      %dma_wait3A_218 = tpu.memref_slice %arg7[%add3A_211, %dma_wait3A_217] : memref<80x128xi32, #tpu.memory_space<vmem>> -> memref<1x128xi32, #tpu.memory_space<vmem>>
      %dma_wait3A_219 = tpu.memref_squeeze %dma_wait3A_218 : memref<1x128xi32, #tpu.memory_space<vmem>> -> memref<128xi32, #tpu.memory_space<vmem>>
      %dma_wait3A_220 = arith.constant 0 : i32
      %dma_wait3A_221 = arith.constant 0 : i32
      %dma_wait3A_222 = tpu.memref_slice %arg2[%dma_wait3A_220, %dma_wait3A_221] : memref<10240x32xf32, #tpu.memory_space<hbm>> -> memref<10240x32xf32, #tpu.memory_space<hbm>>
      tpu.wait_indirect_dma semaphore(%arg14 : memref<!tpu.dma_semaphore, #tpu.memory_space<semaphore_mem>>) src(%dma_wait3A_222 : memref<10240x32xf32, #tpu.memory_space<hbm>>) dst(%dma_wait3A_216 : memref<128x32xf32, #tpu.memory_space<vmem>>)
      %run_scoped3A_223 = arith.constant 3 : i32
      "tpu.region"() ({
        %run_scoped3A_237 = tpu.sem_alloc : memref<!tpu.dma_semaphore, #tpu.memory_space<semaphore_mem>>
        %dma_start3A_238 = arith.constant 0 : i32
        %dma_start3A_239 = arith.constant 0 : i32
        %dma_start3A_240 = tpu.memref_slice %arg9[%run_scoped3A_223, %dma_start3A_238, %dma_start3A_239] : memref<4x128x32xf32, #tpu.memory_space<vmem>> -> memref<1x128x32xf32, #tpu.memory_space<vmem>>
        %dma_start3A_241 = tpu.memref_squeeze %dma_start3A_240 : memref<1x128x32xf32, #tpu.memory_space<vmem>> -> memref<128x32xf32, #tpu.memory_space<vmem>>
        %dma_start3A_242 = arith.constant 0 : i32
        %dma_start3A_243 = tpu.memref_slice %arg8[%add3A_211, %dma_start3A_242] : memref<80x128xi32, #tpu.memory_space<vmem>> -> memref<1x128xi32, #tpu.memory_space<vmem>>
        %dma_start3A_244 = tpu.memref_squeeze %dma_start3A_243 : memref<1x128xi32, #tpu.memory_space<vmem>> -> memref<128xi32, #tpu.memory_space<vmem>>
        %dma_start3A_245 = arith.constant 0 : i32
        %dma_start3A_246 = arith.constant 0 : i32
        %dma_start3A_247 = tpu.memref_slice %arg10[%dma_start3A_245, %dma_start3A_246] : memref<10240x32xf32, #tpu.memory_space<vmem_shared>> -> memref<10240x32xf32, #tpu.memory_space<vmem_shared>>
        tpu.enqueue_indirect_dma source(%dma_start3A_241 : memref<128x32xf32, #tpu.memory_space<vmem>>) target(%dma_start3A_247 : memref<10240x32xf32, #tpu.memory_space<vmem_shared>>) offsets(%dma_start3A_244 : memref<128xi32, #tpu.memory_space<vmem>>) semaphore(%run_scoped3A_237 : memref<!tpu.dma_semaphore, #tpu.memory_space<semaphore_mem>>) {add = true}
        %dma_wait3A_248 = arith.constant 0 : i32
        %dma_wait3A_249 = arith.constant 0 : i32
        %dma_wait3A_250 = tpu.memref_slice %arg9[%run_scoped3A_223, %dma_wait3A_248, %dma_wait3A_249] : memref<4x128x32xf32, #tpu.memory_space<vmem>> -> memref<1x128x32xf32, #tpu.memory_space<vmem>>
        %dma_wait3A_251 = tpu.memref_squeeze %dma_wait3A_250 : memref<1x128x32xf32, #tpu.memory_space<vmem>> -> memref<128x32xf32, #tpu.memory_space<vmem>>
        %dma_wait3A_252 = arith.constant 0 : i32
        %dma_wait3A_253 = tpu.memref_slice %arg8[%add3A_211, %dma_wait3A_252] : memref<80x128xi32, #tpu.memory_space<vmem>> -> memref<1x128xi32, #tpu.memory_space<vmem>>
        %dma_wait3A_254 = tpu.memref_squeeze %dma_wait3A_253 : memref<1x128xi32, #tpu.memory_space<vmem>> -> memref<128xi32, #tpu.memory_space<vmem>>
        %dma_wait3A_255 = arith.constant 0 : i32
        %dma_wait3A_256 = arith.constant 0 : i32
        %dma_wait3A_257 = tpu.memref_slice %arg10[%dma_wait3A_255, %dma_wait3A_256] : memref<10240x32xf32, #tpu.memory_space<vmem_shared>> -> memref<10240x32xf32, #tpu.memory_space<vmem_shared>>
        tpu.wait_indirect_dma semaphore(%run_scoped3A_237 : memref<!tpu.dma_semaphore, #tpu.memory_space<semaphore_mem>>) src(%dma_wait3A_251 : memref<128x32xf32, #tpu.memory_space<vmem>>) dst(%dma_wait3A_257 : memref<10240x32xf32, #tpu.memory_space<vmem_shared>>)
        tpu.yield
      }) : () -> ()
      %add3A_224 = arith.constant 4 : i32
      %add3A_225 = arith.addi %add3A_211, %add3A_224 : i32
      %dma_start3A_226 = arith.constant 3 : i32
      %dma_start3A_227 = arith.constant 0 : i32
      %dma_start3A_228 = arith.constant 0 : i32
      %dma_start3A_229 = tpu.memref_slice %arg9[%dma_start3A_226, %dma_start3A_227, %dma_start3A_228] : memref<4x128x32xf32, #tpu.memory_space<vmem>> -> memref<1x128x32xf32, #tpu.memory_space<vmem>>
      %dma_start3A_230 = tpu.memref_squeeze %dma_start3A_229 : memref<1x128x32xf32, #tpu.memory_space<vmem>> -> memref<128x32xf32, #tpu.memory_space<vmem>>
      %dma_start3A_231 = arith.constant 0 : i32
      %dma_start3A_232 = tpu.memref_slice %arg7[%add3A_225, %dma_start3A_231] : memref<80x128xi32, #tpu.memory_space<vmem>> -> memref<1x128xi32, #tpu.memory_space<vmem>>
      %dma_start3A_233 = tpu.memref_squeeze %dma_start3A_232 : memref<1x128xi32, #tpu.memory_space<vmem>> -> memref<128xi32, #tpu.memory_space<vmem>>
      %dma_start3A_234 = arith.constant 0 : i32
      %dma_start3A_235 = arith.constant 0 : i32
      %dma_start3A_236 = tpu.memref_slice %arg2[%dma_start3A_234, %dma_start3A_235] : memref<10240x32xf32, #tpu.memory_space<hbm>> -> memref<10240x32xf32, #tpu.memory_space<hbm>>
      tpu.enqueue_indirect_dma source(%dma_start3A_236 : memref<10240x32xf32, #tpu.memory_space<hbm>>) target(%dma_start3A_230 : memref<128x32xf32, #tpu.memory_space<vmem>>) offsets(%dma_start3A_233 : memref<128xi32, #tpu.memory_space<vmem>>) semaphore(%arg14 : memref<!tpu.dma_semaphore, #tpu.memory_space<semaphore_mem>>)
    }
    %scan3A_60 = arith.constant 19 : i32
    %dma_wait3A = arith.constant 76 : i32
    %dma_wait3A_61 = arith.constant 0 : i32
    %dma_wait3A_62 = arith.constant 0 : i32
    %dma_wait3A_63 = arith.constant 0 : i32
    %dma_wait3A_64 = tpu.memref_slice %arg9[%dma_wait3A_61, %dma_wait3A_62, %dma_wait3A_63] : memref<4x128x32xf32, #tpu.memory_space<vmem>> -> memref<1x128x32xf32, #tpu.memory_space<vmem>>
    %dma_wait3A_65 = tpu.memref_squeeze %dma_wait3A_64 : memref<1x128x32xf32, #tpu.memory_space<vmem>> -> memref<128x32xf32, #tpu.memory_space<vmem>>
    %dma_wait3A_66 = arith.constant 0 : i32
    %dma_wait3A_67 = tpu.memref_slice %arg7[%dma_wait3A, %dma_wait3A_66] : memref<80x128xi32, #tpu.memory_space<vmem>> -> memref<1x128xi32, #tpu.memory_space<vmem>>
    %dma_wait3A_68 = tpu.memref_squeeze %dma_wait3A_67 : memref<1x128xi32, #tpu.memory_space<vmem>> -> memref<128xi32, #tpu.memory_space<vmem>>
    %dma_wait3A_69 = arith.constant 0 : i32
    %dma_wait3A_70 = arith.constant 0 : i32
    %dma_wait3A_71 = tpu.memref_slice %arg2[%dma_wait3A_69, %dma_wait3A_70] : memref<10240x32xf32, #tpu.memory_space<hbm>> -> memref<10240x32xf32, #tpu.memory_space<hbm>>
    tpu.wait_indirect_dma semaphore(%arg11 : memref<!tpu.dma_semaphore, #tpu.memory_space<semaphore_mem>>) src(%dma_wait3A_71 : memref<10240x32xf32, #tpu.memory_space<hbm>>) dst(%dma_wait3A_65 : memref<128x32xf32, #tpu.memory_space<vmem>>)
    %run_scoped3A = arith.constant 0 : i32
    %run_scoped3A_72 = arith.constant 76 : i32
    "tpu.region"() ({
      %run_scoped3A_120 = tpu.sem_alloc : memref<!tpu.dma_semaphore, #tpu.memory_space<semaphore_mem>>
      %dma_start3A_121 = arith.constant 0 : i32
      %dma_start3A_122 = arith.constant 0 : i32
      %dma_start3A_123 = tpu.memref_slice %arg9[%run_scoped3A, %dma_start3A_121, %dma_start3A_122] : memref<4x128x32xf32, #tpu.memory_space<vmem>> -> memref<1x128x32xf32, #tpu.memory_space<vmem>>
      %dma_start3A_124 = tpu.memref_squeeze %dma_start3A_123 : memref<1x128x32xf32, #tpu.memory_space<vmem>> -> memref<128x32xf32, #tpu.memory_space<vmem>>
      %dma_start3A_125 = arith.constant 0 : i32
      %dma_start3A_126 = tpu.memref_slice %arg8[%run_scoped3A_72, %dma_start3A_125] : memref<80x128xi32, #tpu.memory_space<vmem>> -> memref<1x128xi32, #tpu.memory_space<vmem>>
      %dma_start3A_127 = tpu.memref_squeeze %dma_start3A_126 : memref<1x128xi32, #tpu.memory_space<vmem>> -> memref<128xi32, #tpu.memory_space<vmem>>
      %dma_start3A_128 = arith.constant 0 : i32
      %dma_start3A_129 = arith.constant 0 : i32
      %dma_start3A_130 = tpu.memref_slice %arg10[%dma_start3A_128, %dma_start3A_129] : memref<10240x32xf32, #tpu.memory_space<vmem_shared>> -> memref<10240x32xf32, #tpu.memory_space<vmem_shared>>
      tpu.enqueue_indirect_dma source(%dma_start3A_124 : memref<128x32xf32, #tpu.memory_space<vmem>>) target(%dma_start3A_130 : memref<10240x32xf32, #tpu.memory_space<vmem_shared>>) offsets(%dma_start3A_127 : memref<128xi32, #tpu.memory_space<vmem>>) semaphore(%run_scoped3A_120 : memref<!tpu.dma_semaphore, #tpu.memory_space<semaphore_mem>>) {add = true}
      %dma_wait3A_131 = arith.constant 0 : i32
      %dma_wait3A_132 = arith.constant 0 : i32
      %dma_wait3A_133 = tpu.memref_slice %arg9[%run_scoped3A, %dma_wait3A_131, %dma_wait3A_132] : memref<4x128x32xf32, #tpu.memory_space<vmem>> -> memref<1x128x32xf32, #tpu.memory_space<vmem>>
      %dma_wait3A_134 = tpu.memref_squeeze %dma_wait3A_133 : memref<1x128x32xf32, #tpu.memory_space<vmem>> -> memref<128x32xf32, #tpu.memory_space<vmem>>
      %dma_wait3A_135 = arith.constant 0 : i32
      %dma_wait3A_136 = tpu.memref_slice %arg8[%run_scoped3A_72, %dma_wait3A_135] : memref<80x128xi32, #tpu.memory_space<vmem>> -> memref<1x128xi32, #tpu.memory_space<vmem>>
      %dma_wait3A_137 = tpu.memref_squeeze %dma_wait3A_136 : memref<1x128xi32, #tpu.memory_space<vmem>> -> memref<128xi32, #tpu.memory_space<vmem>>
      %dma_wait3A_138 = arith.constant 0 : i32
      %dma_wait3A_139 = arith.constant 0 : i32
      %dma_wait3A_140 = tpu.memref_slice %arg10[%dma_wait3A_138, %dma_wait3A_139] : memref<10240x32xf32, #tpu.memory_space<vmem_shared>> -> memref<10240x32xf32, #tpu.memory_space<vmem_shared>>
      tpu.wait_indirect_dma semaphore(%run_scoped3A_120 : memref<!tpu.dma_semaphore, #tpu.memory_space<semaphore_mem>>) src(%dma_wait3A_134 : memref<128x32xf32, #tpu.memory_space<vmem>>) dst(%dma_wait3A_140 : memref<10240x32xf32, #tpu.memory_space<vmem_shared>>)
      tpu.yield
    }) : () -> ()
    %dma_wait3A_73 = arith.constant 77 : i32
    %dma_wait3A_74 = arith.constant 1 : i32
    %dma_wait3A_75 = arith.constant 0 : i32
    %dma_wait3A_76 = arith.constant 0 : i32
    %dma_wait3A_77 = tpu.memref_slice %arg9[%dma_wait3A_74, %dma_wait3A_75, %dma_wait3A_76] : memref<4x128x32xf32, #tpu.memory_space<vmem>> -> memref<1x128x32xf32, #tpu.memory_space<vmem>>
    %dma_wait3A_78 = tpu.memref_squeeze %dma_wait3A_77 : memref<1x128x32xf32, #tpu.memory_space<vmem>> -> memref<128x32xf32, #tpu.memory_space<vmem>>
    %dma_wait3A_79 = arith.constant 0 : i32
    %dma_wait3A_80 = tpu.memref_slice %arg7[%dma_wait3A_73, %dma_wait3A_79] : memref<80x128xi32, #tpu.memory_space<vmem>> -> memref<1x128xi32, #tpu.memory_space<vmem>>
    %dma_wait3A_81 = tpu.memref_squeeze %dma_wait3A_80 : memref<1x128xi32, #tpu.memory_space<vmem>> -> memref<128xi32, #tpu.memory_space<vmem>>
    %dma_wait3A_82 = arith.constant 0 : i32
    %dma_wait3A_83 = arith.constant 0 : i32
    %dma_wait3A_84 = tpu.memref_slice %arg2[%dma_wait3A_82, %dma_wait3A_83] : memref<10240x32xf32, #tpu.memory_space<hbm>> -> memref<10240x32xf32, #tpu.memory_space<hbm>>
    tpu.wait_indirect_dma semaphore(%arg12 : memref<!tpu.dma_semaphore, #tpu.memory_space<semaphore_mem>>) src(%dma_wait3A_84 : memref<10240x32xf32, #tpu.memory_space<hbm>>) dst(%dma_wait3A_78 : memref<128x32xf32, #tpu.memory_space<vmem>>)
    %run_scoped3A_85 = arith.constant 1 : i32
    %run_scoped3A_86 = arith.constant 77 : i32
    "tpu.region"() ({
      %run_scoped3A_120 = tpu.sem_alloc : memref<!tpu.dma_semaphore, #tpu.memory_space<semaphore_mem>>
      %dma_start3A_121 = arith.constant 0 : i32
      %dma_start3A_122 = arith.constant 0 : i32
      %dma_start3A_123 = tpu.memref_slice %arg9[%run_scoped3A_85, %dma_start3A_121, %dma_start3A_122] : memref<4x128x32xf32, #tpu.memory_space<vmem>> -> memref<1x128x32xf32, #tpu.memory_space<vmem>>
      %dma_start3A_124 = tpu.memref_squeeze %dma_start3A_123 : memref<1x128x32xf32, #tpu.memory_space<vmem>> -> memref<128x32xf32, #tpu.memory_space<vmem>>
      %dma_start3A_125 = arith.constant 0 : i32
      %dma_start3A_126 = tpu.memref_slice %arg8[%run_scoped3A_86, %dma_start3A_125] : memref<80x128xi32, #tpu.memory_space<vmem>> -> memref<1x128xi32, #tpu.memory_space<vmem>>
      %dma_start3A_127 = tpu.memref_squeeze %dma_start3A_126 : memref<1x128xi32, #tpu.memory_space<vmem>> -> memref<128xi32, #tpu.memory_space<vmem>>
      %dma_start3A_128 = arith.constant 0 : i32
      %dma_start3A_129 = arith.constant 0 : i32
      %dma_start3A_130 = tpu.memref_slice %arg10[%dma_start3A_128, %dma_start3A_129] : memref<10240x32xf32, #tpu.memory_space<vmem_shared>> -> memref<10240x32xf32, #tpu.memory_space<vmem_shared>>
      tpu.enqueue_indirect_dma source(%dma_start3A_124 : memref<128x32xf32, #tpu.memory_space<vmem>>) target(%dma_start3A_130 : memref<10240x32xf32, #tpu.memory_space<vmem_shared>>) offsets(%dma_start3A_127 : memref<128xi32, #tpu.memory_space<vmem>>) semaphore(%run_scoped3A_120 : memref<!tpu.dma_semaphore, #tpu.memory_space<semaphore_mem>>) {add = true}
      %dma_wait3A_131 = arith.constant 0 : i32
      %dma_wait3A_132 = arith.constant 0 : i32
      %dma_wait3A_133 = tpu.memref_slice %arg9[%run_scoped3A_85, %dma_wait3A_131, %dma_wait3A_132] : memref<4x128x32xf32, #tpu.memory_space<vmem>> -> memref<1x128x32xf32, #tpu.memory_space<vmem>>
      %dma_wait3A_134 = tpu.memref_squeeze %dma_wait3A_133 : memref<1x128x32xf32, #tpu.memory_space<vmem>> -> memref<128x32xf32, #tpu.memory_space<vmem>>
      %dma_wait3A_135 = arith.constant 0 : i32
      %dma_wait3A_136 = tpu.memref_slice %arg8[%run_scoped3A_86, %dma_wait3A_135] : memref<80x128xi32, #tpu.memory_space<vmem>> -> memref<1x128xi32, #tpu.memory_space<vmem>>
      %dma_wait3A_137 = tpu.memref_squeeze %dma_wait3A_136 : memref<1x128xi32, #tpu.memory_space<vmem>> -> memref<128xi32, #tpu.memory_space<vmem>>
      %dma_wait3A_138 = arith.constant 0 : i32
      %dma_wait3A_139 = arith.constant 0 : i32
      %dma_wait3A_140 = tpu.memref_slice %arg10[%dma_wait3A_138, %dma_wait3A_139] : memref<10240x32xf32, #tpu.memory_space<vmem_shared>> -> memref<10240x32xf32, #tpu.memory_space<vmem_shared>>
      tpu.wait_indirect_dma semaphore(%run_scoped3A_120 : memref<!tpu.dma_semaphore, #tpu.memory_space<semaphore_mem>>) src(%dma_wait3A_134 : memref<128x32xf32, #tpu.memory_space<vmem>>) dst(%dma_wait3A_140 : memref<10240x32xf32, #tpu.memory_space<vmem_shared>>)
      tpu.yield
    }) : () -> ()
    %dma_wait3A_87 = arith.constant 78 : i32
    %dma_wait3A_88 = arith.constant 2 : i32
    %dma_wait3A_89 = arith.constant 0 : i32
    %dma_wait3A_90 = arith.constant 0 : i32
    %dma_wait3A_91 = tpu.memref_slice %arg9[%dma_wait3A_88, %dma_wait3A_89, %dma_wait3A_90] : memref<4x128x32xf32, #tpu.memory_space<vmem>> -> memref<1x128x32xf32, #tpu.memory_space<vmem>>
    %dma_wait3A_92 = tpu.memref_squeeze %dma_wait3A_91 : memref<1x128x32xf32, #tpu.memory_space<vmem>> -> memref<128x32xf32, #tpu.memory_space<vmem>>
    %dma_wait3A_93 = arith.constant 0 : i32
    %dma_wait3A_94 = tpu.memref_slice %arg7[%dma_wait3A_87, %dma_wait3A_93] : memref<80x128xi32, #tpu.memory_space<vmem>> -> memref<1x128xi32, #tpu.memory_space<vmem>>
    %dma_wait3A_95 = tpu.memref_squeeze %dma_wait3A_94 : memref<1x128xi32, #tpu.memory_space<vmem>> -> memref<128xi32, #tpu.memory_space<vmem>>
    %dma_wait3A_96 = arith.constant 0 : i32
    %dma_wait3A_97 = arith.constant 0 : i32
    %dma_wait3A_98 = tpu.memref_slice %arg2[%dma_wait3A_96, %dma_wait3A_97] : memref<10240x32xf32, #tpu.memory_space<hbm>> -> memref<10240x32xf32, #tpu.memory_space<hbm>>
    tpu.wait_indirect_dma semaphore(%arg13 : memref<!tpu.dma_semaphore, #tpu.memory_space<semaphore_mem>>) src(%dma_wait3A_98 : memref<10240x32xf32, #tpu.memory_space<hbm>>) dst(%dma_wait3A_92 : memref<128x32xf32, #tpu.memory_space<vmem>>)
    %run_scoped3A_99 = arith.constant 2 : i32
    %run_scoped3A_100 = arith.constant 78 : i32
    "tpu.region"() ({
      %run_scoped3A_120 = tpu.sem_alloc : memref<!tpu.dma_semaphore, #tpu.memory_space<semaphore_mem>>
      %dma_start3A_121 = arith.constant 0 : i32
      %dma_start3A_122 = arith.constant 0 : i32
      %dma_start3A_123 = tpu.memref_slice %arg9[%run_scoped3A_99, %dma_start3A_121, %dma_start3A_122] : memref<4x128x32xf32, #tpu.memory_space<vmem>> -> memref<1x128x32xf32, #tpu.memory_space<vmem>>
      %dma_start3A_124 = tpu.memref_squeeze %dma_start3A_123 : memref<1x128x32xf32, #tpu.memory_space<vmem>> -> memref<128x32xf32, #tpu.memory_space<vmem>>
      %dma_start3A_125 = arith.constant 0 : i32
      %dma_start3A_126 = tpu.memref_slice %arg8[%run_scoped3A_100, %dma_start3A_125] : memref<80x128xi32, #tpu.memory_space<vmem>> -> memref<1x128xi32, #tpu.memory_space<vmem>>
      %dma_start3A_127 = tpu.memref_squeeze %dma_start3A_126 : memref<1x128xi32, #tpu.memory_space<vmem>> -> memref<128xi32, #tpu.memory_space<vmem>>
      %dma_start3A_128 = arith.constant 0 : i32
      %dma_start3A_129 = arith.constant 0 : i32
      %dma_start3A_130 = tpu.memref_slice %arg10[%dma_start3A_128, %dma_start3A_129] : memref<10240x32xf32, #tpu.memory_space<vmem_shared>> -> memref<10240x32xf32, #tpu.memory_space<vmem_shared>>
      tpu.enqueue_indirect_dma source(%dma_start3A_124 : memref<128x32xf32, #tpu.memory_space<vmem>>) target(%dma_start3A_130 : memref<10240x32xf32, #tpu.memory_space<vmem_shared>>) offsets(%dma_start3A_127 : memref<128xi32, #tpu.memory_space<vmem>>) semaphore(%run_scoped3A_120 : memref<!tpu.dma_semaphore, #tpu.memory_space<semaphore_mem>>) {add = true}
      %dma_wait3A_131 = arith.constant 0 : i32
      %dma_wait3A_132 = arith.constant 0 : i32
      %dma_wait3A_133 = tpu.memref_slice %arg9[%run_scoped3A_99, %dma_wait3A_131, %dma_wait3A_132] : memref<4x128x32xf32, #tpu.memory_space<vmem>> -> memref<1x128x32xf32, #tpu.memory_space<vmem>>
      %dma_wait3A_134 = tpu.memref_squeeze %dma_wait3A_133 : memref<1x128x32xf32, #tpu.memory_space<vmem>> -> memref<128x32xf32, #tpu.memory_space<vmem>>
      %dma_wait3A_135 = arith.constant 0 : i32
      %dma_wait3A_136 = tpu.memref_slice %arg8[%run_scoped3A_100, %dma_wait3A_135] : memref<80x128xi32, #tpu.memory_space<vmem>> -> memref<1x128xi32, #tpu.memory_space<vmem>>
      %dma_wait3A_137 = tpu.memref_squeeze %dma_wait3A_136 : memref<1x128xi32, #tpu.memory_space<vmem>> -> memref<128xi32, #tpu.memory_space<vmem>>
      %dma_wait3A_138 = arith.constant 0 : i32
      %dma_wait3A_139 = arith.constant 0 : i32
      %dma_wait3A_140 = tpu.memref_slice %arg10[%dma_wait3A_138, %dma_wait3A_139] : memref<10240x32xf32, #tpu.memory_space<vmem_shared>> -> memref<10240x32xf32, #tpu.memory_space<vmem_shared>>
      tpu.wait_indirect_dma semaphore(%run_scoped3A_120 : memref<!tpu.dma_semaphore, #tpu.memory_space<semaphore_mem>>) src(%dma_wait3A_134 : memref<128x32xf32, #tpu.memory_space<vmem>>) dst(%dma_wait3A_140 : memref<10240x32xf32, #tpu.memory_space<vmem_shared>>)
      tpu.yield
    }) : () -> ()
    %dma_wait3A_101 = arith.constant 79 : i32
    %dma_wait3A_102 = arith.constant 3 : i32
    %dma_wait3A_103 = arith.constant 0 : i32
    %dma_wait3A_104 = arith.constant 0 : i32
    %dma_wait3A_105 = tpu.memref_slice %arg9[%dma_wait3A_102, %dma_wait3A_103, %dma_wait3A_104] : memref<4x128x32xf32, #tpu.memory_space<vmem>> -> memref<1x128x32xf32, #tpu.memory_space<vmem>>
    %dma_wait3A_106 = tpu.memref_squeeze %dma_wait3A_105 : memref<1x128x32xf32, #tpu.memory_space<vmem>> -> memref<128x32xf32, #tpu.memory_space<vmem>>
    %dma_wait3A_107 = arith.constant 0 : i32
    %dma_wait3A_108 = tpu.memref_slice %arg7[%dma_wait3A_101, %dma_wait3A_107] : memref<80x128xi32, #tpu.memory_space<vmem>> -> memref<1x128xi32, #tpu.memory_space<vmem>>
    %dma_wait3A_109 = tpu.memref_squeeze %dma_wait3A_108 : memref<1x128xi32, #tpu.memory_space<vmem>> -> memref<128xi32, #tpu.memory_space<vmem>>
    %dma_wait3A_110 = arith.constant 0 : i32
    %dma_wait3A_111 = arith.constant 0 : i32
    %dma_wait3A_112 = tpu.memref_slice %arg2[%dma_wait3A_110, %dma_wait3A_111] : memref<10240x32xf32, #tpu.memory_space<hbm>> -> memref<10240x32xf32, #tpu.memory_space<hbm>>
    tpu.wait_indirect_dma semaphore(%arg14 : memref<!tpu.dma_semaphore, #tpu.memory_space<semaphore_mem>>) src(%dma_wait3A_112 : memref<10240x32xf32, #tpu.memory_space<hbm>>) dst(%dma_wait3A_106 : memref<128x32xf32, #tpu.memory_space<vmem>>)
    %run_scoped3A_113 = arith.constant 3 : i32
    %run_scoped3A_114 = arith.constant 79 : i32
    "tpu.region"() ({
      %run_scoped3A_120 = tpu.sem_alloc : memref<!tpu.dma_semaphore, #tpu.memory_space<semaphore_mem>>
      %dma_start3A_121 = arith.constant 0 : i32
      %dma_start3A_122 = arith.constant 0 : i32
      %dma_start3A_123 = tpu.memref_slice %arg9[%run_scoped3A_113, %dma_start3A_121, %dma_start3A_122] : memref<4x128x32xf32, #tpu.memory_space<vmem>> -> memref<1x128x32xf32, #tpu.memory_space<vmem>>
      %dma_start3A_124 = tpu.memref_squeeze %dma_start3A_123 : memref<1x128x32xf32, #tpu.memory_space<vmem>> -> memref<128x32xf32, #tpu.memory_space<vmem>>
      %dma_start3A_125 = arith.constant 0 : i32
      %dma_start3A_126 = tpu.memref_slice %arg8[%run_scoped3A_114, %dma_start3A_125] : memref<80x128xi32, #tpu.memory_space<vmem>> -> memref<1x128xi32, #tpu.memory_space<vmem>>
      %dma_start3A_127 = tpu.memref_squeeze %dma_start3A_126 : memref<1x128xi32, #tpu.memory_space<vmem>> -> memref<128xi32, #tpu.memory_space<vmem>>
      %dma_start3A_128 = arith.constant 0 : i32
      %dma_start3A_129 = arith.constant 0 : i32
      %dma_start3A_130 = tpu.memref_slice %arg10[%dma_start3A_128, %dma_start3A_129] : memref<10240x32xf32, #tpu.memory_space<vmem_shared>> -> memref<10240x32xf32, #tpu.memory_space<vmem_shared>>
      tpu.enqueue_indirect_dma source(%dma_start3A_124 : memref<128x32xf32, #tpu.memory_space<vmem>>) target(%dma_start3A_130 : memref<10240x32xf32, #tpu.memory_space<vmem_shared>>) offsets(%dma_start3A_127 : memref<128xi32, #tpu.memory_space<vmem>>) semaphore(%run_scoped3A_120 : memref<!tpu.dma_semaphore, #tpu.memory_space<semaphore_mem>>) {add = true}
      %dma_wait3A_131 = arith.constant 0 : i32
      %dma_wait3A_132 = arith.constant 0 : i32
      %dma_wait3A_133 = tpu.memref_slice %arg9[%run_scoped3A_113, %dma_wait3A_131, %dma_wait3A_132] : memref<4x128x32xf32, #tpu.memory_space<vmem>> -> memref<1x128x32xf32, #tpu.memory_space<vmem>>
      %dma_wait3A_134 = tpu.memref_squeeze %dma_wait3A_133 : memref<1x128x32xf32, #tpu.memory_space<vmem>> -> memref<128x32xf32, #tpu.memory_space<vmem>>
      %dma_wait3A_135 = arith.constant 0 : i32
      %dma_wait3A_136 = tpu.memref_slice %arg8[%run_scoped3A_114, %dma_wait3A_135] : memref<80x128xi32, #tpu.memory_space<vmem>> -> memref<1x128xi32, #tpu.memory_space<vmem>>
      %dma_wait3A_137 = tpu.memref_squeeze %dma_wait3A_136 : memref<1x128xi32, #tpu.memory_space<vmem>> -> memref<128xi32, #tpu.memory_space<vmem>>
      %dma_wait3A_138 = arith.constant 0 : i32
      %dma_wait3A_139 = arith.constant 0 : i32
      %dma_wait3A_140 = tpu.memref_slice %arg10[%dma_wait3A_138, %dma_wait3A_139] : memref<10240x32xf32, #tpu.memory_space<vmem_shared>> -> memref<10240x32xf32, #tpu.memory_space<vmem_shared>>
      tpu.wait_indirect_dma semaphore(%run_scoped3A_120 : memref<!tpu.dma_semaphore, #tpu.memory_space<semaphore_mem>>) src(%dma_wait3A_134 : memref<128x32xf32, #tpu.memory_space<vmem>>) dst(%dma_wait3A_140 : memref<10240x32xf32, #tpu.memory_space<vmem_shared>>)
      tpu.yield
    }) : () -> ()
    %barrier3A_115 = arith.constant 0 : index
    tpu.barrier barrier_id(%barrier3A_115)
    %mul3A_116 = arith.constant 640 : i32
    %mul3A_117 = arith.muli %arg1, %mul3A_116 : i32
    %mul3A_118 = arith.constant 640 : i32
    %mul3A_119 = arith.muli %arg1, %mul3A_118 : i32
    "tpu.region"() ({
      %run_scoped3A_120 = tpu.sem_alloc : memref<!tpu.dma_semaphore, #tpu.memory_space<semaphore_mem>>
      %dma_start3A_121 = arith.constant 0 : i32
      %dma_start3A_122 = tpu.memref_slice %arg6[%arg0, %mul3A_119, %dma_start3A_121] : memref<2x10240x32xf32, #tpu.memory_space<hbm>> -> memref<1x640x32xf32, #tpu.memory_space<hbm>>
      %dma_start3A_123 = tpu.memref_squeeze %dma_start3A_122 : memref<1x640x32xf32, #tpu.memory_space<hbm>> -> memref<640x32xf32, #tpu.memory_space<hbm>>
      %dma_start3A_124 = arith.constant 0 : i32
      %dma_start3A_125 = tpu.memref_slice %arg10[%mul3A_117, %dma_start3A_124] : memref<10240x32xf32, #tpu.memory_space<vmem_shared>> -> memref<640x32xf32, #tpu.memory_space<vmem_shared>>
      tpu.enqueue_dma source(%dma_start3A_125 : memref<640x32xf32, #tpu.memory_space<vmem_shared>>) target(%dma_start3A_123 : memref<640x32xf32, #tpu.memory_space<hbm>>) target_semaphore(%run_scoped3A_120 : memref<!tpu.dma_semaphore, #tpu.memory_space<semaphore_mem>>)
      %dma_wait3A_126 = arith.constant 0 : i32
      %dma_wait3A_127 = tpu.memref_slice %arg6[%arg0, %mul3A_119, %dma_wait3A_126] : memref<2x10240x32xf32, #tpu.memory_space<hbm>> -> memref<1x640x32xf32, #tpu.memory_space<hbm>>
      %dma_wait3A_128 = tpu.memref_squeeze %dma_wait3A_127 : memref<1x640x32xf32, #tpu.memory_space<hbm>> -> memref<640x32xf32, #tpu.memory_space<hbm>>
      %dma_wait3A_129 = arith.constant 0 : i32
      %dma_wait3A_130 = tpu.memref_slice %arg10[%mul3A_117, %dma_wait3A_129] : memref<10240x32xf32, #tpu.memory_space<vmem_shared>> -> memref<640x32xf32, #tpu.memory_space<vmem_shared>>
      tpu.wait_dma2 semaphore(%run_scoped3A_120 : memref<!tpu.dma_semaphore, #tpu.memory_space<semaphore_mem>>) src(%dma_wait3A_130 : memref<640x32xf32, #tpu.memory_space<vmem_shared>>) dst(%dma_wait3A_128 : memref<640x32xf32, #tpu.memory_space<hbm>>)
      tpu.yield
    }) : () -> ()
    return
  }
}

#map = affine_map<(d0, d1) -> (0, 0)>
#map1 = affine_map<(d0, d1) -> (0, 0, 0)>
module attributes {stable_mosaic.version = 14 : i64} {
  func.func @_sc_agg_body(%arg0: i32, %arg1: i32, %arg2: memref<10240x32xf32, #tpu.memory_space<hbm>>, %arg3: memref<2560x128xi32, #tpu.memory_space<hbm>>, %arg4: memref<2560x128xi32, #tpu.memory_space<hbm>>, %arg5: memref<10240x32xf32, #tpu.memory_space<hbm>>, %arg6: memref<2x10240x32xf32, #tpu.memory_space<hbm>>, %arg7: memref<80x128xi32, #tpu.memory_space<vmem>>, %arg8: memref<80x128xi32, #tpu.memory_space<vmem>>, %arg9: memref<4x128x32xf32, #tpu.memory_space<vmem>>, %arg10: memref<10240x32xf32, #tpu.memory_space<vmem_shared>>, %arg11: memref<!tpu.dma_semaphore, #tpu.memory_space<semaphore_mem>>, %arg12: memref<!tpu.dma_semaphore, #tpu.memory_space<semaphore_mem>>, %arg13: memref<!tpu.dma_semaphore, #tpu.memory_space<semaphore_mem>>, %arg14: memref<!tpu.dma_semaphore, #tpu.memory_space<semaphore_mem>>) attributes {dimension_semantics = [#tpu.dimension_semantics<core_parallel>, #tpu.dimension_semantics<subcore_parallel>], iteration_bounds = array<i64: 2, 16>, scalar_prefetch = 0 : i64, scratch_operands = 8 : i64, tpu.core_type = #tpu.core_type<sc_vector_subcore>, window_params = [{transform_indices = #map}, {transform_indices = #map}, {transform_indices = #map}, {transform_indices = #map}, {transform_indices = #map1}]} {
    %mul3A = arith.constant 16 : i32
    %mul3A_0 = arith.muli %arg0, %mul3A : i32
    %add3A = arith.addi %mul3A_0, %arg1 : i32
    %mul3A_1 = arith.constant 640 : i32
    %mul3A_2 = arith.muli %arg1, %mul3A_1 : i32
    %mul3A_3 = arith.constant 640 : i32
    %mul3A_4 = arith.muli %arg1, %mul3A_3 : i32
    "tpu.region"() ({
      %run_scoped3A_120 = tpu.sem_alloc : memref<!tpu.dma_semaphore, #tpu.memory_space<semaphore_mem>>
      %dma_start3A_121 = arith.constant 0 : i32
      %dma_start3A_122 = tpu.memref_slice %arg10[%mul3A_4, %dma_start3A_121] : memref<10240x32xf32, #tpu.memory_space<vmem_shared>> -> memref<640x32xf32, #tpu.memory_space<vmem_shared>>
      %dma_start3A_123 = arith.constant 0 : i32
      %dma_start3A_124 = tpu.memref_slice %arg5[%mul3A_2, %dma_start3A_123] : memref<10240x32xf32, #tpu.memory_space<hbm>> -> memref<640x32xf32, #tpu.memory_space<hbm>>
      tpu.enqueue_dma source(%dma_start3A_124 : memref<640x32xf32, #tpu.memory_space<hbm>>) target(%dma_start3A_122 : memref<640x32xf32, #tpu.memory_space<vmem_shared>>) target_semaphore(%run_scoped3A_120 : memref<!tpu.dma_semaphore, #tpu.memory_space<semaphore_mem>>)
      %dma_wait3A_125 = arith.constant 0 : i32
      %dma_wait3A_126 = tpu.memref_slice %arg10[%mul3A_4, %dma_wait3A_125] : memref<10240x32xf32, #tpu.memory_space<vmem_shared>> -> memref<640x32xf32, #tpu.memory_space<vmem_shared>>
      %dma_wait3A_127 = arith.constant 0 : i32
      %dma_wait3A_128 = tpu.memref_slice %arg5[%mul3A_2, %dma_wait3A_127] : memref<10240x32xf32, #tpu.memory_space<hbm>> -> memref<640x32xf32, #tpu.memory_space<hbm>>
      tpu.wait_dma2 semaphore(%run_scoped3A_120 : memref<!tpu.dma_semaphore, #tpu.memory_space<semaphore_mem>>) src(%dma_wait3A_128 : memref<640x32xf32, #tpu.memory_space<hbm>>) dst(%dma_wait3A_126 : memref<640x32xf32, #tpu.memory_space<vmem_shared>>)
      tpu.yield
    }) : () -> ()
    %mul3A_5 = arith.constant 80 : i32
    %mul3A_6 = arith.muli %add3A, %mul3A_5 : i32
    "tpu.region"() ({
      %run_scoped3A_120 = tpu.sem_alloc : memref<!tpu.dma_semaphore, #tpu.memory_space<semaphore_mem>>
      %dma_start3A_121 = arith.constant 0 : i32
      %dma_start3A_122 = tpu.memref_slice %arg3[%mul3A_6, %dma_start3A_121] : memref<2560x128xi32, #tpu.memory_space<hbm>> -> memref<80x128xi32, #tpu.memory_space<hbm>>
      %dma_start3A_123 = arith.constant 0 : i32
      %dma_start3A_124 = tpu.memref_slice %arg3[%mul3A_6, %dma_start3A_123] : memref<2560x128xi32, #tpu.memory_space<hbm>> -> memref<80x128xi32, #tpu.memory_space<hbm>>
      tpu.enqueue_dma source(%dma_start3A_124 : memref<80x128xi32, #tpu.memory_space<hbm>>) target(%arg7 : memref<80x128xi32, #tpu.memory_space<vmem>>) target_semaphore(%run_scoped3A_120 : memref<!tpu.dma_semaphore, #tpu.memory_space<semaphore_mem>>)
      %dma_wait3A_125 = arith.constant 0 : i32
      %dma_wait3A_126 = tpu.memref_slice %arg3[%mul3A_6, %dma_wait3A_125] : memref<2560x128xi32, #tpu.memory_space<hbm>> -> memref<80x128xi32, #tpu.memory_space<hbm>>
      %dma_wait3A_127 = arith.constant 0 : i32
      %dma_wait3A_128 = tpu.memref_slice %arg3[%mul3A_6, %dma_wait3A_127] : memref<2560x128xi32, #tpu.memory_space<hbm>> -> memref<80x128xi32, #tpu.memory_space<hbm>>
      tpu.wait_dma2 semaphore(%run_scoped3A_120 : memref<!tpu.dma_semaphore, #tpu.memory_space<semaphore_mem>>) src(%dma_wait3A_128 : memref<80x128xi32, #tpu.memory_space<hbm>>) dst(%arg7 : memref<80x128xi32, #tpu.memory_space<vmem>>)
      tpu.yield
    }) : () -> ()
    %mul3A_7 = arith.constant 80 : i32
    %mul3A_8 = arith.muli %add3A, %mul3A_7 : i32
    "tpu.region"() ({
      %run_scoped3A_120 = tpu.sem_alloc : memref<!tpu.dma_semaphore, #tpu.memory_space<semaphore_mem>>
      %dma_start3A_121 = arith.constant 0 : i32
      %dma_start3A_122 = tpu.memref_slice %arg4[%mul3A_8, %dma_start3A_121] : memref<2560x128xi32, #tpu.memory_space<hbm>> -> memref<80x128xi32, #tpu.memory_space<hbm>>
      %dma_start3A_123 = arith.constant 0 : i32
      %dma_start3A_124 = tpu.memref_slice %arg4[%mul3A_8, %dma_start3A_123] : memref<2560x128xi32, #tpu.memory_space<hbm>> -> memref<80x128xi32, #tpu.memory_space<hbm>>
      tpu.enqueue_dma source(%dma_start3A_124 : memref<80x128xi32, #tpu.memory_space<hbm>>) target(%arg8 : memref<80x128xi32, #tpu.memory_space<vmem>>) target_semaphore(%run_scoped3A_120 : memref<!tpu.dma_semaphore, #tpu.memory_space<semaphore_mem>>)
      %dma_wait3A_125 = arith.constant 0 : i32
      %dma_wait3A_126 = tpu.memref_slice %arg4[%mul3A_8, %dma_wait3A_125] : memref<2560x128xi32, #tpu.memory_space<hbm>> -> memref<80x128xi32, #tpu.memory_space<hbm>>
      %dma_wait3A_127 = arith.constant 0 : i32
      %dma_wait3A_128 = tpu.memref_slice %arg4[%mul3A_8, %dma_wait3A_127] : memref<2560x128xi32, #tpu.memory_space<hbm>> -> memref<80x128xi32, #tpu.memory_space<hbm>>
      tpu.wait_dma2 semaphore(%run_scoped3A_120 : memref<!tpu.dma_semaphore, #tpu.memory_space<semaphore_mem>>) src(%dma_wait3A_128 : memref<80x128xi32, #tpu.memory_space<hbm>>) dst(%arg8 : memref<80x128xi32, #tpu.memory_space<vmem>>)
      tpu.yield
    }) : () -> ()
    %barrier3A = arith.constant 0 : index
    tpu.barrier barrier_id(%barrier3A)
    %dma_start3A = arith.constant 0 : i32
    %dma_start3A_9 = arith.constant 0 : i32
    %dma_start3A_10 = arith.constant 0 : i32
    %dma_start3A_11 = arith.constant 0 : i32
    %dma_start3A_12 = tpu.memref_slice %arg9[%dma_start3A_9, %dma_start3A_10, %dma_start3A_11] : memref<4x128x32xf32, #tpu.memory_space<vmem>> -> memref<1x128x32xf32, #tpu.memory_space<vmem>>
    %dma_start3A_13 = tpu.memref_squeeze %dma_start3A_12 : memref<1x128x32xf32, #tpu.memory_space<vmem>> -> memref<128x32xf32, #tpu.memory_space<vmem>>
    %dma_start3A_14 = arith.constant 0 : i32
    %dma_start3A_15 = tpu.memref_slice %arg7[%dma_start3A, %dma_start3A_14] : memref<80x128xi32, #tpu.memory_space<vmem>> -> memref<1x128xi32, #tpu.memory_space<vmem>>
    %dma_start3A_16 = tpu.memref_squeeze %dma_start3A_15 : memref<1x128xi32, #tpu.memory_space<vmem>> -> memref<128xi32, #tpu.memory_space<vmem>>
    %dma_start3A_17 = arith.constant 0 : i32
    %dma_start3A_18 = arith.constant 0 : i32
    %dma_start3A_19 = tpu.memref_slice %arg2[%dma_start3A_17, %dma_start3A_18] : memref<10240x32xf32, #tpu.memory_space<hbm>> -> memref<10240x32xf32, #tpu.memory_space<hbm>>
    tpu.enqueue_indirect_dma source(%dma_start3A_19 : memref<10240x32xf32, #tpu.memory_space<hbm>>) target(%dma_start3A_13 : memref<128x32xf32, #tpu.memory_space<vmem>>) offsets(%dma_start3A_16 : memref<128xi32, #tpu.memory_space<vmem>>) semaphore(%arg11 : memref<!tpu.dma_semaphore, #tpu.memory_space<semaphore_mem>>)
    %dma_start3A_20 = arith.constant 1 : i32
    %dma_start3A_21 = arith.constant 1 : i32
    %dma_start3A_22 = arith.constant 0 : i32
    %dma_start3A_23 = arith.constant 0 : i32
    %dma_start3A_24 = tpu.memref_slice %arg9[%dma_start3A_21, %dma_start3A_22, %dma_start3A_23] : memref<4x128x32xf32, #tpu.memory_space<vmem>> -> memref<1x128x32xf32, #tpu.memory_space<vmem>>
    %dma_start3A_25 = tpu.memref_squeeze %dma_start3A_24 : memref<1x128x32xf32, #tpu.memory_space<vmem>> -> memref<128x32xf32, #tpu.memory_space<vmem>>
    %dma_start3A_26 = arith.constant 0 : i32
    %dma_start3A_27 = tpu.memref_slice %arg7[%dma_start3A_20, %dma_start3A_26] : memref<80x128xi32, #tpu.memory_space<vmem>> -> memref<1x128xi32, #tpu.memory_space<vmem>>
    %dma_start3A_28 = tpu.memref_squeeze %dma_start3A_27 : memref<1x128xi32, #tpu.memory_space<vmem>> -> memref<128xi32, #tpu.memory_space<vmem>>
    %dma_start3A_29 = arith.constant 0 : i32
    %dma_start3A_30 = arith.constant 0 : i32
    %dma_start3A_31 = tpu.memref_slice %arg2[%dma_start3A_29, %dma_start3A_30] : memref<10240x32xf32, #tpu.memory_space<hbm>> -> memref<10240x32xf32, #tpu.memory_space<hbm>>
    tpu.enqueue_indirect_dma source(%dma_start3A_31 : memref<10240x32xf32, #tpu.memory_space<hbm>>) target(%dma_start3A_25 : memref<128x32xf32, #tpu.memory_space<vmem>>) offsets(%dma_start3A_28 : memref<128xi32, #tpu.memory_space<vmem>>) semaphore(%arg12 : memref<!tpu.dma_semaphore, #tpu.memory_space<semaphore_mem>>)
    %dma_start3A_32 = arith.constant 2 : i32
    %dma_start3A_33 = arith.constant 2 : i32
    %dma_start3A_34 = arith.constant 0 : i32
    %dma_start3A_35 = arith.constant 0 : i32
    %dma_start3A_36 = tpu.memref_slice %arg9[%dma_start3A_33, %dma_start3A_34, %dma_start3A_35] : memref<4x128x32xf32, #tpu.memory_space<vmem>> -> memref<1x128x32xf32, #tpu.memory_space<vmem>>
    %dma_start3A_37 = tpu.memref_squeeze %dma_start3A_36 : memref<1x128x32xf32, #tpu.memory_space<vmem>> -> memref<128x32xf32, #tpu.memory_space<vmem>>
    %dma_start3A_38 = arith.constant 0 : i32
    %dma_start3A_39 = tpu.memref_slice %arg7[%dma_start3A_32, %dma_start3A_38] : memref<80x128xi32, #tpu.memory_space<vmem>> -> memref<1x128xi32, #tpu.memory_space<vmem>>
    %dma_start3A_40 = tpu.memref_squeeze %dma_start3A_39 : memref<1x128xi32, #tpu.memory_space<vmem>> -> memref<128xi32, #tpu.memory_space<vmem>>
    %dma_start3A_41 = arith.constant 0 : i32
    %dma_start3A_42 = arith.constant 0 : i32
    %dma_start3A_43 = tpu.memref_slice %arg2[%dma_start3A_41, %dma_start3A_42] : memref<10240x32xf32, #tpu.memory_space<hbm>> -> memref<10240x32xf32, #tpu.memory_space<hbm>>
    tpu.enqueue_indirect_dma source(%dma_start3A_43 : memref<10240x32xf32, #tpu.memory_space<hbm>>) target(%dma_start3A_37 : memref<128x32xf32, #tpu.memory_space<vmem>>) offsets(%dma_start3A_40 : memref<128xi32, #tpu.memory_space<vmem>>) semaphore(%arg13 : memref<!tpu.dma_semaphore, #tpu.memory_space<semaphore_mem>>)
    %dma_start3A_44 = arith.constant 3 : i32
    %dma_start3A_45 = arith.constant 3 : i32
    %dma_start3A_46 = arith.constant 0 : i32
    %dma_start3A_47 = arith.constant 0 : i32
    %dma_start3A_48 = tpu.memref_slice %arg9[%dma_start3A_45, %dma_start3A_46, %dma_start3A_47] : memref<4x128x32xf32, #tpu.memory_space<vmem>> -> memref<1x128x32xf32, #tpu.memory_space<vmem>>
    %dma_start3A_49 = tpu.memref_squeeze %dma_start3A_48 : memref<1x128x32xf32, #tpu.memory_space<vmem>> -> memref<128x32xf32, #tpu.memory_space<vmem>>
    %dma_start3A_50 = arith.constant 0 : i32
    %dma_start3A_51 = tpu.memref_slice %arg7[%dma_start3A_44, %dma_start3A_50] : memref<80x128xi32, #tpu.memory_space<vmem>> -> memref<1x128xi32, #tpu.memory_space<vmem>>
    %dma_start3A_52 = tpu.memref_squeeze %dma_start3A_51 : memref<1x128xi32, #tpu.memory_space<vmem>> -> memref<128xi32, #tpu.memory_space<vmem>>
    %dma_start3A_53 = arith.constant 0 : i32
    %dma_start3A_54 = arith.constant 0 : i32
    %dma_start3A_55 = tpu.memref_slice %arg2[%dma_start3A_53, %dma_start3A_54] : memref<10240x32xf32, #tpu.memory_space<hbm>> -> memref<10240x32xf32, #tpu.memory_space<hbm>>
    tpu.enqueue_indirect_dma source(%dma_start3A_55 : memref<10240x32xf32, #tpu.memory_space<hbm>>) target(%dma_start3A_49 : memref<128x32xf32, #tpu.memory_space<vmem>>) offsets(%dma_start3A_52 : memref<128xi32, #tpu.memory_space<vmem>>) semaphore(%arg14 : memref<!tpu.dma_semaphore, #tpu.memory_space<semaphore_mem>>)
    %scan3A = arith.constant 0 : i32
    %scan3A_56 = arith.constant 0 : i32
    %scan3A_57 = arith.constant 19 : i32
    %scan3A_58 = arith.addi %scan3A_56, %scan3A_57 : i32
    %scan3A_59 = arith.constant 1 : i32
    scf.for %scan3A_120 = %scan3A_56 to %scan3A_58 step %scan3A_59  : i32 {
      %mul3A_121 = arith.constant 4 : i32
      %mul3A_122 = arith.muli %scan3A_120, %mul3A_121 : i32
      %add3A_123 = arith.constant 0 : i32
      %add3A_124 = arith.addi %mul3A_122, %add3A_123 : i32
      %dma_wait3A_125 = arith.constant 0 : i32
      %dma_wait3A_126 = arith.constant 0 : i32
      %dma_wait3A_127 = arith.constant 0 : i32
      %dma_wait3A_128 = tpu.memref_slice %arg9[%dma_wait3A_125, %dma_wait3A_126, %dma_wait3A_127] : memref<4x128x32xf32, #tpu.memory_space<vmem>> -> memref<1x128x32xf32, #tpu.memory_space<vmem>>
      %dma_wait3A_129 = tpu.memref_squeeze %dma_wait3A_128 : memref<1x128x32xf32, #tpu.memory_space<vmem>> -> memref<128x32xf32, #tpu.memory_space<vmem>>
      %dma_wait3A_130 = arith.constant 0 : i32
      %dma_wait3A_131 = tpu.memref_slice %arg7[%add3A_124, %dma_wait3A_130] : memref<80x128xi32, #tpu.memory_space<vmem>> -> memref<1x128xi32, #tpu.memory_space<vmem>>
      %dma_wait3A_132 = tpu.memref_squeeze %dma_wait3A_131 : memref<1x128xi32, #tpu.memory_space<vmem>> -> memref<128xi32, #tpu.memory_space<vmem>>
      %dma_wait3A_133 = arith.constant 0 : i32
      %dma_wait3A_134 = arith.constant 0 : i32
      %dma_wait3A_135 = tpu.memref_slice %arg2[%dma_wait3A_133, %dma_wait3A_134] : memref<10240x32xf32, #tpu.memory_space<hbm>> -> memref<10240x32xf32, #tpu.memory_space<hbm>>
      tpu.wait_indirect_dma semaphore(%arg11 : memref<!tpu.dma_semaphore, #tpu.memory_space<semaphore_mem>>) src(%dma_wait3A_135 : memref<10240x32xf32, #tpu.memory_space<hbm>>) dst(%dma_wait3A_129 : memref<128x32xf32, #tpu.memory_space<vmem>>)
      %run_scoped3A_136 = arith.constant 0 : i32
      "tpu.region"() ({
        %run_scoped3A_237 = tpu.sem_alloc : memref<!tpu.dma_semaphore, #tpu.memory_space<semaphore_mem>>
        %dma_start3A_238 = arith.constant 0 : i32
        %dma_start3A_239 = arith.constant 0 : i32
        %dma_start3A_240 = tpu.memref_slice %arg9[%run_scoped3A_136, %dma_start3A_238, %dma_start3A_239] : memref<4x128x32xf32, #tpu.memory_space<vmem>> -> memref<1x128x32xf32, #tpu.memory_space<vmem>>
        %dma_start3A_241 = tpu.memref_squeeze %dma_start3A_240 : memref<1x128x32xf32, #tpu.memory_space<vmem>> -> memref<128x32xf32, #tpu.memory_space<vmem>>
        %dma_start3A_242 = arith.constant 0 : i32
        %dma_start3A_243 = tpu.memref_slice %arg8[%add3A_124, %dma_start3A_242] : memref<80x128xi32, #tpu.memory_space<vmem>> -> memref<1x128xi32, #tpu.memory_space<vmem>>
        %dma_start3A_244 = tpu.memref_squeeze %dma_start3A_243 : memref<1x128xi32, #tpu.memory_space<vmem>> -> memref<128xi32, #tpu.memory_space<vmem>>
        %dma_start3A_245 = arith.constant 0 : i32
        %dma_start3A_246 = arith.constant 0 : i32
        %dma_start3A_247 = tpu.memref_slice %arg10[%dma_start3A_245, %dma_start3A_246] : memref<10240x32xf32, #tpu.memory_space<vmem_shared>> -> memref<10240x32xf32, #tpu.memory_space<vmem_shared>>
        tpu.enqueue_indirect_dma source(%dma_start3A_241 : memref<128x32xf32, #tpu.memory_space<vmem>>) target(%dma_start3A_247 : memref<10240x32xf32, #tpu.memory_space<vmem_shared>>) offsets(%dma_start3A_244 : memref<128xi32, #tpu.memory_space<vmem>>) semaphore(%run_scoped3A_237 : memref<!tpu.dma_semaphore, #tpu.memory_space<semaphore_mem>>) {add = true}
        %dma_wait3A_248 = arith.constant 0 : i32
        %dma_wait3A_249 = arith.constant 0 : i32
        %dma_wait3A_250 = tpu.memref_slice %arg9[%run_scoped3A_136, %dma_wait3A_248, %dma_wait3A_249] : memref<4x128x32xf32, #tpu.memory_space<vmem>> -> memref<1x128x32xf32, #tpu.memory_space<vmem>>
        %dma_wait3A_251 = tpu.memref_squeeze %dma_wait3A_250 : memref<1x128x32xf32, #tpu.memory_space<vmem>> -> memref<128x32xf32, #tpu.memory_space<vmem>>
        %dma_wait3A_252 = arith.constant 0 : i32
        %dma_wait3A_253 = tpu.memref_slice %arg8[%add3A_124, %dma_wait3A_252] : memref<80x128xi32, #tpu.memory_space<vmem>> -> memref<1x128xi32, #tpu.memory_space<vmem>>
        %dma_wait3A_254 = tpu.memref_squeeze %dma_wait3A_253 : memref<1x128xi32, #tpu.memory_space<vmem>> -> memref<128xi32, #tpu.memory_space<vmem>>
        %dma_wait3A_255 = arith.constant 0 : i32
        %dma_wait3A_256 = arith.constant 0 : i32
        %dma_wait3A_257 = tpu.memref_slice %arg10[%dma_wait3A_255, %dma_wait3A_256] : memref<10240x32xf32, #tpu.memory_space<vmem_shared>> -> memref<10240x32xf32, #tpu.memory_space<vmem_shared>>
        tpu.wait_indirect_dma semaphore(%run_scoped3A_237 : memref<!tpu.dma_semaphore, #tpu.memory_space<semaphore_mem>>) src(%dma_wait3A_251 : memref<128x32xf32, #tpu.memory_space<vmem>>) dst(%dma_wait3A_257 : memref<10240x32xf32, #tpu.memory_space<vmem_shared>>)
        tpu.yield
      }) : () -> ()
      %add3A_137 = arith.constant 4 : i32
      %add3A_138 = arith.addi %add3A_124, %add3A_137 : i32
      %dma_start3A_139 = arith.constant 0 : i32
      %dma_start3A_140 = arith.constant 0 : i32
      %dma_start3A_141 = arith.constant 0 : i32
      %dma_start3A_142 = tpu.memref_slice %arg9[%dma_start3A_139, %dma_start3A_140, %dma_start3A_141] : memref<4x128x32xf32, #tpu.memory_space<vmem>> -> memref<1x128x32xf32, #tpu.memory_space<vmem>>
      %dma_start3A_143 = tpu.memref_squeeze %dma_start3A_142 : memref<1x128x32xf32, #tpu.memory_space<vmem>> -> memref<128x32xf32, #tpu.memory_space<vmem>>
      %dma_start3A_144 = arith.constant 0 : i32
      %dma_start3A_145 = tpu.memref_slice %arg7[%add3A_138, %dma_start3A_144] : memref<80x128xi32, #tpu.memory_space<vmem>> -> memref<1x128xi32, #tpu.memory_space<vmem>>
      %dma_start3A_146 = tpu.memref_squeeze %dma_start3A_145 : memref<1x128xi32, #tpu.memory_space<vmem>> -> memref<128xi32, #tpu.memory_space<vmem>>
      %dma_start3A_147 = arith.constant 0 : i32
      %dma_start3A_148 = arith.constant 0 : i32
      %dma_start3A_149 = tpu.memref_slice %arg2[%dma_start3A_147, %dma_start3A_148] : memref<10240x32xf32, #tpu.memory_space<hbm>> -> memref<10240x32xf32, #tpu.memory_space<hbm>>
      tpu.enqueue_indirect_dma source(%dma_start3A_149 : memref<10240x32xf32, #tpu.memory_space<hbm>>) target(%dma_start3A_143 : memref<128x32xf32, #tpu.memory_space<vmem>>) offsets(%dma_start3A_146 : memref<128xi32, #tpu.memory_space<vmem>>) semaphore(%arg11 : memref<!tpu.dma_semaphore, #tpu.memory_space<semaphore_mem>>)
      %mul3A_150 = arith.constant 4 : i32
      %mul3A_151 = arith.muli %scan3A_120, %mul3A_150 : i32
      %add3A_152 = arith.constant 1 : i32
      %add3A_153 = arith.addi %mul3A_151, %add3A_152 : i32
      %dma_wait3A_154 = arith.constant 1 : i32
      %dma_wait3A_155 = arith.constant 0 : i32
      %dma_wait3A_156 = arith.constant 0 : i32
      %dma_wait3A_157 = tpu.memref_slice %arg9[%dma_wait3A_154, %dma_wait3A_155, %dma_wait3A_156] : memref<4x128x32xf32, #tpu.memory_space<vmem>> -> memref<1x128x32xf32, #tpu.memory_space<vmem>>
      %dma_wait3A_158 = tpu.memref_squeeze %dma_wait3A_157 : memref<1x128x32xf32, #tpu.memory_space<vmem>> -> memref<128x32xf32, #tpu.memory_space<vmem>>
      %dma_wait3A_159 = arith.constant 0 : i32
      %dma_wait3A_160 = tpu.memref_slice %arg7[%add3A_153, %dma_wait3A_159] : memref<80x128xi32, #tpu.memory_space<vmem>> -> memref<1x128xi32, #tpu.memory_space<vmem>>
      %dma_wait3A_161 = tpu.memref_squeeze %dma_wait3A_160 : memref<1x128xi32, #tpu.memory_space<vmem>> -> memref<128xi32, #tpu.memory_space<vmem>>
      %dma_wait3A_162 = arith.constant 0 : i32
      %dma_wait3A_163 = arith.constant 0 : i32
      %dma_wait3A_164 = tpu.memref_slice %arg2[%dma_wait3A_162, %dma_wait3A_163] : memref<10240x32xf32, #tpu.memory_space<hbm>> -> memref<10240x32xf32, #tpu.memory_space<hbm>>
      tpu.wait_indirect_dma semaphore(%arg12 : memref<!tpu.dma_semaphore, #tpu.memory_space<semaphore_mem>>) src(%dma_wait3A_164 : memref<10240x32xf32, #tpu.memory_space<hbm>>) dst(%dma_wait3A_158 : memref<128x32xf32, #tpu.memory_space<vmem>>)
      %run_scoped3A_165 = arith.constant 1 : i32
      "tpu.region"() ({
        %run_scoped3A_237 = tpu.sem_alloc : memref<!tpu.dma_semaphore, #tpu.memory_space<semaphore_mem>>
        %dma_start3A_238 = arith.constant 0 : i32
        %dma_start3A_239 = arith.constant 0 : i32
        %dma_start3A_240 = tpu.memref_slice %arg9[%run_scoped3A_165, %dma_start3A_238, %dma_start3A_239] : memref<4x128x32xf32, #tpu.memory_space<vmem>> -> memref<1x128x32xf32, #tpu.memory_space<vmem>>
        %dma_start3A_241 = tpu.memref_squeeze %dma_start3A_240 : memref<1x128x32xf32, #tpu.memory_space<vmem>> -> memref<128x32xf32, #tpu.memory_space<vmem>>
        %dma_start3A_242 = arith.constant 0 : i32
        %dma_start3A_243 = tpu.memref_slice %arg8[%add3A_153, %dma_start3A_242] : memref<80x128xi32, #tpu.memory_space<vmem>> -> memref<1x128xi32, #tpu.memory_space<vmem>>
        %dma_start3A_244 = tpu.memref_squeeze %dma_start3A_243 : memref<1x128xi32, #tpu.memory_space<vmem>> -> memref<128xi32, #tpu.memory_space<vmem>>
        %dma_start3A_245 = arith.constant 0 : i32
        %dma_start3A_246 = arith.constant 0 : i32
        %dma_start3A_247 = tpu.memref_slice %arg10[%dma_start3A_245, %dma_start3A_246] : memref<10240x32xf32, #tpu.memory_space<vmem_shared>> -> memref<10240x32xf32, #tpu.memory_space<vmem_shared>>
        tpu.enqueue_indirect_dma source(%dma_start3A_241 : memref<128x32xf32, #tpu.memory_space<vmem>>) target(%dma_start3A_247 : memref<10240x32xf32, #tpu.memory_space<vmem_shared>>) offsets(%dma_start3A_244 : memref<128xi32, #tpu.memory_space<vmem>>) semaphore(%run_scoped3A_237 : memref<!tpu.dma_semaphore, #tpu.memory_space<semaphore_mem>>) {add = true}
        %dma_wait3A_248 = arith.constant 0 : i32
        %dma_wait3A_249 = arith.constant 0 : i32
        %dma_wait3A_250 = tpu.memref_slice %arg9[%run_scoped3A_165, %dma_wait3A_248, %dma_wait3A_249] : memref<4x128x32xf32, #tpu.memory_space<vmem>> -> memref<1x128x32xf32, #tpu.memory_space<vmem>>
        %dma_wait3A_251 = tpu.memref_squeeze %dma_wait3A_250 : memref<1x128x32xf32, #tpu.memory_space<vmem>> -> memref<128x32xf32, #tpu.memory_space<vmem>>
        %dma_wait3A_252 = arith.constant 0 : i32
        %dma_wait3A_253 = tpu.memref_slice %arg8[%add3A_153, %dma_wait3A_252] : memref<80x128xi32, #tpu.memory_space<vmem>> -> memref<1x128xi32, #tpu.memory_space<vmem>>
        %dma_wait3A_254 = tpu.memref_squeeze %dma_wait3A_253 : memref<1x128xi32, #tpu.memory_space<vmem>> -> memref<128xi32, #tpu.memory_space<vmem>>
        %dma_wait3A_255 = arith.constant 0 : i32
        %dma_wait3A_256 = arith.constant 0 : i32
        %dma_wait3A_257 = tpu.memref_slice %arg10[%dma_wait3A_255, %dma_wait3A_256] : memref<10240x32xf32, #tpu.memory_space<vmem_shared>> -> memref<10240x32xf32, #tpu.memory_space<vmem_shared>>
        tpu.wait_indirect_dma semaphore(%run_scoped3A_237 : memref<!tpu.dma_semaphore, #tpu.memory_space<semaphore_mem>>) src(%dma_wait3A_251 : memref<128x32xf32, #tpu.memory_space<vmem>>) dst(%dma_wait3A_257 : memref<10240x32xf32, #tpu.memory_space<vmem_shared>>)
        tpu.yield
      }) : () -> ()
      %add3A_166 = arith.constant 4 : i32
      %add3A_167 = arith.addi %add3A_153, %add3A_166 : i32
      %dma_start3A_168 = arith.constant 1 : i32
      %dma_start3A_169 = arith.constant 0 : i32
      %dma_start3A_170 = arith.constant 0 : i32
      %dma_start3A_171 = tpu.memref_slice %arg9[%dma_start3A_168, %dma_start3A_169, %dma_start3A_170] : memref<4x128x32xf32, #tpu.memory_space<vmem>> -> memref<1x128x32xf32, #tpu.memory_space<vmem>>
      %dma_start3A_172 = tpu.memref_squeeze %dma_start3A_171 : memref<1x128x32xf32, #tpu.memory_space<vmem>> -> memref<128x32xf32, #tpu.memory_space<vmem>>
      %dma_start3A_173 = arith.constant 0 : i32
      %dma_start3A_174 = tpu.memref_slice %arg7[%add3A_167, %dma_start3A_173] : memref<80x128xi32, #tpu.memory_space<vmem>> -> memref<1x128xi32, #tpu.memory_space<vmem>>
      %dma_start3A_175 = tpu.memref_squeeze %dma_start3A_174 : memref<1x128xi32, #tpu.memory_space<vmem>> -> memref<128xi32, #tpu.memory_space<vmem>>
      %dma_start3A_176 = arith.constant 0 : i32
      %dma_start3A_177 = arith.constant 0 : i32
      %dma_start3A_178 = tpu.memref_slice %arg2[%dma_start3A_176, %dma_start3A_177] : memref<10240x32xf32, #tpu.memory_space<hbm>> -> memref<10240x32xf32, #tpu.memory_space<hbm>>
      tpu.enqueue_indirect_dma source(%dma_start3A_178 : memref<10240x32xf32, #tpu.memory_space<hbm>>) target(%dma_start3A_172 : memref<128x32xf32, #tpu.memory_space<vmem>>) offsets(%dma_start3A_175 : memref<128xi32, #tpu.memory_space<vmem>>) semaphore(%arg12 : memref<!tpu.dma_semaphore, #tpu.memory_space<semaphore_mem>>)
      %mul3A_179 = arith.constant 4 : i32
      %mul3A_180 = arith.muli %scan3A_120, %mul3A_179 : i32
      %add3A_181 = arith.constant 2 : i32
      %add3A_182 = arith.addi %mul3A_180, %add3A_181 : i32
      %dma_wait3A_183 = arith.constant 2 : i32
      %dma_wait3A_184 = arith.constant 0 : i32
      %dma_wait3A_185 = arith.constant 0 : i32
      %dma_wait3A_186 = tpu.memref_slice %arg9[%dma_wait3A_183, %dma_wait3A_184, %dma_wait3A_185] : memref<4x128x32xf32, #tpu.memory_space<vmem>> -> memref<1x128x32xf32, #tpu.memory_space<vmem>>
      %dma_wait3A_187 = tpu.memref_squeeze %dma_wait3A_186 : memref<1x128x32xf32, #tpu.memory_space<vmem>> -> memref<128x32xf32, #tpu.memory_space<vmem>>
      %dma_wait3A_188 = arith.constant 0 : i32
      %dma_wait3A_189 = tpu.memref_slice %arg7[%add3A_182, %dma_wait3A_188] : memref<80x128xi32, #tpu.memory_space<vmem>> -> memref<1x128xi32, #tpu.memory_space<vmem>>
      %dma_wait3A_190 = tpu.memref_squeeze %dma_wait3A_189 : memref<1x128xi32, #tpu.memory_space<vmem>> -> memref<128xi32, #tpu.memory_space<vmem>>
      %dma_wait3A_191 = arith.constant 0 : i32
      %dma_wait3A_192 = arith.constant 0 : i32
      %dma_wait3A_193 = tpu.memref_slice %arg2[%dma_wait3A_191, %dma_wait3A_192] : memref<10240x32xf32, #tpu.memory_space<hbm>> -> memref<10240x32xf32, #tpu.memory_space<hbm>>
      tpu.wait_indirect_dma semaphore(%arg13 : memref<!tpu.dma_semaphore, #tpu.memory_space<semaphore_mem>>) src(%dma_wait3A_193 : memref<10240x32xf32, #tpu.memory_space<hbm>>) dst(%dma_wait3A_187 : memref<128x32xf32, #tpu.memory_space<vmem>>)
      %run_scoped3A_194 = arith.constant 2 : i32
      "tpu.region"() ({
        %run_scoped3A_237 = tpu.sem_alloc : memref<!tpu.dma_semaphore, #tpu.memory_space<semaphore_mem>>
        %dma_start3A_238 = arith.constant 0 : i32
        %dma_start3A_239 = arith.constant 0 : i32
        %dma_start3A_240 = tpu.memref_slice %arg9[%run_scoped3A_194, %dma_start3A_238, %dma_start3A_239] : memref<4x128x32xf32, #tpu.memory_space<vmem>> -> memref<1x128x32xf32, #tpu.memory_space<vmem>>
        %dma_start3A_241 = tpu.memref_squeeze %dma_start3A_240 : memref<1x128x32xf32, #tpu.memory_space<vmem>> -> memref<128x32xf32, #tpu.memory_space<vmem>>
        %dma_start3A_242 = arith.constant 0 : i32
        %dma_start3A_243 = tpu.memref_slice %arg8[%add3A_182, %dma_start3A_242] : memref<80x128xi32, #tpu.memory_space<vmem>> -> memref<1x128xi32, #tpu.memory_space<vmem>>
        %dma_start3A_244 = tpu.memref_squeeze %dma_start3A_243 : memref<1x128xi32, #tpu.memory_space<vmem>> -> memref<128xi32, #tpu.memory_space<vmem>>
        %dma_start3A_245 = arith.constant 0 : i32
        %dma_start3A_246 = arith.constant 0 : i32
        %dma_start3A_247 = tpu.memref_slice %arg10[%dma_start3A_245, %dma_start3A_246] : memref<10240x32xf32, #tpu.memory_space<vmem_shared>> -> memref<10240x32xf32, #tpu.memory_space<vmem_shared>>
        tpu.enqueue_indirect_dma source(%dma_start3A_241 : memref<128x32xf32, #tpu.memory_space<vmem>>) target(%dma_start3A_247 : memref<10240x32xf32, #tpu.memory_space<vmem_shared>>) offsets(%dma_start3A_244 : memref<128xi32, #tpu.memory_space<vmem>>) semaphore(%run_scoped3A_237 : memref<!tpu.dma_semaphore, #tpu.memory_space<semaphore_mem>>) {add = true}
        %dma_wait3A_248 = arith.constant 0 : i32
        %dma_wait3A_249 = arith.constant 0 : i32
        %dma_wait3A_250 = tpu.memref_slice %arg9[%run_scoped3A_194, %dma_wait3A_248, %dma_wait3A_249] : memref<4x128x32xf32, #tpu.memory_space<vmem>> -> memref<1x128x32xf32, #tpu.memory_space<vmem>>
        %dma_wait3A_251 = tpu.memref_squeeze %dma_wait3A_250 : memref<1x128x32xf32, #tpu.memory_space<vmem>> -> memref<128x32xf32, #tpu.memory_space<vmem>>
        %dma_wait3A_252 = arith.constant 0 : i32
        %dma_wait3A_253 = tpu.memref_slice %arg8[%add3A_182, %dma_wait3A_252] : memref<80x128xi32, #tpu.memory_space<vmem>> -> memref<1x128xi32, #tpu.memory_space<vmem>>
        %dma_wait3A_254 = tpu.memref_squeeze %dma_wait3A_253 : memref<1x128xi32, #tpu.memory_space<vmem>> -> memref<128xi32, #tpu.memory_space<vmem>>
        %dma_wait3A_255 = arith.constant 0 : i32
        %dma_wait3A_256 = arith.constant 0 : i32
        %dma_wait3A_257 = tpu.memref_slice %arg10[%dma_wait3A_255, %dma_wait3A_256] : memref<10240x32xf32, #tpu.memory_space<vmem_shared>> -> memref<10240x32xf32, #tpu.memory_space<vmem_shared>>
        tpu.wait_indirect_dma semaphore(%run_scoped3A_237 : memref<!tpu.dma_semaphore, #tpu.memory_space<semaphore_mem>>) src(%dma_wait3A_251 : memref<128x32xf32, #tpu.memory_space<vmem>>) dst(%dma_wait3A_257 : memref<10240x32xf32, #tpu.memory_space<vmem_shared>>)
        tpu.yield
      }) : () -> ()
      %add3A_195 = arith.constant 4 : i32
      %add3A_196 = arith.addi %add3A_182, %add3A_195 : i32
      %dma_start3A_197 = arith.constant 2 : i32
      %dma_start3A_198 = arith.constant 0 : i32
      %dma_start3A_199 = arith.constant 0 : i32
      %dma_start3A_200 = tpu.memref_slice %arg9[%dma_start3A_197, %dma_start3A_198, %dma_start3A_199] : memref<4x128x32xf32, #tpu.memory_space<vmem>> -> memref<1x128x32xf32, #tpu.memory_space<vmem>>
      %dma_start3A_201 = tpu.memref_squeeze %dma_start3A_200 : memref<1x128x32xf32, #tpu.memory_space<vmem>> -> memref<128x32xf32, #tpu.memory_space<vmem>>
      %dma_start3A_202 = arith.constant 0 : i32
      %dma_start3A_203 = tpu.memref_slice %arg7[%add3A_196, %dma_start3A_202] : memref<80x128xi32, #tpu.memory_space<vmem>> -> memref<1x128xi32, #tpu.memory_space<vmem>>
      %dma_start3A_204 = tpu.memref_squeeze %dma_start3A_203 : memref<1x128xi32, #tpu.memory_space<vmem>> -> memref<128xi32, #tpu.memory_space<vmem>>
      %dma_start3A_205 = arith.constant 0 : i32
      %dma_start3A_206 = arith.constant 0 : i32
      %dma_start3A_207 = tpu.memref_slice %arg2[%dma_start3A_205, %dma_start3A_206] : memref<10240x32xf32, #tpu.memory_space<hbm>> -> memref<10240x32xf32, #tpu.memory_space<hbm>>
      tpu.enqueue_indirect_dma source(%dma_start3A_207 : memref<10240x32xf32, #tpu.memory_space<hbm>>) target(%dma_start3A_201 : memref<128x32xf32, #tpu.memory_space<vmem>>) offsets(%dma_start3A_204 : memref<128xi32, #tpu.memory_space<vmem>>) semaphore(%arg13 : memref<!tpu.dma_semaphore, #tpu.memory_space<semaphore_mem>>)
      %mul3A_208 = arith.constant 4 : i32
      %mul3A_209 = arith.muli %scan3A_120, %mul3A_208 : i32
      %add3A_210 = arith.constant 3 : i32
      %add3A_211 = arith.addi %mul3A_209, %add3A_210 : i32
      %dma_wait3A_212 = arith.constant 3 : i32
      %dma_wait3A_213 = arith.constant 0 : i32
      %dma_wait3A_214 = arith.constant 0 : i32
      %dma_wait3A_215 = tpu.memref_slice %arg9[%dma_wait3A_212, %dma_wait3A_213, %dma_wait3A_214] : memref<4x128x32xf32, #tpu.memory_space<vmem>> -> memref<1x128x32xf32, #tpu.memory_space<vmem>>
      %dma_wait3A_216 = tpu.memref_squeeze %dma_wait3A_215 : memref<1x128x32xf32, #tpu.memory_space<vmem>> -> memref<128x32xf32, #tpu.memory_space<vmem>>
      %dma_wait3A_217 = arith.constant 0 : i32
      %dma_wait3A_218 = tpu.memref_slice %arg7[%add3A_211, %dma_wait3A_217] : memref<80x128xi32, #tpu.memory_space<vmem>> -> memref<1x128xi32, #tpu.memory_space<vmem>>
      %dma_wait3A_219 = tpu.memref_squeeze %dma_wait3A_218 : memref<1x128xi32, #tpu.memory_space<vmem>> -> memref<128xi32, #tpu.memory_space<vmem>>
      %dma_wait3A_220 = arith.constant 0 : i32
      %dma_wait3A_221 = arith.constant 0 : i32
      %dma_wait3A_222 = tpu.memref_slice %arg2[%dma_wait3A_220, %dma_wait3A_221] : memref<10240x32xf32, #tpu.memory_space<hbm>> -> memref<10240x32xf32, #tpu.memory_space<hbm>>
      tpu.wait_indirect_dma semaphore(%arg14 : memref<!tpu.dma_semaphore, #tpu.memory_space<semaphore_mem>>) src(%dma_wait3A_222 : memref<10240x32xf32, #tpu.memory_space<hbm>>) dst(%dma_wait3A_216 : memref<128x32xf32, #tpu.memory_space<vmem>>)
      %run_scoped3A_223 = arith.constant 3 : i32
      "tpu.region"() ({
        %run_scoped3A_237 = tpu.sem_alloc : memref<!tpu.dma_semaphore, #tpu.memory_space<semaphore_mem>>
        %dma_start3A_238 = arith.constant 0 : i32
        %dma_start3A_239 = arith.constant 0 : i32
        %dma_start3A_240 = tpu.memref_slice %arg9[%run_scoped3A_223, %dma_start3A_238, %dma_start3A_239] : memref<4x128x32xf32, #tpu.memory_space<vmem>> -> memref<1x128x32xf32, #tpu.memory_space<vmem>>
        %dma_start3A_241 = tpu.memref_squeeze %dma_start3A_240 : memref<1x128x32xf32, #tpu.memory_space<vmem>> -> memref<128x32xf32, #tpu.memory_space<vmem>>
        %dma_start3A_242 = arith.constant 0 : i32
        %dma_start3A_243 = tpu.memref_slice %arg8[%add3A_211, %dma_start3A_242] : memref<80x128xi32, #tpu.memory_space<vmem>> -> memref<1x128xi32, #tpu.memory_space<vmem>>
        %dma_start3A_244 = tpu.memref_squeeze %dma_start3A_243 : memref<1x128xi32, #tpu.memory_space<vmem>> -> memref<128xi32, #tpu.memory_space<vmem>>
        %dma_start3A_245 = arith.constant 0 : i32
        %dma_start3A_246 = arith.constant 0 : i32
        %dma_start3A_247 = tpu.memref_slice %arg10[%dma_start3A_245, %dma_start3A_246] : memref<10240x32xf32, #tpu.memory_space<vmem_shared>> -> memref<10240x32xf32, #tpu.memory_space<vmem_shared>>
        tpu.enqueue_indirect_dma source(%dma_start3A_241 : memref<128x32xf32, #tpu.memory_space<vmem>>) target(%dma_start3A_247 : memref<10240x32xf32, #tpu.memory_space<vmem_shared>>) offsets(%dma_start3A_244 : memref<128xi32, #tpu.memory_space<vmem>>) semaphore(%run_scoped3A_237 : memref<!tpu.dma_semaphore, #tpu.memory_space<semaphore_mem>>) {add = true}
        %dma_wait3A_248 = arith.constant 0 : i32
        %dma_wait3A_249 = arith.constant 0 : i32
        %dma_wait3A_250 = tpu.memref_slice %arg9[%run_scoped3A_223, %dma_wait3A_248, %dma_wait3A_249] : memref<4x128x32xf32, #tpu.memory_space<vmem>> -> memref<1x128x32xf32, #tpu.memory_space<vmem>>
        %dma_wait3A_251 = tpu.memref_squeeze %dma_wait3A_250 : memref<1x128x32xf32, #tpu.memory_space<vmem>> -> memref<128x32xf32, #tpu.memory_space<vmem>>
        %dma_wait3A_252 = arith.constant 0 : i32
        %dma_wait3A_253 = tpu.memref_slice %arg8[%add3A_211, %dma_wait3A_252] : memref<80x128xi32, #tpu.memory_space<vmem>> -> memref<1x128xi32, #tpu.memory_space<vmem>>
        %dma_wait3A_254 = tpu.memref_squeeze %dma_wait3A_253 : memref<1x128xi32, #tpu.memory_space<vmem>> -> memref<128xi32, #tpu.memory_space<vmem>>
        %dma_wait3A_255 = arith.constant 0 : i32
        %dma_wait3A_256 = arith.constant 0 : i32
        %dma_wait3A_257 = tpu.memref_slice %arg10[%dma_wait3A_255, %dma_wait3A_256] : memref<10240x32xf32, #tpu.memory_space<vmem_shared>> -> memref<10240x32xf32, #tpu.memory_space<vmem_shared>>
        tpu.wait_indirect_dma semaphore(%run_scoped3A_237 : memref<!tpu.dma_semaphore, #tpu.memory_space<semaphore_mem>>) src(%dma_wait3A_251 : memref<128x32xf32, #tpu.memory_space<vmem>>) dst(%dma_wait3A_257 : memref<10240x32xf32, #tpu.memory_space<vmem_shared>>)
        tpu.yield
      }) : () -> ()
      %add3A_224 = arith.constant 4 : i32
      %add3A_225 = arith.addi %add3A_211, %add3A_224 : i32
      %dma_start3A_226 = arith.constant 3 : i32
      %dma_start3A_227 = arith.constant 0 : i32
      %dma_start3A_228 = arith.constant 0 : i32
      %dma_start3A_229 = tpu.memref_slice %arg9[%dma_start3A_226, %dma_start3A_227, %dma_start3A_228] : memref<4x128x32xf32, #tpu.memory_space<vmem>> -> memref<1x128x32xf32, #tpu.memory_space<vmem>>
      %dma_start3A_230 = tpu.memref_squeeze %dma_start3A_229 : memref<1x128x32xf32, #tpu.memory_space<vmem>> -> memref<128x32xf32, #tpu.memory_space<vmem>>
      %dma_start3A_231 = arith.constant 0 : i32
      %dma_start3A_232 = tpu.memref_slice %arg7[%add3A_225, %dma_start3A_231] : memref<80x128xi32, #tpu.memory_space<vmem>> -> memref<1x128xi32, #tpu.memory_space<vmem>>
      %dma_start3A_233 = tpu.memref_squeeze %dma_start3A_232 : memref<1x128xi32, #tpu.memory_space<vmem>> -> memref<128xi32, #tpu.memory_space<vmem>>
      %dma_start3A_234 = arith.constant 0 : i32
      %dma_start3A_235 = arith.constant 0 : i32
      %dma_start3A_236 = tpu.memref_slice %arg2[%dma_start3A_234, %dma_start3A_235] : memref<10240x32xf32, #tpu.memory_space<hbm>> -> memref<10240x32xf32, #tpu.memory_space<hbm>>
      tpu.enqueue_indirect_dma source(%dma_start3A_236 : memref<10240x32xf32, #tpu.memory_space<hbm>>) target(%dma_start3A_230 : memref<128x32xf32, #tpu.memory_space<vmem>>) offsets(%dma_start3A_233 : memref<128xi32, #tpu.memory_space<vmem>>) semaphore(%arg14 : memref<!tpu.dma_semaphore, #tpu.memory_space<semaphore_mem>>)
    }
    %scan3A_60 = arith.constant 19 : i32
    %dma_wait3A = arith.constant 76 : i32
    %dma_wait3A_61 = arith.constant 0 : i32
    %dma_wait3A_62 = arith.constant 0 : i32
    %dma_wait3A_63 = arith.constant 0 : i32
    %dma_wait3A_64 = tpu.memref_slice %arg9[%dma_wait3A_61, %dma_wait3A_62, %dma_wait3A_63] : memref<4x128x32xf32, #tpu.memory_space<vmem>> -> memref<1x128x32xf32, #tpu.memory_space<vmem>>
    %dma_wait3A_65 = tpu.memref_squeeze %dma_wait3A_64 : memref<1x128x32xf32, #tpu.memory_space<vmem>> -> memref<128x32xf32, #tpu.memory_space<vmem>>
    %dma_wait3A_66 = arith.constant 0 : i32
    %dma_wait3A_67 = tpu.memref_slice %arg7[%dma_wait3A, %dma_wait3A_66] : memref<80x128xi32, #tpu.memory_space<vmem>> -> memref<1x128xi32, #tpu.memory_space<vmem>>
    %dma_wait3A_68 = tpu.memref_squeeze %dma_wait3A_67 : memref<1x128xi32, #tpu.memory_space<vmem>> -> memref<128xi32, #tpu.memory_space<vmem>>
    %dma_wait3A_69 = arith.constant 0 : i32
    %dma_wait3A_70 = arith.constant 0 : i32
    %dma_wait3A_71 = tpu.memref_slice %arg2[%dma_wait3A_69, %dma_wait3A_70] : memref<10240x32xf32, #tpu.memory_space<hbm>> -> memref<10240x32xf32, #tpu.memory_space<hbm>>
    tpu.wait_indirect_dma semaphore(%arg11 : memref<!tpu.dma_semaphore, #tpu.memory_space<semaphore_mem>>) src(%dma_wait3A_71 : memref<10240x32xf32, #tpu.memory_space<hbm>>) dst(%dma_wait3A_65 : memref<128x32xf32, #tpu.memory_space<vmem>>)
    %run_scoped3A = arith.constant 0 : i32
    %run_scoped3A_72 = arith.constant 76 : i32
    "tpu.region"() ({
      %run_scoped3A_120 = tpu.sem_alloc : memref<!tpu.dma_semaphore, #tpu.memory_space<semaphore_mem>>
      %dma_start3A_121 = arith.constant 0 : i32
      %dma_start3A_122 = arith.constant 0 : i32
      %dma_start3A_123 = tpu.memref_slice %arg9[%run_scoped3A, %dma_start3A_121, %dma_start3A_122] : memref<4x128x32xf32, #tpu.memory_space<vmem>> -> memref<1x128x32xf32, #tpu.memory_space<vmem>>
      %dma_start3A_124 = tpu.memref_squeeze %dma_start3A_123 : memref<1x128x32xf32, #tpu.memory_space<vmem>> -> memref<128x32xf32, #tpu.memory_space<vmem>>
      %dma_start3A_125 = arith.constant 0 : i32
      %dma_start3A_126 = tpu.memref_slice %arg8[%run_scoped3A_72, %dma_start3A_125] : memref<80x128xi32, #tpu.memory_space<vmem>> -> memref<1x128xi32, #tpu.memory_space<vmem>>
      %dma_start3A_127 = tpu.memref_squeeze %dma_start3A_126 : memref<1x128xi32, #tpu.memory_space<vmem>> -> memref<128xi32, #tpu.memory_space<vmem>>
      %dma_start3A_128 = arith.constant 0 : i32
      %dma_start3A_129 = arith.constant 0 : i32
      %dma_start3A_130 = tpu.memref_slice %arg10[%dma_start3A_128, %dma_start3A_129] : memref<10240x32xf32, #tpu.memory_space<vmem_shared>> -> memref<10240x32xf32, #tpu.memory_space<vmem_shared>>
      tpu.enqueue_indirect_dma source(%dma_start3A_124 : memref<128x32xf32, #tpu.memory_space<vmem>>) target(%dma_start3A_130 : memref<10240x32xf32, #tpu.memory_space<vmem_shared>>) offsets(%dma_start3A_127 : memref<128xi32, #tpu.memory_space<vmem>>) semaphore(%run_scoped3A_120 : memref<!tpu.dma_semaphore, #tpu.memory_space<semaphore_mem>>) {add = true}
      %dma_wait3A_131 = arith.constant 0 : i32
      %dma_wait3A_132 = arith.constant 0 : i32
      %dma_wait3A_133 = tpu.memref_slice %arg9[%run_scoped3A, %dma_wait3A_131, %dma_wait3A_132] : memref<4x128x32xf32, #tpu.memory_space<vmem>> -> memref<1x128x32xf32, #tpu.memory_space<vmem>>
      %dma_wait3A_134 = tpu.memref_squeeze %dma_wait3A_133 : memref<1x128x32xf32, #tpu.memory_space<vmem>> -> memref<128x32xf32, #tpu.memory_space<vmem>>
      %dma_wait3A_135 = arith.constant 0 : i32
      %dma_wait3A_136 = tpu.memref_slice %arg8[%run_scoped3A_72, %dma_wait3A_135] : memref<80x128xi32, #tpu.memory_space<vmem>> -> memref<1x128xi32, #tpu.memory_space<vmem>>
      %dma_wait3A_137 = tpu.memref_squeeze %dma_wait3A_136 : memref<1x128xi32, #tpu.memory_space<vmem>> -> memref<128xi32, #tpu.memory_space<vmem>>
      %dma_wait3A_138 = arith.constant 0 : i32
      %dma_wait3A_139 = arith.constant 0 : i32
      %dma_wait3A_140 = tpu.memref_slice %arg10[%dma_wait3A_138, %dma_wait3A_139] : memref<10240x32xf32, #tpu.memory_space<vmem_shared>> -> memref<10240x32xf32, #tpu.memory_space<vmem_shared>>
      tpu.wait_indirect_dma semaphore(%run_scoped3A_120 : memref<!tpu.dma_semaphore, #tpu.memory_space<semaphore_mem>>) src(%dma_wait3A_134 : memref<128x32xf32, #tpu.memory_space<vmem>>) dst(%dma_wait3A_140 : memref<10240x32xf32, #tpu.memory_space<vmem_shared>>)
      tpu.yield
    }) : () -> ()
    %dma_wait3A_73 = arith.constant 77 : i32
    %dma_wait3A_74 = arith.constant 1 : i32
    %dma_wait3A_75 = arith.constant 0 : i32
    %dma_wait3A_76 = arith.constant 0 : i32
    %dma_wait3A_77 = tpu.memref_slice %arg9[%dma_wait3A_74, %dma_wait3A_75, %dma_wait3A_76] : memref<4x128x32xf32, #tpu.memory_space<vmem>> -> memref<1x128x32xf32, #tpu.memory_space<vmem>>
    %dma_wait3A_78 = tpu.memref_squeeze %dma_wait3A_77 : memref<1x128x32xf32, #tpu.memory_space<vmem>> -> memref<128x32xf32, #tpu.memory_space<vmem>>
    %dma_wait3A_79 = arith.constant 0 : i32
    %dma_wait3A_80 = tpu.memref_slice %arg7[%dma_wait3A_73, %dma_wait3A_79] : memref<80x128xi32, #tpu.memory_space<vmem>> -> memref<1x128xi32, #tpu.memory_space<vmem>>
    %dma_wait3A_81 = tpu.memref_squeeze %dma_wait3A_80 : memref<1x128xi32, #tpu.memory_space<vmem>> -> memref<128xi32, #tpu.memory_space<vmem>>
    %dma_wait3A_82 = arith.constant 0 : i32
    %dma_wait3A_83 = arith.constant 0 : i32
    %dma_wait3A_84 = tpu.memref_slice %arg2[%dma_wait3A_82, %dma_wait3A_83] : memref<10240x32xf32, #tpu.memory_space<hbm>> -> memref<10240x32xf32, #tpu.memory_space<hbm>>
    tpu.wait_indirect_dma semaphore(%arg12 : memref<!tpu.dma_semaphore, #tpu.memory_space<semaphore_mem>>) src(%dma_wait3A_84 : memref<10240x32xf32, #tpu.memory_space<hbm>>) dst(%dma_wait3A_78 : memref<128x32xf32, #tpu.memory_space<vmem>>)
    %run_scoped3A_85 = arith.constant 1 : i32
    %run_scoped3A_86 = arith.constant 77 : i32
    "tpu.region"() ({
      %run_scoped3A_120 = tpu.sem_alloc : memref<!tpu.dma_semaphore, #tpu.memory_space<semaphore_mem>>
      %dma_start3A_121 = arith.constant 0 : i32
      %dma_start3A_122 = arith.constant 0 : i32
      %dma_start3A_123 = tpu.memref_slice %arg9[%run_scoped3A_85, %dma_start3A_121, %dma_start3A_122] : memref<4x128x32xf32, #tpu.memory_space<vmem>> -> memref<1x128x32xf32, #tpu.memory_space<vmem>>
      %dma_start3A_124 = tpu.memref_squeeze %dma_start3A_123 : memref<1x128x32xf32, #tpu.memory_space<vmem>> -> memref<128x32xf32, #tpu.memory_space<vmem>>
      %dma_start3A_125 = arith.constant 0 : i32
      %dma_start3A_126 = tpu.memref_slice %arg8[%run_scoped3A_86, %dma_start3A_125] : memref<80x128xi32, #tpu.memory_space<vmem>> -> memref<1x128xi32, #tpu.memory_space<vmem>>
      %dma_start3A_127 = tpu.memref_squeeze %dma_start3A_126 : memref<1x128xi32, #tpu.memory_space<vmem>> -> memref<128xi32, #tpu.memory_space<vmem>>
      %dma_start3A_128 = arith.constant 0 : i32
      %dma_start3A_129 = arith.constant 0 : i32
      %dma_start3A_130 = tpu.memref_slice %arg10[%dma_start3A_128, %dma_start3A_129] : memref<10240x32xf32, #tpu.memory_space<vmem_shared>> -> memref<10240x32xf32, #tpu.memory_space<vmem_shared>>
      tpu.enqueue_indirect_dma source(%dma_start3A_124 : memref<128x32xf32, #tpu.memory_space<vmem>>) target(%dma_start3A_130 : memref<10240x32xf32, #tpu.memory_space<vmem_shared>>) offsets(%dma_start3A_127 : memref<128xi32, #tpu.memory_space<vmem>>) semaphore(%run_scoped3A_120 : memref<!tpu.dma_semaphore, #tpu.memory_space<semaphore_mem>>) {add = true}
      %dma_wait3A_131 = arith.constant 0 : i32
      %dma_wait3A_132 = arith.constant 0 : i32
      %dma_wait3A_133 = tpu.memref_slice %arg9[%run_scoped3A_85, %dma_wait3A_131, %dma_wait3A_132] : memref<4x128x32xf32, #tpu.memory_space<vmem>> -> memref<1x128x32xf32, #tpu.memory_space<vmem>>
      %dma_wait3A_134 = tpu.memref_squeeze %dma_wait3A_133 : memref<1x128x32xf32, #tpu.memory_space<vmem>> -> memref<128x32xf32, #tpu.memory_space<vmem>>
      %dma_wait3A_135 = arith.constant 0 : i32
      %dma_wait3A_136 = tpu.memref_slice %arg8[%run_scoped3A_86, %dma_wait3A_135] : memref<80x128xi32, #tpu.memory_space<vmem>> -> memref<1x128xi32, #tpu.memory_space<vmem>>
      %dma_wait3A_137 = tpu.memref_squeeze %dma_wait3A_136 : memref<1x128xi32, #tpu.memory_space<vmem>> -> memref<128xi32, #tpu.memory_space<vmem>>
      %dma_wait3A_138 = arith.constant 0 : i32
      %dma_wait3A_139 = arith.constant 0 : i32
      %dma_wait3A_140 = tpu.memref_slice %arg10[%dma_wait3A_138, %dma_wait3A_139] : memref<10240x32xf32, #tpu.memory_space<vmem_shared>> -> memref<10240x32xf32, #tpu.memory_space<vmem_shared>>
      tpu.wait_indirect_dma semaphore(%run_scoped3A_120 : memref<!tpu.dma_semaphore, #tpu.memory_space<semaphore_mem>>) src(%dma_wait3A_134 : memref<128x32xf32, #tpu.memory_space<vmem>>) dst(%dma_wait3A_140 : memref<10240x32xf32, #tpu.memory_space<vmem_shared>>)
      tpu.yield
    }) : () -> ()
    %dma_wait3A_87 = arith.constant 78 : i32
    %dma_wait3A_88 = arith.constant 2 : i32
    %dma_wait3A_89 = arith.constant 0 : i32
    %dma_wait3A_90 = arith.constant 0 : i32
    %dma_wait3A_91 = tpu.memref_slice %arg9[%dma_wait3A_88, %dma_wait3A_89, %dma_wait3A_90] : memref<4x128x32xf32, #tpu.memory_space<vmem>> -> memref<1x128x32xf32, #tpu.memory_space<vmem>>
    %dma_wait3A_92 = tpu.memref_squeeze %dma_wait3A_91 : memref<1x128x32xf32, #tpu.memory_space<vmem>> -> memref<128x32xf32, #tpu.memory_space<vmem>>
    %dma_wait3A_93 = arith.constant 0 : i32
    %dma_wait3A_94 = tpu.memref_slice %arg7[%dma_wait3A_87, %dma_wait3A_93] : memref<80x128xi32, #tpu.memory_space<vmem>> -> memref<1x128xi32, #tpu.memory_space<vmem>>
    %dma_wait3A_95 = tpu.memref_squeeze %dma_wait3A_94 : memref<1x128xi32, #tpu.memory_space<vmem>> -> memref<128xi32, #tpu.memory_space<vmem>>
    %dma_wait3A_96 = arith.constant 0 : i32
    %dma_wait3A_97 = arith.constant 0 : i32
    %dma_wait3A_98 = tpu.memref_slice %arg2[%dma_wait3A_96, %dma_wait3A_97] : memref<10240x32xf32, #tpu.memory_space<hbm>> -> memref<10240x32xf32, #tpu.memory_space<hbm>>
    tpu.wait_indirect_dma semaphore(%arg13 : memref<!tpu.dma_semaphore, #tpu.memory_space<semaphore_mem>>) src(%dma_wait3A_98 : memref<10240x32xf32, #tpu.memory_space<hbm>>) dst(%dma_wait3A_92 : memref<128x32xf32, #tpu.memory_space<vmem>>)
    %run_scoped3A_99 = arith.constant 2 : i32
    %run_scoped3A_100 = arith.constant 78 : i32
    "tpu.region"() ({
      %run_scoped3A_120 = tpu.sem_alloc : memref<!tpu.dma_semaphore, #tpu.memory_space<semaphore_mem>>
      %dma_start3A_121 = arith.constant 0 : i32
      %dma_start3A_122 = arith.constant 0 : i32
      %dma_start3A_123 = tpu.memref_slice %arg9[%run_scoped3A_99, %dma_start3A_121, %dma_start3A_122] : memref<4x128x32xf32, #tpu.memory_space<vmem>> -> memref<1x128x32xf32, #tpu.memory_space<vmem>>
      %dma_start3A_124 = tpu.memref_squeeze %dma_start3A_123 : memref<1x128x32xf32, #tpu.memory_space<vmem>> -> memref<128x32xf32, #tpu.memory_space<vmem>>
      %dma_start3A_125 = arith.constant 0 : i32
      %dma_start3A_126 = tpu.memref_slice %arg8[%run_scoped3A_100, %dma_start3A_125] : memref<80x128xi32, #tpu.memory_space<vmem>> -> memref<1x128xi32, #tpu.memory_space<vmem>>
      %dma_start3A_127 = tpu.memref_squeeze %dma_start3A_126 : memref<1x128xi32, #tpu.memory_space<vmem>> -> memref<128xi32, #tpu.memory_space<vmem>>
      %dma_start3A_128 = arith.constant 0 : i32
      %dma_start3A_129 = arith.constant 0 : i32
      %dma_start3A_130 = tpu.memref_slice %arg10[%dma_start3A_128, %dma_start3A_129] : memref<10240x32xf32, #tpu.memory_space<vmem_shared>> -> memref<10240x32xf32, #tpu.memory_space<vmem_shared>>
      tpu.enqueue_indirect_dma source(%dma_start3A_124 : memref<128x32xf32, #tpu.memory_space<vmem>>) target(%dma_start3A_130 : memref<10240x32xf32, #tpu.memory_space<vmem_shared>>) offsets(%dma_start3A_127 : memref<128xi32, #tpu.memory_space<vmem>>) semaphore(%run_scoped3A_120 : memref<!tpu.dma_semaphore, #tpu.memory_space<semaphore_mem>>) {add = true}
      %dma_wait3A_131 = arith.constant 0 : i32
      %dma_wait3A_132 = arith.constant 0 : i32
      %dma_wait3A_133 = tpu.memref_slice %arg9[%run_scoped3A_99, %dma_wait3A_131, %dma_wait3A_132] : memref<4x128x32xf32, #tpu.memory_space<vmem>> -> memref<1x128x32xf32, #tpu.memory_space<vmem>>
      %dma_wait3A_134 = tpu.memref_squeeze %dma_wait3A_133 : memref<1x128x32xf32, #tpu.memory_space<vmem>> -> memref<128x32xf32, #tpu.memory_space<vmem>>
      %dma_wait3A_135 = arith.constant 0 : i32
      %dma_wait3A_136 = tpu.memref_slice %arg8[%run_scoped3A_100, %dma_wait3A_135] : memref<80x128xi32, #tpu.memory_space<vmem>> -> memref<1x128xi32, #tpu.memory_space<vmem>>
      %dma_wait3A_137 = tpu.memref_squeeze %dma_wait3A_136 : memref<1x128xi32, #tpu.memory_space<vmem>> -> memref<128xi32, #tpu.memory_space<vmem>>
      %dma_wait3A_138 = arith.constant 0 : i32
      %dma_wait3A_139 = arith.constant 0 : i32
      %dma_wait3A_140 = tpu.memref_slice %arg10[%dma_wait3A_138, %dma_wait3A_139] : memref<10240x32xf32, #tpu.memory_space<vmem_shared>> -> memref<10240x32xf32, #tpu.memory_space<vmem_shared>>
      tpu.wait_indirect_dma semaphore(%run_scoped3A_120 : memref<!tpu.dma_semaphore, #tpu.memory_space<semaphore_mem>>) src(%dma_wait3A_134 : memref<128x32xf32, #tpu.memory_space<vmem>>) dst(%dma_wait3A_140 : memref<10240x32xf32, #tpu.memory_space<vmem_shared>>)
      tpu.yield
    }) : () -> ()
    %dma_wait3A_101 = arith.constant 79 : i32
    %dma_wait3A_102 = arith.constant 3 : i32
    %dma_wait3A_103 = arith.constant 0 : i32
    %dma_wait3A_104 = arith.constant 0 : i32
    %dma_wait3A_105 = tpu.memref_slice %arg9[%dma_wait3A_102, %dma_wait3A_103, %dma_wait3A_104] : memref<4x128x32xf32, #tpu.memory_space<vmem>> -> memref<1x128x32xf32, #tpu.memory_space<vmem>>
    %dma_wait3A_106 = tpu.memref_squeeze %dma_wait3A_105 : memref<1x128x32xf32, #tpu.memory_space<vmem>> -> memref<128x32xf32, #tpu.memory_space<vmem>>
    %dma_wait3A_107 = arith.constant 0 : i32
    %dma_wait3A_108 = tpu.memref_slice %arg7[%dma_wait3A_101, %dma_wait3A_107] : memref<80x128xi32, #tpu.memory_space<vmem>> -> memref<1x128xi32, #tpu.memory_space<vmem>>
    %dma_wait3A_109 = tpu.memref_squeeze %dma_wait3A_108 : memref<1x128xi32, #tpu.memory_space<vmem>> -> memref<128xi32, #tpu.memory_space<vmem>>
    %dma_wait3A_110 = arith.constant 0 : i32
    %dma_wait3A_111 = arith.constant 0 : i32
    %dma_wait3A_112 = tpu.memref_slice %arg2[%dma_wait3A_110, %dma_wait3A_111] : memref<10240x32xf32, #tpu.memory_space<hbm>> -> memref<10240x32xf32, #tpu.memory_space<hbm>>
    tpu.wait_indirect_dma semaphore(%arg14 : memref<!tpu.dma_semaphore, #tpu.memory_space<semaphore_mem>>) src(%dma_wait3A_112 : memref<10240x32xf32, #tpu.memory_space<hbm>>) dst(%dma_wait3A_106 : memref<128x32xf32, #tpu.memory_space<vmem>>)
    %run_scoped3A_113 = arith.constant 3 : i32
    %run_scoped3A_114 = arith.constant 79 : i32
    "tpu.region"() ({
      %run_scoped3A_120 = tpu.sem_alloc : memref<!tpu.dma_semaphore, #tpu.memory_space<semaphore_mem>>
      %dma_start3A_121 = arith.constant 0 : i32
      %dma_start3A_122 = arith.constant 0 : i32
      %dma_start3A_123 = tpu.memref_slice %arg9[%run_scoped3A_113, %dma_start3A_121, %dma_start3A_122] : memref<4x128x32xf32, #tpu.memory_space<vmem>> -> memref<1x128x32xf32, #tpu.memory_space<vmem>>
      %dma_start3A_124 = tpu.memref_squeeze %dma_start3A_123 : memref<1x128x32xf32, #tpu.memory_space<vmem>> -> memref<128x32xf32, #tpu.memory_space<vmem>>
      %dma_start3A_125 = arith.constant 0 : i32
      %dma_start3A_126 = tpu.memref_slice %arg8[%run_scoped3A_114, %dma_start3A_125] : memref<80x128xi32, #tpu.memory_space<vmem>> -> memref<1x128xi32, #tpu.memory_space<vmem>>
      %dma_start3A_127 = tpu.memref_squeeze %dma_start3A_126 : memref<1x128xi32, #tpu.memory_space<vmem>> -> memref<128xi32, #tpu.memory_space<vmem>>
      %dma_start3A_128 = arith.constant 0 : i32
      %dma_start3A_129 = arith.constant 0 : i32
      %dma_start3A_130 = tpu.memref_slice %arg10[%dma_start3A_128, %dma_start3A_129] : memref<10240x32xf32, #tpu.memory_space<vmem_shared>> -> memref<10240x32xf32, #tpu.memory_space<vmem_shared>>
      tpu.enqueue_indirect_dma source(%dma_start3A_124 : memref<128x32xf32, #tpu.memory_space<vmem>>) target(%dma_start3A_130 : memref<10240x32xf32, #tpu.memory_space<vmem_shared>>) offsets(%dma_start3A_127 : memref<128xi32, #tpu.memory_space<vmem>>) semaphore(%run_scoped3A_120 : memref<!tpu.dma_semaphore, #tpu.memory_space<semaphore_mem>>) {add = true}
      %dma_wait3A_131 = arith.constant 0 : i32
      %dma_wait3A_132 = arith.constant 0 : i32
      %dma_wait3A_133 = tpu.memref_slice %arg9[%run_scoped3A_113, %dma_wait3A_131, %dma_wait3A_132] : memref<4x128x32xf32, #tpu.memory_space<vmem>> -> memref<1x128x32xf32, #tpu.memory_space<vmem>>
      %dma_wait3A_134 = tpu.memref_squeeze %dma_wait3A_133 : memref<1x128x32xf32, #tpu.memory_space<vmem>> -> memref<128x32xf32, #tpu.memory_space<vmem>>
      %dma_wait3A_135 = arith.constant 0 : i32
      %dma_wait3A_136 = tpu.memref_slice %arg8[%run_scoped3A_114, %dma_wait3A_135] : memref<80x128xi32, #tpu.memory_space<vmem>> -> memref<1x128xi32, #tpu.memory_space<vmem>>
      %dma_wait3A_137 = tpu.memref_squeeze %dma_wait3A_136 : memref<1x128xi32, #tpu.memory_space<vmem>> -> memref<128xi32, #tpu.memory_space<vmem>>
      %dma_wait3A_138 = arith.constant 0 : i32
      %dma_wait3A_139 = arith.constant 0 : i32
      %dma_wait3A_140 = tpu.memref_slice %arg10[%dma_wait3A_138, %dma_wait3A_139] : memref<10240x32xf32, #tpu.memory_space<vmem_shared>> -> memref<10240x32xf32, #tpu.memory_space<vmem_shared>>
      tpu.wait_indirect_dma semaphore(%run_scoped3A_120 : memref<!tpu.dma_semaphore, #tpu.memory_space<semaphore_mem>>) src(%dma_wait3A_134 : memref<128x32xf32, #tpu.memory_space<vmem>>) dst(%dma_wait3A_140 : memref<10240x32xf32, #tpu.memory_space<vmem_shared>>)
      tpu.yield
    }) : () -> ()
    %barrier3A_115 = arith.constant 0 : index
    tpu.barrier barrier_id(%barrier3A_115)
    %mul3A_116 = arith.constant 640 : i32
    %mul3A_117 = arith.muli %arg1, %mul3A_116 : i32
    %mul3A_118 = arith.constant 640 : i32
    %mul3A_119 = arith.muli %arg1, %mul3A_118 : i32
    "tpu.region"() ({
      %run_scoped3A_120 = tpu.sem_alloc : memref<!tpu.dma_semaphore, #tpu.memory_space<semaphore_mem>>
      %dma_start3A_121 = arith.constant 0 : i32
      %dma_start3A_122 = tpu.memref_slice %arg6[%arg0, %mul3A_119, %dma_start3A_121] : memref<2x10240x32xf32, #tpu.memory_space<hbm>> -> memref<1x640x32xf32, #tpu.memory_space<hbm>>
      %dma_start3A_123 = tpu.memref_squeeze %dma_start3A_122 : memref<1x640x32xf32, #tpu.memory_space<hbm>> -> memref<640x32xf32, #tpu.memory_space<hbm>>
      %dma_start3A_124 = arith.constant 0 : i32
      %dma_start3A_125 = tpu.memref_slice %arg10[%mul3A_117, %dma_start3A_124] : memref<10240x32xf32, #tpu.memory_space<vmem_shared>> -> memref<640x32xf32, #tpu.memory_space<vmem_shared>>
      tpu.enqueue_dma source(%dma_start3A_125 : memref<640x32xf32, #tpu.memory_space<vmem_shared>>) target(%dma_start3A_123 : memref<640x32xf32, #tpu.memory_space<hbm>>) target_semaphore(%run_scoped3A_120 : memref<!tpu.dma_semaphore, #tpu.memory_space<semaphore_mem>>)
      %dma_wait3A_126 = arith.constant 0 : i32
      %dma_wait3A_127 = tpu.memref_slice %arg6[%arg0, %mul3A_119, %dma_wait3A_126] : memref<2x10240x32xf32, #tpu.memory_space<hbm>> -> memref<1x640x32xf32, #tpu.memory_space<hbm>>
      %dma_wait3A_128 = tpu.memref_squeeze %dma_wait3A_127 : memref<1x640x32xf32, #tpu.memory_space<hbm>> -> memref<640x32xf32, #tpu.memory_space<hbm>>
      %dma_wait3A_129 = arith.constant 0 : i32
      %dma_wait3A_130 = tpu.memref_slice %arg10[%mul3A_117, %dma_wait3A_129] : memref<10240x32xf32, #tpu.memory_space<vmem_shared>> -> memref<640x32xf32, #tpu.memory_space<vmem_shared>>
      tpu.wait_dma2 semaphore(%run_scoped3A_120 : memref<!tpu.dma_semaphore, #tpu.memory_space<semaphore_mem>>) src(%dma_wait3A_130 : memref<640x32xf32, #tpu.memory_space<vmem_shared>>) dst(%dma_wait3A_128 : memref<640x32xf32, #tpu.memory_space<hbm>>)
      tpu.yield
    }) : () -> ()
    return
  }
}

#map = affine_map<(d0, d1) -> (0, 0)>
#map1 = affine_map<(d0, d1) -> (0, 0, 0)>
module attributes {stable_mosaic.version = 14 : i64} {
  func.func @_sc_agg_body(%arg0: i32, %arg1: i32, %arg2: memref<10240x32xf32, #tpu.memory_space<hbm>>, %arg3: memref<2560x128xi32, #tpu.memory_space<hbm>>, %arg4: memref<2560x128xi32, #tpu.memory_space<hbm>>, %arg5: memref<10240x32xf32, #tpu.memory_space<hbm>>, %arg6: memref<2x10240x32xf32, #tpu.memory_space<hbm>>, %arg7: memref<80x128xi32, #tpu.memory_space<vmem>>, %arg8: memref<80x128xi32, #tpu.memory_space<vmem>>, %arg9: memref<4x128x32xf32, #tpu.memory_space<vmem>>, %arg10: memref<10240x32xf32, #tpu.memory_space<vmem_shared>>, %arg11: memref<!tpu.dma_semaphore, #tpu.memory_space<semaphore_mem>>, %arg12: memref<!tpu.dma_semaphore, #tpu.memory_space<semaphore_mem>>, %arg13: memref<!tpu.dma_semaphore, #tpu.memory_space<semaphore_mem>>, %arg14: memref<!tpu.dma_semaphore, #tpu.memory_space<semaphore_mem>>) attributes {dimension_semantics = [#tpu.dimension_semantics<core_parallel>, #tpu.dimension_semantics<subcore_parallel>], iteration_bounds = array<i64: 2, 16>, scalar_prefetch = 0 : i64, scratch_operands = 8 : i64, tpu.core_type = #tpu.core_type<sc_vector_subcore>, window_params = [{transform_indices = #map}, {transform_indices = #map}, {transform_indices = #map}, {transform_indices = #map}, {transform_indices = #map1}]} {
    %mul3A = arith.constant 16 : i32
    %mul3A_0 = arith.muli %arg0, %mul3A : i32
    %add3A = arith.addi %mul3A_0, %arg1 : i32
    %mul3A_1 = arith.constant 640 : i32
    %mul3A_2 = arith.muli %arg1, %mul3A_1 : i32
    %mul3A_3 = arith.constant 640 : i32
    %mul3A_4 = arith.muli %arg1, %mul3A_3 : i32
    "tpu.region"() ({
      %run_scoped3A_120 = tpu.sem_alloc : memref<!tpu.dma_semaphore, #tpu.memory_space<semaphore_mem>>
      %dma_start3A_121 = arith.constant 0 : i32
      %dma_start3A_122 = tpu.memref_slice %arg10[%mul3A_4, %dma_start3A_121] : memref<10240x32xf32, #tpu.memory_space<vmem_shared>> -> memref<640x32xf32, #tpu.memory_space<vmem_shared>>
      %dma_start3A_123 = arith.constant 0 : i32
      %dma_start3A_124 = tpu.memref_slice %arg5[%mul3A_2, %dma_start3A_123] : memref<10240x32xf32, #tpu.memory_space<hbm>> -> memref<640x32xf32, #tpu.memory_space<hbm>>
      tpu.enqueue_dma source(%dma_start3A_124 : memref<640x32xf32, #tpu.memory_space<hbm>>) target(%dma_start3A_122 : memref<640x32xf32, #tpu.memory_space<vmem_shared>>) target_semaphore(%run_scoped3A_120 : memref<!tpu.dma_semaphore, #tpu.memory_space<semaphore_mem>>)
      %dma_wait3A_125 = arith.constant 0 : i32
      %dma_wait3A_126 = tpu.memref_slice %arg10[%mul3A_4, %dma_wait3A_125] : memref<10240x32xf32, #tpu.memory_space<vmem_shared>> -> memref<640x32xf32, #tpu.memory_space<vmem_shared>>
      %dma_wait3A_127 = arith.constant 0 : i32
      %dma_wait3A_128 = tpu.memref_slice %arg5[%mul3A_2, %dma_wait3A_127] : memref<10240x32xf32, #tpu.memory_space<hbm>> -> memref<640x32xf32, #tpu.memory_space<hbm>>
      tpu.wait_dma2 semaphore(%run_scoped3A_120 : memref<!tpu.dma_semaphore, #tpu.memory_space<semaphore_mem>>) src(%dma_wait3A_128 : memref<640x32xf32, #tpu.memory_space<hbm>>) dst(%dma_wait3A_126 : memref<640x32xf32, #tpu.memory_space<vmem_shared>>)
      tpu.yield
    }) : () -> ()
    %mul3A_5 = arith.constant 80 : i32
    %mul3A_6 = arith.muli %add3A, %mul3A_5 : i32
    "tpu.region"() ({
      %run_scoped3A_120 = tpu.sem_alloc : memref<!tpu.dma_semaphore, #tpu.memory_space<semaphore_mem>>
      %dma_start3A_121 = arith.constant 0 : i32
      %dma_start3A_122 = tpu.memref_slice %arg3[%mul3A_6, %dma_start3A_121] : memref<2560x128xi32, #tpu.memory_space<hbm>> -> memref<80x128xi32, #tpu.memory_space<hbm>>
      %dma_start3A_123 = arith.constant 0 : i32
      %dma_start3A_124 = tpu.memref_slice %arg3[%mul3A_6, %dma_start3A_123] : memref<2560x128xi32, #tpu.memory_space<hbm>> -> memref<80x128xi32, #tpu.memory_space<hbm>>
      tpu.enqueue_dma source(%dma_start3A_124 : memref<80x128xi32, #tpu.memory_space<hbm>>) target(%arg7 : memref<80x128xi32, #tpu.memory_space<vmem>>) target_semaphore(%run_scoped3A_120 : memref<!tpu.dma_semaphore, #tpu.memory_space<semaphore_mem>>)
      %dma_wait3A_125 = arith.constant 0 : i32
      %dma_wait3A_126 = tpu.memref_slice %arg3[%mul3A_6, %dma_wait3A_125] : memref<2560x128xi32, #tpu.memory_space<hbm>> -> memref<80x128xi32, #tpu.memory_space<hbm>>
      %dma_wait3A_127 = arith.constant 0 : i32
      %dma_wait3A_128 = tpu.memref_slice %arg3[%mul3A_6, %dma_wait3A_127] : memref<2560x128xi32, #tpu.memory_space<hbm>> -> memref<80x128xi32, #tpu.memory_space<hbm>>
      tpu.wait_dma2 semaphore(%run_scoped3A_120 : memref<!tpu.dma_semaphore, #tpu.memory_space<semaphore_mem>>) src(%dma_wait3A_128 : memref<80x128xi32, #tpu.memory_space<hbm>>) dst(%arg7 : memref<80x128xi32, #tpu.memory_space<vmem>>)
      tpu.yield
    }) : () -> ()
    %mul3A_7 = arith.constant 80 : i32
    %mul3A_8 = arith.muli %add3A, %mul3A_7 : i32
    "tpu.region"() ({
      %run_scoped3A_120 = tpu.sem_alloc : memref<!tpu.dma_semaphore, #tpu.memory_space<semaphore_mem>>
      %dma_start3A_121 = arith.constant 0 : i32
      %dma_start3A_122 = tpu.memref_slice %arg4[%mul3A_8, %dma_start3A_121] : memref<2560x128xi32, #tpu.memory_space<hbm>> -> memref<80x128xi32, #tpu.memory_space<hbm>>
      %dma_start3A_123 = arith.constant 0 : i32
      %dma_start3A_124 = tpu.memref_slice %arg4[%mul3A_8, %dma_start3A_123] : memref<2560x128xi32, #tpu.memory_space<hbm>> -> memref<80x128xi32, #tpu.memory_space<hbm>>
      tpu.enqueue_dma source(%dma_start3A_124 : memref<80x128xi32, #tpu.memory_space<hbm>>) target(%arg8 : memref<80x128xi32, #tpu.memory_space<vmem>>) target_semaphore(%run_scoped3A_120 : memref<!tpu.dma_semaphore, #tpu.memory_space<semaphore_mem>>)
      %dma_wait3A_125 = arith.constant 0 : i32
      %dma_wait3A_126 = tpu.memref_slice %arg4[%mul3A_8, %dma_wait3A_125] : memref<2560x128xi32, #tpu.memory_space<hbm>> -> memref<80x128xi32, #tpu.memory_space<hbm>>
      %dma_wait3A_127 = arith.constant 0 : i32
      %dma_wait3A_128 = tpu.memref_slice %arg4[%mul3A_8, %dma_wait3A_127] : memref<2560x128xi32, #tpu.memory_space<hbm>> -> memref<80x128xi32, #tpu.memory_space<hbm>>
      tpu.wait_dma2 semaphore(%run_scoped3A_120 : memref<!tpu.dma_semaphore, #tpu.memory_space<semaphore_mem>>) src(%dma_wait3A_128 : memref<80x128xi32, #tpu.memory_space<hbm>>) dst(%arg8 : memref<80x128xi32, #tpu.memory_space<vmem>>)
      tpu.yield
    }) : () -> ()
    %barrier3A = arith.constant 0 : index
    tpu.barrier barrier_id(%barrier3A)
    %dma_start3A = arith.constant 0 : i32
    %dma_start3A_9 = arith.constant 0 : i32
    %dma_start3A_10 = arith.constant 0 : i32
    %dma_start3A_11 = arith.constant 0 : i32
    %dma_start3A_12 = tpu.memref_slice %arg9[%dma_start3A_9, %dma_start3A_10, %dma_start3A_11] : memref<4x128x32xf32, #tpu.memory_space<vmem>> -> memref<1x128x32xf32, #tpu.memory_space<vmem>>
    %dma_start3A_13 = tpu.memref_squeeze %dma_start3A_12 : memref<1x128x32xf32, #tpu.memory_space<vmem>> -> memref<128x32xf32, #tpu.memory_space<vmem>>
    %dma_start3A_14 = arith.constant 0 : i32
    %dma_start3A_15 = tpu.memref_slice %arg7[%dma_start3A, %dma_start3A_14] : memref<80x128xi32, #tpu.memory_space<vmem>> -> memref<1x128xi32, #tpu.memory_space<vmem>>
    %dma_start3A_16 = tpu.memref_squeeze %dma_start3A_15 : memref<1x128xi32, #tpu.memory_space<vmem>> -> memref<128xi32, #tpu.memory_space<vmem>>
    %dma_start3A_17 = arith.constant 0 : i32
    %dma_start3A_18 = arith.constant 0 : i32
    %dma_start3A_19 = tpu.memref_slice %arg2[%dma_start3A_17, %dma_start3A_18] : memref<10240x32xf32, #tpu.memory_space<hbm>> -> memref<10240x32xf32, #tpu.memory_space<hbm>>
    tpu.enqueue_indirect_dma source(%dma_start3A_19 : memref<10240x32xf32, #tpu.memory_space<hbm>>) target(%dma_start3A_13 : memref<128x32xf32, #tpu.memory_space<vmem>>) offsets(%dma_start3A_16 : memref<128xi32, #tpu.memory_space<vmem>>) semaphore(%arg11 : memref<!tpu.dma_semaphore, #tpu.memory_space<semaphore_mem>>)
    %dma_start3A_20 = arith.constant 1 : i32
    %dma_start3A_21 = arith.constant 1 : i32
    %dma_start3A_22 = arith.constant 0 : i32
    %dma_start3A_23 = arith.constant 0 : i32
    %dma_start3A_24 = tpu.memref_slice %arg9[%dma_start3A_21, %dma_start3A_22, %dma_start3A_23] : memref<4x128x32xf32, #tpu.memory_space<vmem>> -> memref<1x128x32xf32, #tpu.memory_space<vmem>>
    %dma_start3A_25 = tpu.memref_squeeze %dma_start3A_24 : memref<1x128x32xf32, #tpu.memory_space<vmem>> -> memref<128x32xf32, #tpu.memory_space<vmem>>
    %dma_start3A_26 = arith.constant 0 : i32
    %dma_start3A_27 = tpu.memref_slice %arg7[%dma_start3A_20, %dma_start3A_26] : memref<80x128xi32, #tpu.memory_space<vmem>> -> memref<1x128xi32, #tpu.memory_space<vmem>>
    %dma_start3A_28 = tpu.memref_squeeze %dma_start3A_27 : memref<1x128xi32, #tpu.memory_space<vmem>> -> memref<128xi32, #tpu.memory_space<vmem>>
    %dma_start3A_29 = arith.constant 0 : i32
    %dma_start3A_30 = arith.constant 0 : i32
    %dma_start3A_31 = tpu.memref_slice %arg2[%dma_start3A_29, %dma_start3A_30] : memref<10240x32xf32, #tpu.memory_space<hbm>> -> memref<10240x32xf32, #tpu.memory_space<hbm>>
    tpu.enqueue_indirect_dma source(%dma_start3A_31 : memref<10240x32xf32, #tpu.memory_space<hbm>>) target(%dma_start3A_25 : memref<128x32xf32, #tpu.memory_space<vmem>>) offsets(%dma_start3A_28 : memref<128xi32, #tpu.memory_space<vmem>>) semaphore(%arg12 : memref<!tpu.dma_semaphore, #tpu.memory_space<semaphore_mem>>)
    %dma_start3A_32 = arith.constant 2 : i32
    %dma_start3A_33 = arith.constant 2 : i32
    %dma_start3A_34 = arith.constant 0 : i32
    %dma_start3A_35 = arith.constant 0 : i32
    %dma_start3A_36 = tpu.memref_slice %arg9[%dma_start3A_33, %dma_start3A_34, %dma_start3A_35] : memref<4x128x32xf32, #tpu.memory_space<vmem>> -> memref<1x128x32xf32, #tpu.memory_space<vmem>>
    %dma_start3A_37 = tpu.memref_squeeze %dma_start3A_36 : memref<1x128x32xf32, #tpu.memory_space<vmem>> -> memref<128x32xf32, #tpu.memory_space<vmem>>
    %dma_start3A_38 = arith.constant 0 : i32
    %dma_start3A_39 = tpu.memref_slice %arg7[%dma_start3A_32, %dma_start3A_38] : memref<80x128xi32, #tpu.memory_space<vmem>> -> memref<1x128xi32, #tpu.memory_space<vmem>>
    %dma_start3A_40 = tpu.memref_squeeze %dma_start3A_39 : memref<1x128xi32, #tpu.memory_space<vmem>> -> memref<128xi32, #tpu.memory_space<vmem>>
    %dma_start3A_41 = arith.constant 0 : i32
    %dma_start3A_42 = arith.constant 0 : i32
    %dma_start3A_43 = tpu.memref_slice %arg2[%dma_start3A_41, %dma_start3A_42] : memref<10240x32xf32, #tpu.memory_space<hbm>> -> memref<10240x32xf32, #tpu.memory_space<hbm>>
    tpu.enqueue_indirect_dma source(%dma_start3A_43 : memref<10240x32xf32, #tpu.memory_space<hbm>>) target(%dma_start3A_37 : memref<128x32xf32, #tpu.memory_space<vmem>>) offsets(%dma_start3A_40 : memref<128xi32, #tpu.memory_space<vmem>>) semaphore(%arg13 : memref<!tpu.dma_semaphore, #tpu.memory_space<semaphore_mem>>)
    %dma_start3A_44 = arith.constant 3 : i32
    %dma_start3A_45 = arith.constant 3 : i32
    %dma_start3A_46 = arith.constant 0 : i32
    %dma_start3A_47 = arith.constant 0 : i32
    %dma_start3A_48 = tpu.memref_slice %arg9[%dma_start3A_45, %dma_start3A_46, %dma_start3A_47] : memref<4x128x32xf32, #tpu.memory_space<vmem>> -> memref<1x128x32xf32, #tpu.memory_space<vmem>>
    %dma_start3A_49 = tpu.memref_squeeze %dma_start3A_48 : memref<1x128x32xf32, #tpu.memory_space<vmem>> -> memref<128x32xf32, #tpu.memory_space<vmem>>
    %dma_start3A_50 = arith.constant 0 : i32
    %dma_start3A_51 = tpu.memref_slice %arg7[%dma_start3A_44, %dma_start3A_50] : memref<80x128xi32, #tpu.memory_space<vmem>> -> memref<1x128xi32, #tpu.memory_space<vmem>>
    %dma_start3A_52 = tpu.memref_squeeze %dma_start3A_51 : memref<1x128xi32, #tpu.memory_space<vmem>> -> memref<128xi32, #tpu.memory_space<vmem>>
    %dma_start3A_53 = arith.constant 0 : i32
    %dma_start3A_54 = arith.constant 0 : i32
    %dma_start3A_55 = tpu.memref_slice %arg2[%dma_start3A_53, %dma_start3A_54] : memref<10240x32xf32, #tpu.memory_space<hbm>> -> memref<10240x32xf32, #tpu.memory_space<hbm>>
    tpu.enqueue_indirect_dma source(%dma_start3A_55 : memref<10240x32xf32, #tpu.memory_space<hbm>>) target(%dma_start3A_49 : memref<128x32xf32, #tpu.memory_space<vmem>>) offsets(%dma_start3A_52 : memref<128xi32, #tpu.memory_space<vmem>>) semaphore(%arg14 : memref<!tpu.dma_semaphore, #tpu.memory_space<semaphore_mem>>)
    %scan3A = arith.constant 0 : i32
    %scan3A_56 = arith.constant 0 : i32
    %scan3A_57 = arith.constant 19 : i32
    %scan3A_58 = arith.addi %scan3A_56, %scan3A_57 : i32
    %scan3A_59 = arith.constant 1 : i32
    scf.for %scan3A_120 = %scan3A_56 to %scan3A_58 step %scan3A_59  : i32 {
      %mul3A_121 = arith.constant 4 : i32
      %mul3A_122 = arith.muli %scan3A_120, %mul3A_121 : i32
      %add3A_123 = arith.constant 0 : i32
      %add3A_124 = arith.addi %mul3A_122, %add3A_123 : i32
      %dma_wait3A_125 = arith.constant 0 : i32
      %dma_wait3A_126 = arith.constant 0 : i32
      %dma_wait3A_127 = arith.constant 0 : i32
      %dma_wait3A_128 = tpu.memref_slice %arg9[%dma_wait3A_125, %dma_wait3A_126, %dma_wait3A_127] : memref<4x128x32xf32, #tpu.memory_space<vmem>> -> memref<1x128x32xf32, #tpu.memory_space<vmem>>
      %dma_wait3A_129 = tpu.memref_squeeze %dma_wait3A_128 : memref<1x128x32xf32, #tpu.memory_space<vmem>> -> memref<128x32xf32, #tpu.memory_space<vmem>>
      %dma_wait3A_130 = arith.constant 0 : i32
      %dma_wait3A_131 = tpu.memref_slice %arg7[%add3A_124, %dma_wait3A_130] : memref<80x128xi32, #tpu.memory_space<vmem>> -> memref<1x128xi32, #tpu.memory_space<vmem>>
      %dma_wait3A_132 = tpu.memref_squeeze %dma_wait3A_131 : memref<1x128xi32, #tpu.memory_space<vmem>> -> memref<128xi32, #tpu.memory_space<vmem>>
      %dma_wait3A_133 = arith.constant 0 : i32
      %dma_wait3A_134 = arith.constant 0 : i32
      %dma_wait3A_135 = tpu.memref_slice %arg2[%dma_wait3A_133, %dma_wait3A_134] : memref<10240x32xf32, #tpu.memory_space<hbm>> -> memref<10240x32xf32, #tpu.memory_space<hbm>>
      tpu.wait_indirect_dma semaphore(%arg11 : memref<!tpu.dma_semaphore, #tpu.memory_space<semaphore_mem>>) src(%dma_wait3A_135 : memref<10240x32xf32, #tpu.memory_space<hbm>>) dst(%dma_wait3A_129 : memref<128x32xf32, #tpu.memory_space<vmem>>)
      %run_scoped3A_136 = arith.constant 0 : i32
      "tpu.region"() ({
        %run_scoped3A_237 = tpu.sem_alloc : memref<!tpu.dma_semaphore, #tpu.memory_space<semaphore_mem>>
        %dma_start3A_238 = arith.constant 0 : i32
        %dma_start3A_239 = arith.constant 0 : i32
        %dma_start3A_240 = tpu.memref_slice %arg9[%run_scoped3A_136, %dma_start3A_238, %dma_start3A_239] : memref<4x128x32xf32, #tpu.memory_space<vmem>> -> memref<1x128x32xf32, #tpu.memory_space<vmem>>
        %dma_start3A_241 = tpu.memref_squeeze %dma_start3A_240 : memref<1x128x32xf32, #tpu.memory_space<vmem>> -> memref<128x32xf32, #tpu.memory_space<vmem>>
        %dma_start3A_242 = arith.constant 0 : i32
        %dma_start3A_243 = tpu.memref_slice %arg8[%add3A_124, %dma_start3A_242] : memref<80x128xi32, #tpu.memory_space<vmem>> -> memref<1x128xi32, #tpu.memory_space<vmem>>
        %dma_start3A_244 = tpu.memref_squeeze %dma_start3A_243 : memref<1x128xi32, #tpu.memory_space<vmem>> -> memref<128xi32, #tpu.memory_space<vmem>>
        %dma_start3A_245 = arith.constant 0 : i32
        %dma_start3A_246 = arith.constant 0 : i32
        %dma_start3A_247 = tpu.memref_slice %arg10[%dma_start3A_245, %dma_start3A_246] : memref<10240x32xf32, #tpu.memory_space<vmem_shared>> -> memref<10240x32xf32, #tpu.memory_space<vmem_shared>>
        tpu.enqueue_indirect_dma source(%dma_start3A_241 : memref<128x32xf32, #tpu.memory_space<vmem>>) target(%dma_start3A_247 : memref<10240x32xf32, #tpu.memory_space<vmem_shared>>) offsets(%dma_start3A_244 : memref<128xi32, #tpu.memory_space<vmem>>) semaphore(%run_scoped3A_237 : memref<!tpu.dma_semaphore, #tpu.memory_space<semaphore_mem>>) {add = true}
        %dma_wait3A_248 = arith.constant 0 : i32
        %dma_wait3A_249 = arith.constant 0 : i32
        %dma_wait3A_250 = tpu.memref_slice %arg9[%run_scoped3A_136, %dma_wait3A_248, %dma_wait3A_249] : memref<4x128x32xf32, #tpu.memory_space<vmem>> -> memref<1x128x32xf32, #tpu.memory_space<vmem>>
        %dma_wait3A_251 = tpu.memref_squeeze %dma_wait3A_250 : memref<1x128x32xf32, #tpu.memory_space<vmem>> -> memref<128x32xf32, #tpu.memory_space<vmem>>
        %dma_wait3A_252 = arith.constant 0 : i32
        %dma_wait3A_253 = tpu.memref_slice %arg8[%add3A_124, %dma_wait3A_252] : memref<80x128xi32, #tpu.memory_space<vmem>> -> memref<1x128xi32, #tpu.memory_space<vmem>>
        %dma_wait3A_254 = tpu.memref_squeeze %dma_wait3A_253 : memref<1x128xi32, #tpu.memory_space<vmem>> -> memref<128xi32, #tpu.memory_space<vmem>>
        %dma_wait3A_255 = arith.constant 0 : i32
        %dma_wait3A_256 = arith.constant 0 : i32
        %dma_wait3A_257 = tpu.memref_slice %arg10[%dma_wait3A_255, %dma_wait3A_256] : memref<10240x32xf32, #tpu.memory_space<vmem_shared>> -> memref<10240x32xf32, #tpu.memory_space<vmem_shared>>
        tpu.wait_indirect_dma semaphore(%run_scoped3A_237 : memref<!tpu.dma_semaphore, #tpu.memory_space<semaphore_mem>>) src(%dma_wait3A_251 : memref<128x32xf32, #tpu.memory_space<vmem>>) dst(%dma_wait3A_257 : memref<10240x32xf32, #tpu.memory_space<vmem_shared>>)
        tpu.yield
      }) : () -> ()
      %add3A_137 = arith.constant 4 : i32
      %add3A_138 = arith.addi %add3A_124, %add3A_137 : i32
      %dma_start3A_139 = arith.constant 0 : i32
      %dma_start3A_140 = arith.constant 0 : i32
      %dma_start3A_141 = arith.constant 0 : i32
      %dma_start3A_142 = tpu.memref_slice %arg9[%dma_start3A_139, %dma_start3A_140, %dma_start3A_141] : memref<4x128x32xf32, #tpu.memory_space<vmem>> -> memref<1x128x32xf32, #tpu.memory_space<vmem>>
      %dma_start3A_143 = tpu.memref_squeeze %dma_start3A_142 : memref<1x128x32xf32, #tpu.memory_space<vmem>> -> memref<128x32xf32, #tpu.memory_space<vmem>>
      %dma_start3A_144 = arith.constant 0 : i32
      %dma_start3A_145 = tpu.memref_slice %arg7[%add3A_138, %dma_start3A_144] : memref<80x128xi32, #tpu.memory_space<vmem>> -> memref<1x128xi32, #tpu.memory_space<vmem>>
      %dma_start3A_146 = tpu.memref_squeeze %dma_start3A_145 : memref<1x128xi32, #tpu.memory_space<vmem>> -> memref<128xi32, #tpu.memory_space<vmem>>
      %dma_start3A_147 = arith.constant 0 : i32
      %dma_start3A_148 = arith.constant 0 : i32
      %dma_start3A_149 = tpu.memref_slice %arg2[%dma_start3A_147, %dma_start3A_148] : memref<10240x32xf32, #tpu.memory_space<hbm>> -> memref<10240x32xf32, #tpu.memory_space<hbm>>
      tpu.enqueue_indirect_dma source(%dma_start3A_149 : memref<10240x32xf32, #tpu.memory_space<hbm>>) target(%dma_start3A_143 : memref<128x32xf32, #tpu.memory_space<vmem>>) offsets(%dma_start3A_146 : memref<128xi32, #tpu.memory_space<vmem>>) semaphore(%arg11 : memref<!tpu.dma_semaphore, #tpu.memory_space<semaphore_mem>>)
      %mul3A_150 = arith.constant 4 : i32
      %mul3A_151 = arith.muli %scan3A_120, %mul3A_150 : i32
      %add3A_152 = arith.constant 1 : i32
      %add3A_153 = arith.addi %mul3A_151, %add3A_152 : i32
      %dma_wait3A_154 = arith.constant 1 : i32
      %dma_wait3A_155 = arith.constant 0 : i32
      %dma_wait3A_156 = arith.constant 0 : i32
      %dma_wait3A_157 = tpu.memref_slice %arg9[%dma_wait3A_154, %dma_wait3A_155, %dma_wait3A_156] : memref<4x128x32xf32, #tpu.memory_space<vmem>> -> memref<1x128x32xf32, #tpu.memory_space<vmem>>
      %dma_wait3A_158 = tpu.memref_squeeze %dma_wait3A_157 : memref<1x128x32xf32, #tpu.memory_space<vmem>> -> memref<128x32xf32, #tpu.memory_space<vmem>>
      %dma_wait3A_159 = arith.constant 0 : i32
      %dma_wait3A_160 = tpu.memref_slice %arg7[%add3A_153, %dma_wait3A_159] : memref<80x128xi32, #tpu.memory_space<vmem>> -> memref<1x128xi32, #tpu.memory_space<vmem>>
      %dma_wait3A_161 = tpu.memref_squeeze %dma_wait3A_160 : memref<1x128xi32, #tpu.memory_space<vmem>> -> memref<128xi32, #tpu.memory_space<vmem>>
      %dma_wait3A_162 = arith.constant 0 : i32
      %dma_wait3A_163 = arith.constant 0 : i32
      %dma_wait3A_164 = tpu.memref_slice %arg2[%dma_wait3A_162, %dma_wait3A_163] : memref<10240x32xf32, #tpu.memory_space<hbm>> -> memref<10240x32xf32, #tpu.memory_space<hbm>>
      tpu.wait_indirect_dma semaphore(%arg12 : memref<!tpu.dma_semaphore, #tpu.memory_space<semaphore_mem>>) src(%dma_wait3A_164 : memref<10240x32xf32, #tpu.memory_space<hbm>>) dst(%dma_wait3A_158 : memref<128x32xf32, #tpu.memory_space<vmem>>)
      %run_scoped3A_165 = arith.constant 1 : i32
      "tpu.region"() ({
        %run_scoped3A_237 = tpu.sem_alloc : memref<!tpu.dma_semaphore, #tpu.memory_space<semaphore_mem>>
        %dma_start3A_238 = arith.constant 0 : i32
        %dma_start3A_239 = arith.constant 0 : i32
        %dma_start3A_240 = tpu.memref_slice %arg9[%run_scoped3A_165, %dma_start3A_238, %dma_start3A_239] : memref<4x128x32xf32, #tpu.memory_space<vmem>> -> memref<1x128x32xf32, #tpu.memory_space<vmem>>
        %dma_start3A_241 = tpu.memref_squeeze %dma_start3A_240 : memref<1x128x32xf32, #tpu.memory_space<vmem>> -> memref<128x32xf32, #tpu.memory_space<vmem>>
        %dma_start3A_242 = arith.constant 0 : i32
        %dma_start3A_243 = tpu.memref_slice %arg8[%add3A_153, %dma_start3A_242] : memref<80x128xi32, #tpu.memory_space<vmem>> -> memref<1x128xi32, #tpu.memory_space<vmem>>
        %dma_start3A_244 = tpu.memref_squeeze %dma_start3A_243 : memref<1x128xi32, #tpu.memory_space<vmem>> -> memref<128xi32, #tpu.memory_space<vmem>>
        %dma_start3A_245 = arith.constant 0 : i32
        %dma_start3A_246 = arith.constant 0 : i32
        %dma_start3A_247 = tpu.memref_slice %arg10[%dma_start3A_245, %dma_start3A_246] : memref<10240x32xf32, #tpu.memory_space<vmem_shared>> -> memref<10240x32xf32, #tpu.memory_space<vmem_shared>>
        tpu.enqueue_indirect_dma source(%dma_start3A_241 : memref<128x32xf32, #tpu.memory_space<vmem>>) target(%dma_start3A_247 : memref<10240x32xf32, #tpu.memory_space<vmem_shared>>) offsets(%dma_start3A_244 : memref<128xi32, #tpu.memory_space<vmem>>) semaphore(%run_scoped3A_237 : memref<!tpu.dma_semaphore, #tpu.memory_space<semaphore_mem>>) {add = true}
        %dma_wait3A_248 = arith.constant 0 : i32
        %dma_wait3A_249 = arith.constant 0 : i32
        %dma_wait3A_250 = tpu.memref_slice %arg9[%run_scoped3A_165, %dma_wait3A_248, %dma_wait3A_249] : memref<4x128x32xf32, #tpu.memory_space<vmem>> -> memref<1x128x32xf32, #tpu.memory_space<vmem>>
        %dma_wait3A_251 = tpu.memref_squeeze %dma_wait3A_250 : memref<1x128x32xf32, #tpu.memory_space<vmem>> -> memref<128x32xf32, #tpu.memory_space<vmem>>
        %dma_wait3A_252 = arith.constant 0 : i32
        %dma_wait3A_253 = tpu.memref_slice %arg8[%add3A_153, %dma_wait3A_252] : memref<80x128xi32, #tpu.memory_space<vmem>> -> memref<1x128xi32, #tpu.memory_space<vmem>>
        %dma_wait3A_254 = tpu.memref_squeeze %dma_wait3A_253 : memref<1x128xi32, #tpu.memory_space<vmem>> -> memref<128xi32, #tpu.memory_space<vmem>>
        %dma_wait3A_255 = arith.constant 0 : i32
        %dma_wait3A_256 = arith.constant 0 : i32
        %dma_wait3A_257 = tpu.memref_slice %arg10[%dma_wait3A_255, %dma_wait3A_256] : memref<10240x32xf32, #tpu.memory_space<vmem_shared>> -> memref<10240x32xf32, #tpu.memory_space<vmem_shared>>
        tpu.wait_indirect_dma semaphore(%run_scoped3A_237 : memref<!tpu.dma_semaphore, #tpu.memory_space<semaphore_mem>>) src(%dma_wait3A_251 : memref<128x32xf32, #tpu.memory_space<vmem>>) dst(%dma_wait3A_257 : memref<10240x32xf32, #tpu.memory_space<vmem_shared>>)
        tpu.yield
      }) : () -> ()
      %add3A_166 = arith.constant 4 : i32
      %add3A_167 = arith.addi %add3A_153, %add3A_166 : i32
      %dma_start3A_168 = arith.constant 1 : i32
      %dma_start3A_169 = arith.constant 0 : i32
      %dma_start3A_170 = arith.constant 0 : i32
      %dma_start3A_171 = tpu.memref_slice %arg9[%dma_start3A_168, %dma_start3A_169, %dma_start3A_170] : memref<4x128x32xf32, #tpu.memory_space<vmem>> -> memref<1x128x32xf32, #tpu.memory_space<vmem>>
      %dma_start3A_172 = tpu.memref_squeeze %dma_start3A_171 : memref<1x128x32xf32, #tpu.memory_space<vmem>> -> memref<128x32xf32, #tpu.memory_space<vmem>>
      %dma_start3A_173 = arith.constant 0 : i32
      %dma_start3A_174 = tpu.memref_slice %arg7[%add3A_167, %dma_start3A_173] : memref<80x128xi32, #tpu.memory_space<vmem>> -> memref<1x128xi32, #tpu.memory_space<vmem>>
      %dma_start3A_175 = tpu.memref_squeeze %dma_start3A_174 : memref<1x128xi32, #tpu.memory_space<vmem>> -> memref<128xi32, #tpu.memory_space<vmem>>
      %dma_start3A_176 = arith.constant 0 : i32
      %dma_start3A_177 = arith.constant 0 : i32
      %dma_start3A_178 = tpu.memref_slice %arg2[%dma_start3A_176, %dma_start3A_177] : memref<10240x32xf32, #tpu.memory_space<hbm>> -> memref<10240x32xf32, #tpu.memory_space<hbm>>
      tpu.enqueue_indirect_dma source(%dma_start3A_178 : memref<10240x32xf32, #tpu.memory_space<hbm>>) target(%dma_start3A_172 : memref<128x32xf32, #tpu.memory_space<vmem>>) offsets(%dma_start3A_175 : memref<128xi32, #tpu.memory_space<vmem>>) semaphore(%arg12 : memref<!tpu.dma_semaphore, #tpu.memory_space<semaphore_mem>>)
      %mul3A_179 = arith.constant 4 : i32
      %mul3A_180 = arith.muli %scan3A_120, %mul3A_179 : i32
      %add3A_181 = arith.constant 2 : i32
      %add3A_182 = arith.addi %mul3A_180, %add3A_181 : i32
      %dma_wait3A_183 = arith.constant 2 : i32
      %dma_wait3A_184 = arith.constant 0 : i32
      %dma_wait3A_185 = arith.constant 0 : i32
      %dma_wait3A_186 = tpu.memref_slice %arg9[%dma_wait3A_183, %dma_wait3A_184, %dma_wait3A_185] : memref<4x128x32xf32, #tpu.memory_space<vmem>> -> memref<1x128x32xf32, #tpu.memory_space<vmem>>
      %dma_wait3A_187 = tpu.memref_squeeze %dma_wait3A_186 : memref<1x128x32xf32, #tpu.memory_space<vmem>> -> memref<128x32xf32, #tpu.memory_space<vmem>>
      %dma_wait3A_188 = arith.constant 0 : i32
      %dma_wait3A_189 = tpu.memref_slice %arg7[%add3A_182, %dma_wait3A_188] : memref<80x128xi32, #tpu.memory_space<vmem>> -> memref<1x128xi32, #tpu.memory_space<vmem>>
      %dma_wait3A_190 = tpu.memref_squeeze %dma_wait3A_189 : memref<1x128xi32, #tpu.memory_space<vmem>> -> memref<128xi32, #tpu.memory_space<vmem>>
      %dma_wait3A_191 = arith.constant 0 : i32
      %dma_wait3A_192 = arith.constant 0 : i32
      %dma_wait3A_193 = tpu.memref_slice %arg2[%dma_wait3A_191, %dma_wait3A_192] : memref<10240x32xf32, #tpu.memory_space<hbm>> -> memref<10240x32xf32, #tpu.memory_space<hbm>>
      tpu.wait_indirect_dma semaphore(%arg13 : memref<!tpu.dma_semaphore, #tpu.memory_space<semaphore_mem>>) src(%dma_wait3A_193 : memref<10240x32xf32, #tpu.memory_space<hbm>>) dst(%dma_wait3A_187 : memref<128x32xf32, #tpu.memory_space<vmem>>)
      %run_scoped3A_194 = arith.constant 2 : i32
      "tpu.region"() ({
        %run_scoped3A_237 = tpu.sem_alloc : memref<!tpu.dma_semaphore, #tpu.memory_space<semaphore_mem>>
        %dma_start3A_238 = arith.constant 0 : i32
        %dma_start3A_239 = arith.constant 0 : i32
        %dma_start3A_240 = tpu.memref_slice %arg9[%run_scoped3A_194, %dma_start3A_238, %dma_start3A_239] : memref<4x128x32xf32, #tpu.memory_space<vmem>> -> memref<1x128x32xf32, #tpu.memory_space<vmem>>
        %dma_start3A_241 = tpu.memref_squeeze %dma_start3A_240 : memref<1x128x32xf32, #tpu.memory_space<vmem>> -> memref<128x32xf32, #tpu.memory_space<vmem>>
        %dma_start3A_242 = arith.constant 0 : i32
        %dma_start3A_243 = tpu.memref_slice %arg8[%add3A_182, %dma_start3A_242] : memref<80x128xi32, #tpu.memory_space<vmem>> -> memref<1x128xi32, #tpu.memory_space<vmem>>
        %dma_start3A_244 = tpu.memref_squeeze %dma_start3A_243 : memref<1x128xi32, #tpu.memory_space<vmem>> -> memref<128xi32, #tpu.memory_space<vmem>>
        %dma_start3A_245 = arith.constant 0 : i32
        %dma_start3A_246 = arith.constant 0 : i32
        %dma_start3A_247 = tpu.memref_slice %arg10[%dma_start3A_245, %dma_start3A_246] : memref<10240x32xf32, #tpu.memory_space<vmem_shared>> -> memref<10240x32xf32, #tpu.memory_space<vmem_shared>>
        tpu.enqueue_indirect_dma source(%dma_start3A_241 : memref<128x32xf32, #tpu.memory_space<vmem>>) target(%dma_start3A_247 : memref<10240x32xf32, #tpu.memory_space<vmem_shared>>) offsets(%dma_start3A_244 : memref<128xi32, #tpu.memory_space<vmem>>) semaphore(%run_scoped3A_237 : memref<!tpu.dma_semaphore, #tpu.memory_space<semaphore_mem>>) {add = true}
        %dma_wait3A_248 = arith.constant 0 : i32
        %dma_wait3A_249 = arith.constant 0 : i32
        %dma_wait3A_250 = tpu.memref_slice %arg9[%run_scoped3A_194, %dma_wait3A_248, %dma_wait3A_249] : memref<4x128x32xf32, #tpu.memory_space<vmem>> -> memref<1x128x32xf32, #tpu.memory_space<vmem>>
        %dma_wait3A_251 = tpu.memref_squeeze %dma_wait3A_250 : memref<1x128x32xf32, #tpu.memory_space<vmem>> -> memref<128x32xf32, #tpu.memory_space<vmem>>
        %dma_wait3A_252 = arith.constant 0 : i32
        %dma_wait3A_253 = tpu.memref_slice %arg8[%add3A_182, %dma_wait3A_252] : memref<80x128xi32, #tpu.memory_space<vmem>> -> memref<1x128xi32, #tpu.memory_space<vmem>>
        %dma_wait3A_254 = tpu.memref_squeeze %dma_wait3A_253 : memref<1x128xi32, #tpu.memory_space<vmem>> -> memref<128xi32, #tpu.memory_space<vmem>>
        %dma_wait3A_255 = arith.constant 0 : i32
        %dma_wait3A_256 = arith.constant 0 : i32
        %dma_wait3A_257 = tpu.memref_slice %arg10[%dma_wait3A_255, %dma_wait3A_256] : memref<10240x32xf32, #tpu.memory_space<vmem_shared>> -> memref<10240x32xf32, #tpu.memory_space<vmem_shared>>
        tpu.wait_indirect_dma semaphore(%run_scoped3A_237 : memref<!tpu.dma_semaphore, #tpu.memory_space<semaphore_mem>>) src(%dma_wait3A_251 : memref<128x32xf32, #tpu.memory_space<vmem>>) dst(%dma_wait3A_257 : memref<10240x32xf32, #tpu.memory_space<vmem_shared>>)
        tpu.yield
      }) : () -> ()
      %add3A_195 = arith.constant 4 : i32
      %add3A_196 = arith.addi %add3A_182, %add3A_195 : i32
      %dma_start3A_197 = arith.constant 2 : i32
      %dma_start3A_198 = arith.constant 0 : i32
      %dma_start3A_199 = arith.constant 0 : i32
      %dma_start3A_200 = tpu.memref_slice %arg9[%dma_start3A_197, %dma_start3A_198, %dma_start3A_199] : memref<4x128x32xf32, #tpu.memory_space<vmem>> -> memref<1x128x32xf32, #tpu.memory_space<vmem>>
      %dma_start3A_201 = tpu.memref_squeeze %dma_start3A_200 : memref<1x128x32xf32, #tpu.memory_space<vmem>> -> memref<128x32xf32, #tpu.memory_space<vmem>>
      %dma_start3A_202 = arith.constant 0 : i32
      %dma_start3A_203 = tpu.memref_slice %arg7[%add3A_196, %dma_start3A_202] : memref<80x128xi32, #tpu.memory_space<vmem>> -> memref<1x128xi32, #tpu.memory_space<vmem>>
      %dma_start3A_204 = tpu.memref_squeeze %dma_start3A_203 : memref<1x128xi32, #tpu.memory_space<vmem>> -> memref<128xi32, #tpu.memory_space<vmem>>
      %dma_start3A_205 = arith.constant 0 : i32
      %dma_start3A_206 = arith.constant 0 : i32
      %dma_start3A_207 = tpu.memref_slice %arg2[%dma_start3A_205, %dma_start3A_206] : memref<10240x32xf32, #tpu.memory_space<hbm>> -> memref<10240x32xf32, #tpu.memory_space<hbm>>
      tpu.enqueue_indirect_dma source(%dma_start3A_207 : memref<10240x32xf32, #tpu.memory_space<hbm>>) target(%dma_start3A_201 : memref<128x32xf32, #tpu.memory_space<vmem>>) offsets(%dma_start3A_204 : memref<128xi32, #tpu.memory_space<vmem>>) semaphore(%arg13 : memref<!tpu.dma_semaphore, #tpu.memory_space<semaphore_mem>>)
      %mul3A_208 = arith.constant 4 : i32
      %mul3A_209 = arith.muli %scan3A_120, %mul3A_208 : i32
      %add3A_210 = arith.constant 3 : i32
      %add3A_211 = arith.addi %mul3A_209, %add3A_210 : i32
      %dma_wait3A_212 = arith.constant 3 : i32
      %dma_wait3A_213 = arith.constant 0 : i32
      %dma_wait3A_214 = arith.constant 0 : i32
      %dma_wait3A_215 = tpu.memref_slice %arg9[%dma_wait3A_212, %dma_wait3A_213, %dma_wait3A_214] : memref<4x128x32xf32, #tpu.memory_space<vmem>> -> memref<1x128x32xf32, #tpu.memory_space<vmem>>
      %dma_wait3A_216 = tpu.memref_squeeze %dma_wait3A_215 : memref<1x128x32xf32, #tpu.memory_space<vmem>> -> memref<128x32xf32, #tpu.memory_space<vmem>>
      %dma_wait3A_217 = arith.constant 0 : i32
      %dma_wait3A_218 = tpu.memref_slice %arg7[%add3A_211, %dma_wait3A_217] : memref<80x128xi32, #tpu.memory_space<vmem>> -> memref<1x128xi32, #tpu.memory_space<vmem>>
      %dma_wait3A_219 = tpu.memref_squeeze %dma_wait3A_218 : memref<1x128xi32, #tpu.memory_space<vmem>> -> memref<128xi32, #tpu.memory_space<vmem>>
      %dma_wait3A_220 = arith.constant 0 : i32
      %dma_wait3A_221 = arith.constant 0 : i32
      %dma_wait3A_222 = tpu.memref_slice %arg2[%dma_wait3A_220, %dma_wait3A_221] : memref<10240x32xf32, #tpu.memory_space<hbm>> -> memref<10240x32xf32, #tpu.memory_space<hbm>>
      tpu.wait_indirect_dma semaphore(%arg14 : memref<!tpu.dma_semaphore, #tpu.memory_space<semaphore_mem>>) src(%dma_wait3A_222 : memref<10240x32xf32, #tpu.memory_space<hbm>>) dst(%dma_wait3A_216 : memref<128x32xf32, #tpu.memory_space<vmem>>)
      %run_scoped3A_223 = arith.constant 3 : i32
      "tpu.region"() ({
        %run_scoped3A_237 = tpu.sem_alloc : memref<!tpu.dma_semaphore, #tpu.memory_space<semaphore_mem>>
        %dma_start3A_238 = arith.constant 0 : i32
        %dma_start3A_239 = arith.constant 0 : i32
        %dma_start3A_240 = tpu.memref_slice %arg9[%run_scoped3A_223, %dma_start3A_238, %dma_start3A_239] : memref<4x128x32xf32, #tpu.memory_space<vmem>> -> memref<1x128x32xf32, #tpu.memory_space<vmem>>
        %dma_start3A_241 = tpu.memref_squeeze %dma_start3A_240 : memref<1x128x32xf32, #tpu.memory_space<vmem>> -> memref<128x32xf32, #tpu.memory_space<vmem>>
        %dma_start3A_242 = arith.constant 0 : i32
        %dma_start3A_243 = tpu.memref_slice %arg8[%add3A_211, %dma_start3A_242] : memref<80x128xi32, #tpu.memory_space<vmem>> -> memref<1x128xi32, #tpu.memory_space<vmem>>
        %dma_start3A_244 = tpu.memref_squeeze %dma_start3A_243 : memref<1x128xi32, #tpu.memory_space<vmem>> -> memref<128xi32, #tpu.memory_space<vmem>>
        %dma_start3A_245 = arith.constant 0 : i32
        %dma_start3A_246 = arith.constant 0 : i32
        %dma_start3A_247 = tpu.memref_slice %arg10[%dma_start3A_245, %dma_start3A_246] : memref<10240x32xf32, #tpu.memory_space<vmem_shared>> -> memref<10240x32xf32, #tpu.memory_space<vmem_shared>>
        tpu.enqueue_indirect_dma source(%dma_start3A_241 : memref<128x32xf32, #tpu.memory_space<vmem>>) target(%dma_start3A_247 : memref<10240x32xf32, #tpu.memory_space<vmem_shared>>) offsets(%dma_start3A_244 : memref<128xi32, #tpu.memory_space<vmem>>) semaphore(%run_scoped3A_237 : memref<!tpu.dma_semaphore, #tpu.memory_space<semaphore_mem>>) {add = true}
        %dma_wait3A_248 = arith.constant 0 : i32
        %dma_wait3A_249 = arith.constant 0 : i32
        %dma_wait3A_250 = tpu.memref_slice %arg9[%run_scoped3A_223, %dma_wait3A_248, %dma_wait3A_249] : memref<4x128x32xf32, #tpu.memory_space<vmem>> -> memref<1x128x32xf32, #tpu.memory_space<vmem>>
        %dma_wait3A_251 = tpu.memref_squeeze %dma_wait3A_250 : memref<1x128x32xf32, #tpu.memory_space<vmem>> -> memref<128x32xf32, #tpu.memory_space<vmem>>
        %dma_wait3A_252 = arith.constant 0 : i32
        %dma_wait3A_253 = tpu.memref_slice %arg8[%add3A_211, %dma_wait3A_252] : memref<80x128xi32, #tpu.memory_space<vmem>> -> memref<1x128xi32, #tpu.memory_space<vmem>>
        %dma_wait3A_254 = tpu.memref_squeeze %dma_wait3A_253 : memref<1x128xi32, #tpu.memory_space<vmem>> -> memref<128xi32, #tpu.memory_space<vmem>>
        %dma_wait3A_255 = arith.constant 0 : i32
        %dma_wait3A_256 = arith.constant 0 : i32
        %dma_wait3A_257 = tpu.memref_slice %arg10[%dma_wait3A_255, %dma_wait3A_256] : memref<10240x32xf32, #tpu.memory_space<vmem_shared>> -> memref<10240x32xf32, #tpu.memory_space<vmem_shared>>
        tpu.wait_indirect_dma semaphore(%run_scoped3A_237 : memref<!tpu.dma_semaphore, #tpu.memory_space<semaphore_mem>>) src(%dma_wait3A_251 : memref<128x32xf32, #tpu.memory_space<vmem>>) dst(%dma_wait3A_257 : memref<10240x32xf32, #tpu.memory_space<vmem_shared>>)
        tpu.yield
      }) : () -> ()
      %add3A_224 = arith.constant 4 : i32
      %add3A_225 = arith.addi %add3A_211, %add3A_224 : i32
      %dma_start3A_226 = arith.constant 3 : i32
      %dma_start3A_227 = arith.constant 0 : i32
      %dma_start3A_228 = arith.constant 0 : i32
      %dma_start3A_229 = tpu.memref_slice %arg9[%dma_start3A_226, %dma_start3A_227, %dma_start3A_228] : memref<4x128x32xf32, #tpu.memory_space<vmem>> -> memref<1x128x32xf32, #tpu.memory_space<vmem>>
      %dma_start3A_230 = tpu.memref_squeeze %dma_start3A_229 : memref<1x128x32xf32, #tpu.memory_space<vmem>> -> memref<128x32xf32, #tpu.memory_space<vmem>>
      %dma_start3A_231 = arith.constant 0 : i32
      %dma_start3A_232 = tpu.memref_slice %arg7[%add3A_225, %dma_start3A_231] : memref<80x128xi32, #tpu.memory_space<vmem>> -> memref<1x128xi32, #tpu.memory_space<vmem>>
      %dma_start3A_233 = tpu.memref_squeeze %dma_start3A_232 : memref<1x128xi32, #tpu.memory_space<vmem>> -> memref<128xi32, #tpu.memory_space<vmem>>
      %dma_start3A_234 = arith.constant 0 : i32
      %dma_start3A_235 = arith.constant 0 : i32
      %dma_start3A_236 = tpu.memref_slice %arg2[%dma_start3A_234, %dma_start3A_235] : memref<10240x32xf32, #tpu.memory_space<hbm>> -> memref<10240x32xf32, #tpu.memory_space<hbm>>
      tpu.enqueue_indirect_dma source(%dma_start3A_236 : memref<10240x32xf32, #tpu.memory_space<hbm>>) target(%dma_start3A_230 : memref<128x32xf32, #tpu.memory_space<vmem>>) offsets(%dma_start3A_233 : memref<128xi32, #tpu.memory_space<vmem>>) semaphore(%arg14 : memref<!tpu.dma_semaphore, #tpu.memory_space<semaphore_mem>>)
    }
    %scan3A_60 = arith.constant 19 : i32
    %dma_wait3A = arith.constant 76 : i32
    %dma_wait3A_61 = arith.constant 0 : i32
    %dma_wait3A_62 = arith.constant 0 : i32
    %dma_wait3A_63 = arith.constant 0 : i32
    %dma_wait3A_64 = tpu.memref_slice %arg9[%dma_wait3A_61, %dma_wait3A_62, %dma_wait3A_63] : memref<4x128x32xf32, #tpu.memory_space<vmem>> -> memref<1x128x32xf32, #tpu.memory_space<vmem>>
    %dma_wait3A_65 = tpu.memref_squeeze %dma_wait3A_64 : memref<1x128x32xf32, #tpu.memory_space<vmem>> -> memref<128x32xf32, #tpu.memory_space<vmem>>
    %dma_wait3A_66 = arith.constant 0 : i32
    %dma_wait3A_67 = tpu.memref_slice %arg7[%dma_wait3A, %dma_wait3A_66] : memref<80x128xi32, #tpu.memory_space<vmem>> -> memref<1x128xi32, #tpu.memory_space<vmem>>
    %dma_wait3A_68 = tpu.memref_squeeze %dma_wait3A_67 : memref<1x128xi32, #tpu.memory_space<vmem>> -> memref<128xi32, #tpu.memory_space<vmem>>
    %dma_wait3A_69 = arith.constant 0 : i32
    %dma_wait3A_70 = arith.constant 0 : i32
    %dma_wait3A_71 = tpu.memref_slice %arg2[%dma_wait3A_69, %dma_wait3A_70] : memref<10240x32xf32, #tpu.memory_space<hbm>> -> memref<10240x32xf32, #tpu.memory_space<hbm>>
    tpu.wait_indirect_dma semaphore(%arg11 : memref<!tpu.dma_semaphore, #tpu.memory_space<semaphore_mem>>) src(%dma_wait3A_71 : memref<10240x32xf32, #tpu.memory_space<hbm>>) dst(%dma_wait3A_65 : memref<128x32xf32, #tpu.memory_space<vmem>>)
    %run_scoped3A = arith.constant 0 : i32
    %run_scoped3A_72 = arith.constant 76 : i32
    "tpu.region"() ({
      %run_scoped3A_120 = tpu.sem_alloc : memref<!tpu.dma_semaphore, #tpu.memory_space<semaphore_mem>>
      %dma_start3A_121 = arith.constant 0 : i32
      %dma_start3A_122 = arith.constant 0 : i32
      %dma_start3A_123 = tpu.memref_slice %arg9[%run_scoped3A, %dma_start3A_121, %dma_start3A_122] : memref<4x128x32xf32, #tpu.memory_space<vmem>> -> memref<1x128x32xf32, #tpu.memory_space<vmem>>
      %dma_start3A_124 = tpu.memref_squeeze %dma_start3A_123 : memref<1x128x32xf32, #tpu.memory_space<vmem>> -> memref<128x32xf32, #tpu.memory_space<vmem>>
      %dma_start3A_125 = arith.constant 0 : i32
      %dma_start3A_126 = tpu.memref_slice %arg8[%run_scoped3A_72, %dma_start3A_125] : memref<80x128xi32, #tpu.memory_space<vmem>> -> memref<1x128xi32, #tpu.memory_space<vmem>>
      %dma_start3A_127 = tpu.memref_squeeze %dma_start3A_126 : memref<1x128xi32, #tpu.memory_space<vmem>> -> memref<128xi32, #tpu.memory_space<vmem>>
      %dma_start3A_128 = arith.constant 0 : i32
      %dma_start3A_129 = arith.constant 0 : i32
      %dma_start3A_130 = tpu.memref_slice %arg10[%dma_start3A_128, %dma_start3A_129] : memref<10240x32xf32, #tpu.memory_space<vmem_shared>> -> memref<10240x32xf32, #tpu.memory_space<vmem_shared>>
      tpu.enqueue_indirect_dma source(%dma_start3A_124 : memref<128x32xf32, #tpu.memory_space<vmem>>) target(%dma_start3A_130 : memref<10240x32xf32, #tpu.memory_space<vmem_shared>>) offsets(%dma_start3A_127 : memref<128xi32, #tpu.memory_space<vmem>>) semaphore(%run_scoped3A_120 : memref<!tpu.dma_semaphore, #tpu.memory_space<semaphore_mem>>) {add = true}
      %dma_wait3A_131 = arith.constant 0 : i32
      %dma_wait3A_132 = arith.constant 0 : i32
      %dma_wait3A_133 = tpu.memref_slice %arg9[%run_scoped3A, %dma_wait3A_131, %dma_wait3A_132] : memref<4x128x32xf32, #tpu.memory_space<vmem>> -> memref<1x128x32xf32, #tpu.memory_space<vmem>>
      %dma_wait3A_134 = tpu.memref_squeeze %dma_wait3A_133 : memref<1x128x32xf32, #tpu.memory_space<vmem>> -> memref<128x32xf32, #tpu.memory_space<vmem>>
      %dma_wait3A_135 = arith.constant 0 : i32
      %dma_wait3A_136 = tpu.memref_slice %arg8[%run_scoped3A_72, %dma_wait3A_135] : memref<80x128xi32, #tpu.memory_space<vmem>> -> memref<1x128xi32, #tpu.memory_space<vmem>>
      %dma_wait3A_137 = tpu.memref_squeeze %dma_wait3A_136 : memref<1x128xi32, #tpu.memory_space<vmem>> -> memref<128xi32, #tpu.memory_space<vmem>>
      %dma_wait3A_138 = arith.constant 0 : i32
      %dma_wait3A_139 = arith.constant 0 : i32
      %dma_wait3A_140 = tpu.memref_slice %arg10[%dma_wait3A_138, %dma_wait3A_139] : memref<10240x32xf32, #tpu.memory_space<vmem_shared>> -> memref<10240x32xf32, #tpu.memory_space<vmem_shared>>
      tpu.wait_indirect_dma semaphore(%run_scoped3A_120 : memref<!tpu.dma_semaphore, #tpu.memory_space<semaphore_mem>>) src(%dma_wait3A_134 : memref<128x32xf32, #tpu.memory_space<vmem>>) dst(%dma_wait3A_140 : memref<10240x32xf32, #tpu.memory_space<vmem_shared>>)
      tpu.yield
    }) : () -> ()
    %dma_wait3A_73 = arith.constant 77 : i32
    %dma_wait3A_74 = arith.constant 1 : i32
    %dma_wait3A_75 = arith.constant 0 : i32
    %dma_wait3A_76 = arith.constant 0 : i32
    %dma_wait3A_77 = tpu.memref_slice %arg9[%dma_wait3A_74, %dma_wait3A_75, %dma_wait3A_76] : memref<4x128x32xf32, #tpu.memory_space<vmem>> -> memref<1x128x32xf32, #tpu.memory_space<vmem>>
    %dma_wait3A_78 = tpu.memref_squeeze %dma_wait3A_77 : memref<1x128x32xf32, #tpu.memory_space<vmem>> -> memref<128x32xf32, #tpu.memory_space<vmem>>
    %dma_wait3A_79 = arith.constant 0 : i32
    %dma_wait3A_80 = tpu.memref_slice %arg7[%dma_wait3A_73, %dma_wait3A_79] : memref<80x128xi32, #tpu.memory_space<vmem>> -> memref<1x128xi32, #tpu.memory_space<vmem>>
    %dma_wait3A_81 = tpu.memref_squeeze %dma_wait3A_80 : memref<1x128xi32, #tpu.memory_space<vmem>> -> memref<128xi32, #tpu.memory_space<vmem>>
    %dma_wait3A_82 = arith.constant 0 : i32
    %dma_wait3A_83 = arith.constant 0 : i32
    %dma_wait3A_84 = tpu.memref_slice %arg2[%dma_wait3A_82, %dma_wait3A_83] : memref<10240x32xf32, #tpu.memory_space<hbm>> -> memref<10240x32xf32, #tpu.memory_space<hbm>>
    tpu.wait_indirect_dma semaphore(%arg12 : memref<!tpu.dma_semaphore, #tpu.memory_space<semaphore_mem>>) src(%dma_wait3A_84 : memref<10240x32xf32, #tpu.memory_space<hbm>>) dst(%dma_wait3A_78 : memref<128x32xf32, #tpu.memory_space<vmem>>)
    %run_scoped3A_85 = arith.constant 1 : i32
    %run_scoped3A_86 = arith.constant 77 : i32
    "tpu.region"() ({
      %run_scoped3A_120 = tpu.sem_alloc : memref<!tpu.dma_semaphore, #tpu.memory_space<semaphore_mem>>
      %dma_start3A_121 = arith.constant 0 : i32
      %dma_start3A_122 = arith.constant 0 : i32
      %dma_start3A_123 = tpu.memref_slice %arg9[%run_scoped3A_85, %dma_start3A_121, %dma_start3A_122] : memref<4x128x32xf32, #tpu.memory_space<vmem>> -> memref<1x128x32xf32, #tpu.memory_space<vmem>>
      %dma_start3A_124 = tpu.memref_squeeze %dma_start3A_123 : memref<1x128x32xf32, #tpu.memory_space<vmem>> -> memref<128x32xf32, #tpu.memory_space<vmem>>
      %dma_start3A_125 = arith.constant 0 : i32
      %dma_start3A_126 = tpu.memref_slice %arg8[%run_scoped3A_86, %dma_start3A_125] : memref<80x128xi32, #tpu.memory_space<vmem>> -> memref<1x128xi32, #tpu.memory_space<vmem>>
      %dma_start3A_127 = tpu.memref_squeeze %dma_start3A_126 : memref<1x128xi32, #tpu.memory_space<vmem>> -> memref<128xi32, #tpu.memory_space<vmem>>
      %dma_start3A_128 = arith.constant 0 : i32
      %dma_start3A_129 = arith.constant 0 : i32
      %dma_start3A_130 = tpu.memref_slice %arg10[%dma_start3A_128, %dma_start3A_129] : memref<10240x32xf32, #tpu.memory_space<vmem_shared>> -> memref<10240x32xf32, #tpu.memory_space<vmem_shared>>
      tpu.enqueue_indirect_dma source(%dma_start3A_124 : memref<128x32xf32, #tpu.memory_space<vmem>>) target(%dma_start3A_130 : memref<10240x32xf32, #tpu.memory_space<vmem_shared>>) offsets(%dma_start3A_127 : memref<128xi32, #tpu.memory_space<vmem>>) semaphore(%run_scoped3A_120 : memref<!tpu.dma_semaphore, #tpu.memory_space<semaphore_mem>>) {add = true}
      %dma_wait3A_131 = arith.constant 0 : i32
      %dma_wait3A_132 = arith.constant 0 : i32
      %dma_wait3A_133 = tpu.memref_slice %arg9[%run_scoped3A_85, %dma_wait3A_131, %dma_wait3A_132] : memref<4x128x32xf32, #tpu.memory_space<vmem>> -> memref<1x128x32xf32, #tpu.memory_space<vmem>>
      %dma_wait3A_134 = tpu.memref_squeeze %dma_wait3A_133 : memref<1x128x32xf32, #tpu.memory_space<vmem>> -> memref<128x32xf32, #tpu.memory_space<vmem>>
      %dma_wait3A_135 = arith.constant 0 : i32
      %dma_wait3A_136 = tpu.memref_slice %arg8[%run_scoped3A_86, %dma_wait3A_135] : memref<80x128xi32, #tpu.memory_space<vmem>> -> memref<1x128xi32, #tpu.memory_space<vmem>>
      %dma_wait3A_137 = tpu.memref_squeeze %dma_wait3A_136 : memref<1x128xi32, #tpu.memory_space<vmem>> -> memref<128xi32, #tpu.memory_space<vmem>>
      %dma_wait3A_138 = arith.constant 0 : i32
      %dma_wait3A_139 = arith.constant 0 : i32
      %dma_wait3A_140 = tpu.memref_slice %arg10[%dma_wait3A_138, %dma_wait3A_139] : memref<10240x32xf32, #tpu.memory_space<vmem_shared>> -> memref<10240x32xf32, #tpu.memory_space<vmem_shared>>
      tpu.wait_indirect_dma semaphore(%run_scoped3A_120 : memref<!tpu.dma_semaphore, #tpu.memory_space<semaphore_mem>>) src(%dma_wait3A_134 : memref<128x32xf32, #tpu.memory_space<vmem>>) dst(%dma_wait3A_140 : memref<10240x32xf32, #tpu.memory_space<vmem_shared>>)
      tpu.yield
    }) : () -> ()
    %dma_wait3A_87 = arith.constant 78 : i32
    %dma_wait3A_88 = arith.constant 2 : i32
    %dma_wait3A_89 = arith.constant 0 : i32
    %dma_wait3A_90 = arith.constant 0 : i32
    %dma_wait3A_91 = tpu.memref_slice %arg9[%dma_wait3A_88, %dma_wait3A_89, %dma_wait3A_90] : memref<4x128x32xf32, #tpu.memory_space<vmem>> -> memref<1x128x32xf32, #tpu.memory_space<vmem>>
    %dma_wait3A_92 = tpu.memref_squeeze %dma_wait3A_91 : memref<1x128x32xf32, #tpu.memory_space<vmem>> -> memref<128x32xf32, #tpu.memory_space<vmem>>
    %dma_wait3A_93 = arith.constant 0 : i32
    %dma_wait3A_94 = tpu.memref_slice %arg7[%dma_wait3A_87, %dma_wait3A_93] : memref<80x128xi32, #tpu.memory_space<vmem>> -> memref<1x128xi32, #tpu.memory_space<vmem>>
    %dma_wait3A_95 = tpu.memref_squeeze %dma_wait3A_94 : memref<1x128xi32, #tpu.memory_space<vmem>> -> memref<128xi32, #tpu.memory_space<vmem>>
    %dma_wait3A_96 = arith.constant 0 : i32
    %dma_wait3A_97 = arith.constant 0 : i32
    %dma_wait3A_98 = tpu.memref_slice %arg2[%dma_wait3A_96, %dma_wait3A_97] : memref<10240x32xf32, #tpu.memory_space<hbm>> -> memref<10240x32xf32, #tpu.memory_space<hbm>>
    tpu.wait_indirect_dma semaphore(%arg13 : memref<!tpu.dma_semaphore, #tpu.memory_space<semaphore_mem>>) src(%dma_wait3A_98 : memref<10240x32xf32, #tpu.memory_space<hbm>>) dst(%dma_wait3A_92 : memref<128x32xf32, #tpu.memory_space<vmem>>)
    %run_scoped3A_99 = arith.constant 2 : i32
    %run_scoped3A_100 = arith.constant 78 : i32
    "tpu.region"() ({
      %run_scoped3A_120 = tpu.sem_alloc : memref<!tpu.dma_semaphore, #tpu.memory_space<semaphore_mem>>
      %dma_start3A_121 = arith.constant 0 : i32
      %dma_start3A_122 = arith.constant 0 : i32
      %dma_start3A_123 = tpu.memref_slice %arg9[%run_scoped3A_99, %dma_start3A_121, %dma_start3A_122] : memref<4x128x32xf32, #tpu.memory_space<vmem>> -> memref<1x128x32xf32, #tpu.memory_space<vmem>>
      %dma_start3A_124 = tpu.memref_squeeze %dma_start3A_123 : memref<1x128x32xf32, #tpu.memory_space<vmem>> -> memref<128x32xf32, #tpu.memory_space<vmem>>
      %dma_start3A_125 = arith.constant 0 : i32
      %dma_start3A_126 = tpu.memref_slice %arg8[%run_scoped3A_100, %dma_start3A_125] : memref<80x128xi32, #tpu.memory_space<vmem>> -> memref<1x128xi32, #tpu.memory_space<vmem>>
      %dma_start3A_127 = tpu.memref_squeeze %dma_start3A_126 : memref<1x128xi32, #tpu.memory_space<vmem>> -> memref<128xi32, #tpu.memory_space<vmem>>
      %dma_start3A_128 = arith.constant 0 : i32
      %dma_start3A_129 = arith.constant 0 : i32
      %dma_start3A_130 = tpu.memref_slice %arg10[%dma_start3A_128, %dma_start3A_129] : memref<10240x32xf32, #tpu.memory_space<vmem_shared>> -> memref<10240x32xf32, #tpu.memory_space<vmem_shared>>
      tpu.enqueue_indirect_dma source(%dma_start3A_124 : memref<128x32xf32, #tpu.memory_space<vmem>>) target(%dma_start3A_130 : memref<10240x32xf32, #tpu.memory_space<vmem_shared>>) offsets(%dma_start3A_127 : memref<128xi32, #tpu.memory_space<vmem>>) semaphore(%run_scoped3A_120 : memref<!tpu.dma_semaphore, #tpu.memory_space<semaphore_mem>>) {add = true}
      %dma_wait3A_131 = arith.constant 0 : i32
      %dma_wait3A_132 = arith.constant 0 : i32
      %dma_wait3A_133 = tpu.memref_slice %arg9[%run_scoped3A_99, %dma_wait3A_131, %dma_wait3A_132] : memref<4x128x32xf32, #tpu.memory_space<vmem>> -> memref<1x128x32xf32, #tpu.memory_space<vmem>>
      %dma_wait3A_134 = tpu.memref_squeeze %dma_wait3A_133 : memref<1x128x32xf32, #tpu.memory_space<vmem>> -> memref<128x32xf32, #tpu.memory_space<vmem>>
      %dma_wait3A_135 = arith.constant 0 : i32
      %dma_wait3A_136 = tpu.memref_slice %arg8[%run_scoped3A_100, %dma_wait3A_135] : memref<80x128xi32, #tpu.memory_space<vmem>> -> memref<1x128xi32, #tpu.memory_space<vmem>>
      %dma_wait3A_137 = tpu.memref_squeeze %dma_wait3A_136 : memref<1x128xi32, #tpu.memory_space<vmem>> -> memref<128xi32, #tpu.memory_space<vmem>>
      %dma_wait3A_138 = arith.constant 0 : i32
      %dma_wait3A_139 = arith.constant 0 : i32
      %dma_wait3A_140 = tpu.memref_slice %arg10[%dma_wait3A_138, %dma_wait3A_139] : memref<10240x32xf32, #tpu.memory_space<vmem_shared>> -> memref<10240x32xf32, #tpu.memory_space<vmem_shared>>
      tpu.wait_indirect_dma semaphore(%run_scoped3A_120 : memref<!tpu.dma_semaphore, #tpu.memory_space<semaphore_mem>>) src(%dma_wait3A_134 : memref<128x32xf32, #tpu.memory_space<vmem>>) dst(%dma_wait3A_140 : memref<10240x32xf32, #tpu.memory_space<vmem_shared>>)
      tpu.yield
    }) : () -> ()
    %dma_wait3A_101 = arith.constant 79 : i32
    %dma_wait3A_102 = arith.constant 3 : i32
    %dma_wait3A_103 = arith.constant 0 : i32
    %dma_wait3A_104 = arith.constant 0 : i32
    %dma_wait3A_105 = tpu.memref_slice %arg9[%dma_wait3A_102, %dma_wait3A_103, %dma_wait3A_104] : memref<4x128x32xf32, #tpu.memory_space<vmem>> -> memref<1x128x32xf32, #tpu.memory_space<vmem>>
    %dma_wait3A_106 = tpu.memref_squeeze %dma_wait3A_105 : memref<1x128x32xf32, #tpu.memory_space<vmem>> -> memref<128x32xf32, #tpu.memory_space<vmem>>
    %dma_wait3A_107 = arith.constant 0 : i32
    %dma_wait3A_108 = tpu.memref_slice %arg7[%dma_wait3A_101, %dma_wait3A_107] : memref<80x128xi32, #tpu.memory_space<vmem>> -> memref<1x128xi32, #tpu.memory_space<vmem>>
    %dma_wait3A_109 = tpu.memref_squeeze %dma_wait3A_108 : memref<1x128xi32, #tpu.memory_space<vmem>> -> memref<128xi32, #tpu.memory_space<vmem>>
    %dma_wait3A_110 = arith.constant 0 : i32
    %dma_wait3A_111 = arith.constant 0 : i32
    %dma_wait3A_112 = tpu.memref_slice %arg2[%dma_wait3A_110, %dma_wait3A_111] : memref<10240x32xf32, #tpu.memory_space<hbm>> -> memref<10240x32xf32, #tpu.memory_space<hbm>>
    tpu.wait_indirect_dma semaphore(%arg14 : memref<!tpu.dma_semaphore, #tpu.memory_space<semaphore_mem>>) src(%dma_wait3A_112 : memref<10240x32xf32, #tpu.memory_space<hbm>>) dst(%dma_wait3A_106 : memref<128x32xf32, #tpu.memory_space<vmem>>)
    %run_scoped3A_113 = arith.constant 3 : i32
    %run_scoped3A_114 = arith.constant 79 : i32
    "tpu.region"() ({
      %run_scoped3A_120 = tpu.sem_alloc : memref<!tpu.dma_semaphore, #tpu.memory_space<semaphore_mem>>
      %dma_start3A_121 = arith.constant 0 : i32
      %dma_start3A_122 = arith.constant 0 : i32
      %dma_start3A_123 = tpu.memref_slice %arg9[%run_scoped3A_113, %dma_start3A_121, %dma_start3A_122] : memref<4x128x32xf32, #tpu.memory_space<vmem>> -> memref<1x128x32xf32, #tpu.memory_space<vmem>>
      %dma_start3A_124 = tpu.memref_squeeze %dma_start3A_123 : memref<1x128x32xf32, #tpu.memory_space<vmem>> -> memref<128x32xf32, #tpu.memory_space<vmem>>
      %dma_start3A_125 = arith.constant 0 : i32
      %dma_start3A_126 = tpu.memref_slice %arg8[%run_scoped3A_114, %dma_start3A_125] : memref<80x128xi32, #tpu.memory_space<vmem>> -> memref<1x128xi32, #tpu.memory_space<vmem>>
      %dma_start3A_127 = tpu.memref_squeeze %dma_start3A_126 : memref<1x128xi32, #tpu.memory_space<vmem>> -> memref<128xi32, #tpu.memory_space<vmem>>
      %dma_start3A_128 = arith.constant 0 : i32
      %dma_start3A_129 = arith.constant 0 : i32
      %dma_start3A_130 = tpu.memref_slice %arg10[%dma_start3A_128, %dma_start3A_129] : memref<10240x32xf32, #tpu.memory_space<vmem_shared>> -> memref<10240x32xf32, #tpu.memory_space<vmem_shared>>
      tpu.enqueue_indirect_dma source(%dma_start3A_124 : memref<128x32xf32, #tpu.memory_space<vmem>>) target(%dma_start3A_130 : memref<10240x32xf32, #tpu.memory_space<vmem_shared>>) offsets(%dma_start3A_127 : memref<128xi32, #tpu.memory_space<vmem>>) semaphore(%run_scoped3A_120 : memref<!tpu.dma_semaphore, #tpu.memory_space<semaphore_mem>>) {add = true}
      %dma_wait3A_131 = arith.constant 0 : i32
      %dma_wait3A_132 = arith.constant 0 : i32
      %dma_wait3A_133 = tpu.memref_slice %arg9[%run_scoped3A_113, %dma_wait3A_131, %dma_wait3A_132] : memref<4x128x32xf32, #tpu.memory_space<vmem>> -> memref<1x128x32xf32, #tpu.memory_space<vmem>>
      %dma_wait3A_134 = tpu.memref_squeeze %dma_wait3A_133 : memref<1x128x32xf32, #tpu.memory_space<vmem>> -> memref<128x32xf32, #tpu.memory_space<vmem>>
      %dma_wait3A_135 = arith.constant 0 : i32
      %dma_wait3A_136 = tpu.memref_slice %arg8[%run_scoped3A_114, %dma_wait3A_135] : memref<80x128xi32, #tpu.memory_space<vmem>> -> memref<1x128xi32, #tpu.memory_space<vmem>>
      %dma_wait3A_137 = tpu.memref_squeeze %dma_wait3A_136 : memref<1x128xi32, #tpu.memory_space<vmem>> -> memref<128xi32, #tpu.memory_space<vmem>>
      %dma_wait3A_138 = arith.constant 0 : i32
      %dma_wait3A_139 = arith.constant 0 : i32
      %dma_wait3A_140 = tpu.memref_slice %arg10[%dma_wait3A_138, %dma_wait3A_139] : memref<10240x32xf32, #tpu.memory_space<vmem_shared>> -> memref<10240x32xf32, #tpu.memory_space<vmem_shared>>
      tpu.wait_indirect_dma semaphore(%run_scoped3A_120 : memref<!tpu.dma_semaphore, #tpu.memory_space<semaphore_mem>>) src(%dma_wait3A_134 : memref<128x32xf32, #tpu.memory_space<vmem>>) dst(%dma_wait3A_140 : memref<10240x32xf32, #tpu.memory_space<vmem_shared>>)
      tpu.yield
    }) : () -> ()
    %barrier3A_115 = arith.constant 0 : index
    tpu.barrier barrier_id(%barrier3A_115)
    %mul3A_116 = arith.constant 640 : i32
    %mul3A_117 = arith.muli %arg1, %mul3A_116 : i32
    %mul3A_118 = arith.constant 640 : i32
    %mul3A_119 = arith.muli %arg1, %mul3A_118 : i32
    "tpu.region"() ({
      %run_scoped3A_120 = tpu.sem_alloc : memref<!tpu.dma_semaphore, #tpu.memory_space<semaphore_mem>>
      %dma_start3A_121 = arith.constant 0 : i32
      %dma_start3A_122 = tpu.memref_slice %arg6[%arg0, %mul3A_119, %dma_start3A_121] : memref<2x10240x32xf32, #tpu.memory_space<hbm>> -> memref<1x640x32xf32, #tpu.memory_space<hbm>>
      %dma_start3A_123 = tpu.memref_squeeze %dma_start3A_122 : memref<1x640x32xf32, #tpu.memory_space<hbm>> -> memref<640x32xf32, #tpu.memory_space<hbm>>
      %dma_start3A_124 = arith.constant 0 : i32
      %dma_start3A_125 = tpu.memref_slice %arg10[%mul3A_117, %dma_start3A_124] : memref<10240x32xf32, #tpu.memory_space<vmem_shared>> -> memref<640x32xf32, #tpu.memory_space<vmem_shared>>
      tpu.enqueue_dma source(%dma_start3A_125 : memref<640x32xf32, #tpu.memory_space<vmem_shared>>) target(%dma_start3A_123 : memref<640x32xf32, #tpu.memory_space<hbm>>) target_semaphore(%run_scoped3A_120 : memref<!tpu.dma_semaphore, #tpu.memory_space<semaphore_mem>>)
      %dma_wait3A_126 = arith.constant 0 : i32
      %dma_wait3A_127 = tpu.memref_slice %arg6[%arg0, %mul3A_119, %dma_wait3A_126] : memref<2x10240x32xf32, #tpu.memory_space<hbm>> -> memref<1x640x32xf32, #tpu.memory_space<hbm>>
      %dma_wait3A_128 = tpu.memref_squeeze %dma_wait3A_127 : memref<1x640x32xf32, #tpu.memory_space<hbm>> -> memref<640x32xf32, #tpu.memory_space<hbm>>
      %dma_wait3A_129 = arith.constant 0 : i32
      %dma_wait3A_130 = tpu.memref_slice %arg10[%mul3A_117, %dma_wait3A_129] : memref<10240x32xf32, #tpu.memory_space<vmem_shared>> -> memref<640x32xf32, #tpu.memory_space<vmem_shared>>
      tpu.wait_dma2 semaphore(%run_scoped3A_120 : memref<!tpu.dma_semaphore, #tpu.memory_space<semaphore_mem>>) src(%dma_wait3A_130 : memref<640x32xf32, #tpu.memory_space<vmem_shared>>) dst(%dma_wait3A_128 : memref<640x32xf32, #tpu.memory_space<hbm>>)
      tpu.yield
    }) : () -> ()
    return
  }
}

module attributes {stable_mosaic.version = 14 : i64} {
  func.func @_stage0_body(%arg0: memref<10000x128xf32, #tpu.memory_space<vmem>>, %arg1: memref<128x32xf32, #tpu.memory_space<vmem>>, %arg2: memref<10240x32xf32, #tpu.memory_space<vmem>>) attributes {dimension_semantics = [], scalar_prefetch = 0 : i64, scratch_operands = 0 : i64, tpu.core_type = #tpu.core_type<tc>} {
    %get3A = arith.constant 0 : index
    %get3A_0 = arith.constant 0 : index
    %get3A_1 = vector.load %arg0[%get3A, %get3A_0] : memref<10000x128xf32, #tpu.memory_space<vmem>>, vector<10000x128xf32>
    %get3A_2 = arith.constant 0 : index
    %get3A_3 = arith.constant 0 : index
    %get3A_4 = vector.load %arg1[%get3A_2, %get3A_3] : memref<128x32xf32, #tpu.memory_space<vmem>>, vector<128x32xf32>
    %dot_general3A = arith.constant dense<0.000000e+00> : vector<10000x32xf32>
    %dot_general3A_5 = tpu.matmul %get3A_1, %get3A_4, %dot_general3A {dimension_numbers = #tpu.dot_dimension_numbers<[1], [0], [0], [1], [0, 0, 1, 1], [], []>, transpose_lhs_hint = false} : vector<10000x128xf32>, vector<128x32xf32>, vector<10000x32xf32> -> vector<10000x32xf32>
    %swap3A = arith.constant 0 : index
    %swap3A_6 = arith.constant 0 : index
    %swap3A_7 = vector.load %arg2[%swap3A, %swap3A_6] : memref<10240x32xf32, #tpu.memory_space<vmem>>, vector<10000x32xf32>
    tpu.vector_store %arg2[%swap3A, %swap3A_6], %dot_general3A_5 {strides = array<i32>} : memref<10240x32xf32, #tpu.memory_space<vmem>>, vector<10000x32xf32>,
    %broadcast_in_dim3A = arith.constant 0.000000e+00 : f32
    %broadcast_in_dim3A_8 = vector.broadcast %broadcast_in_dim3A : f32 to vector<240x32xf32>
    %swap3A_9 = arith.constant 10000 : index
    %swap3A_10 = arith.constant 0 : index
    %swap3A_11 = vector.load %arg2[%swap3A_9, %swap3A_10] : memref<10240x32xf32, #tpu.memory_space<vmem>>, vector<240x32xf32>
    tpu.vector_store %arg2[%swap3A_9, %swap3A_10], %broadcast_in_dim3A_8 {strides = array<i32>} : memref<10240x32xf32, #tpu.memory_space<vmem>>, vector<240x32xf32>,
    return
  }
}

module attributes {stable_mosaic.version = 14 : i64} {
  func.func @_stage_mid_body(%arg0: memref<2x10240x32xf32, #tpu.memory_space<vmem>>, %arg1: memref<10240x32xf32, #tpu.memory_space<vmem>>, %arg2: memref<1x32xf32, #tpu.memory_space<vmem>>, %arg3: memref<32x32xf32, #tpu.memory_space<vmem>>, %arg4: memref<1x32xf32, #tpu.memory_space<vmem>>, %arg5: memref<1x10000xi32, #tpu.memory_space<vmem>>, %arg6: memref<32x32xf32, #tpu.memory_space<vmem>>, %arg7: memref<1xf32, #tpu.memory_space<smem>>, %arg8: memref<10240x32xf32, #tpu.memory_space<vmem>>, %arg9: memref<128x32xf32, #tpu.memory_space<vmem>>) attributes {dimension_semantics = [], scalar_prefetch = 0 : i64, scratch_operands = 0 : i64, tpu.core_type = #tpu.core_type<tc>} {
    %get3A = arith.constant 0 : index
    %get3A_0 = memref.load %arg7[%get3A] : memref<1xf32, #tpu.memory_space<smem>>
    %get3A_1 = arith.constant 0 : index
    %get3A_2 = arith.constant 0 : index
    %get3A_3 = vector.load %arg1[%get3A_1, %get3A_2] : memref<10240x32xf32, #tpu.memory_space<vmem>>, vector<10000x32xf32>
    %get3A_4 = arith.constant 0 : index
    %get3A_5 = arith.constant 0 : index
    %get3A_6 = arith.constant 0 : index
    %get3A_7 = vector.load %arg0[%get3A_4, %get3A_5, %get3A_6] : memref<2x10240x32xf32, #tpu.memory_space<vmem>>, vector<1x10000x32xf32>
    %get3A_8 = vector.shape_cast %get3A_7 : vector<1x10000x32xf32> to vector<10000x32xf32>
    %get3A_9 = arith.constant 1 : index
    %get3A_10 = arith.constant 0 : index
    %get3A_11 = arith.constant 0 : index
    %get3A_12 = vector.load %arg0[%get3A_9, %get3A_10, %get3A_11] : memref<2x10240x32xf32, #tpu.memory_space<vmem>>, vector<1x10000x32xf32>
    %get3A_13 = vector.shape_cast %get3A_12 : vector<1x10000x32xf32> to vector<10000x32xf32>
    %add3A = arith.addf %get3A_8, %get3A_13 : vector<10000x32xf32>
    %mul3A = vector.broadcast %get3A_0 : f32 to vector<10000x32xf32>
    %mul3A_14 = arith.mulf %mul3A, %get3A_3 : vector<10000x32xf32>
    %add3A_15 = arith.addf %add3A, %mul3A_14 : vector<10000x32xf32>
    %get3A_16 = arith.constant 0 : index
    %get3A_17 = arith.constant 0 : index
    %get3A_18 = vector.load %arg2[%get3A_16, %get3A_17] : memref<1x32xf32, #tpu.memory_space<vmem>>, vector<1x32xf32>
    %add3A_19 = vector.broadcast %get3A_18 : vector<1x32xf32> to vector<10000x32xf32>
    %add3A_20 = arith.addf %add3A_15, %add3A_19 : vector<10000x32xf32>
    %max3A = arith.constant 0.000000e+00 : f32
    %max3A_21 = vector.broadcast %max3A : f32 to vector<10000x32xf32>
    %max3A_22 = arith.maximumf %add3A_20, %max3A_21 : vector<10000x32xf32>
    %get3A_23 = arith.constant 0 : index
    %get3A_24 = arith.constant 0 : index
    %get3A_25 = vector.load %arg3[%get3A_23, %get3A_24] : memref<32x32xf32, #tpu.memory_space<vmem>>, vector<32x32xf32>
    %dot_general3A = arith.constant dense<0.000000e+00> : vector<10000x32xf32>
    %dot_general3A_26 = tpu.matmul %max3A_22, %get3A_25, %dot_general3A {dimension_numbers = #tpu.dot_dimension_numbers<[1], [0], [0], [1], [0, 0, 1, 1], [], []>, transpose_lhs_hint = false} : vector<10000x32xf32>, vector<32x32xf32>, vector<10000x32xf32> -> vector<10000x32xf32>
    %get3A_27 = arith.constant 0 : index
    %get3A_28 = arith.constant 0 : index
    %get3A_29 = vector.load %arg4[%get3A_27, %get3A_28] : memref<1x32xf32, #tpu.memory_space<vmem>>, vector<1x32xf32>
    %add3A_30 = vector.broadcast %get3A_29 : vector<1x32xf32> to vector<10000x32xf32>
    %add3A_31 = arith.addf %dot_general3A_26, %add3A_30 : vector<10000x32xf32>
    %max3A_32 = arith.constant 0.000000e+00 : f32
    %max3A_33 = vector.broadcast %max3A_32 : f32 to vector<10000x32xf32>
    %max3A_34 = arith.maximumf %add3A_31, %max3A_33 : vector<10000x32xf32>
    %iota3A = tpu.iota {dimensions = array<i32: 0>} : vector<128x10000xi32>
    %get3A_35 = arith.constant 0 : index
    %get3A_36 = arith.constant 0 : index
    %get3A_37 = vector.load %arg5[%get3A_35, %get3A_36] : memref<1x10000xi32, #tpu.memory_space<vmem>>, vector<1x10000xi32>
    %eq3A = vector.broadcast %get3A_37 : vector<1x10000xi32> to vector<128x10000xi32>
    %eq3A_38 = arith.cmpi eq, %iota3A, %eq3A : vector<128x10000xi32>
    %convert_element_type3A = arith.extui %eq3A_38 : vector<128x10000xi1> to vector<128x10000xi32>
    %convert_element_type3A_39 = arith.sitofp %convert_element_type3A : vector<128x10000xi32> to vector<128x10000xf32>
    %dot_general3A_40 = arith.constant dense<0.000000e+00> : vector<128x32xf32>
    %dot_general3A_41 = tpu.matmul %convert_element_type3A_39, %max3A_34, %dot_general3A_40 {dimension_numbers = #tpu.dot_dimension_numbers<[1], [0], [0], [1], [0, 0, 1, 1], [], []>, transpose_lhs_hint = false} : vector<128x10000xf32>, vector<10000x32xf32>, vector<128x32xf32> -> vector<128x32xf32>
    %swap3A = arith.constant 0 : index
    %swap3A_42 = arith.constant 0 : index
    %swap3A_43 = vector.load %arg9[%swap3A, %swap3A_42] : memref<128x32xf32, #tpu.memory_space<vmem>>, vector<128x32xf32>
    tpu.vector_store %arg9[%swap3A, %swap3A_42], %dot_general3A_41 {strides = array<i32>} : memref<128x32xf32, #tpu.memory_space<vmem>>, vector<128x32xf32>,
    %get3A_44 = arith.constant 0 : index
    %get3A_45 = arith.constant 0 : index
    %get3A_46 = vector.load %arg6[%get3A_44, %get3A_45] : memref<32x32xf32, #tpu.memory_space<vmem>>, vector<32x32xf32>
    %dot_general3A_47 = arith.constant dense<0.000000e+00> : vector<10000x32xf32>
    %dot_general3A_48 = tpu.matmul %max3A_34, %get3A_46, %dot_general3A_47 {dimension_numbers = #tpu.dot_dimension_numbers<[1], [0], [0], [1], [0, 0, 1, 1], [], []>, transpose_lhs_hint = false} : vector<10000x32xf32>, vector<32x32xf32>, vector<10000x32xf32> -> vector<10000x32xf32>
    %swap3A_49 = arith.constant 0 : index
    %swap3A_50 = arith.constant 0 : index
    %swap3A_51 = vector.load %arg8[%swap3A_49, %swap3A_50] : memref<10240x32xf32, #tpu.memory_space<vmem>>, vector<10000x32xf32>
    tpu.vector_store %arg8[%swap3A_49, %swap3A_50], %dot_general3A_48 {strides = array<i32>} : memref<10240x32xf32, #tpu.memory_space<vmem>>, vector<10000x32xf32>,
    %broadcast_in_dim3A = arith.constant 0.000000e+00 : f32
    %broadcast_in_dim3A_52 = vector.broadcast %broadcast_in_dim3A : f32 to vector<240x32xf32>
    %swap3A_53 = arith.constant 10000 : index
    %swap3A_54 = arith.constant 0 : index
    %swap3A_55 = vector.load %arg8[%swap3A_53, %swap3A_54] : memref<10240x32xf32, #tpu.memory_space<vmem>>, vector<240x32xf32>
    tpu.vector_store %arg8[%swap3A_53, %swap3A_54], %broadcast_in_dim3A_52 {strides = array<i32>} : memref<10240x32xf32, #tpu.memory_space<vmem>>, vector<240x32xf32>,
    return
  }
}

module attributes {stable_mosaic.version = 14 : i64} {
  func.func @_stage_last_body(%arg0: memref<2x10240x32xf32, #tpu.memory_space<vmem>>, %arg1: memref<10240x32xf32, #tpu.memory_space<vmem>>, %arg2: memref<1x32xf32, #tpu.memory_space<vmem>>, %arg3: memref<32x32xf32, #tpu.memory_space<vmem>>, %arg4: memref<1x32xf32, #tpu.memory_space<vmem>>, %arg5: memref<1x10000xi32, #tpu.memory_space<vmem>>, %arg6: memref<128x32xf32, #tpu.memory_space<vmem>>, %arg7: memref<128x32xf32, #tpu.memory_space<vmem>>, %arg8: memref<32x32xf32, #tpu.memory_space<vmem>>, %arg9: memref<32x32xf32, #tpu.memory_space<vmem>>, %arg10: memref<32x32xf32, #tpu.memory_space<vmem>>, %arg11: memref<1x32xf32, #tpu.memory_space<vmem>>, %arg12: memref<32x32xf32, #tpu.memory_space<vmem>>, %arg13: memref<1x32xf32, #tpu.memory_space<vmem>>, %arg14: memref<1xf32, #tpu.memory_space<smem>>, %arg15: memref<128x32xf32, #tpu.memory_space<vmem>>) attributes {dimension_semantics = [], scalar_prefetch = 0 : i64, scratch_operands = 0 : i64, tpu.core_type = #tpu.core_type<tc>} {
    %get3A = arith.constant 0 : index
    %get3A_0 = memref.load %arg14[%get3A] : memref<1xf32, #tpu.memory_space<smem>>
    %get3A_1 = arith.constant 0 : index
    %get3A_2 = arith.constant 0 : index
    %get3A_3 = vector.load %arg1[%get3A_1, %get3A_2] : memref<10240x32xf32, #tpu.memory_space<vmem>>, vector<10000x32xf32>
    %get3A_4 = arith.constant 0 : index
    %get3A_5 = arith.constant 0 : index
    %get3A_6 = arith.constant 0 : index
    %get3A_7 = vector.load %arg0[%get3A_4, %get3A_5, %get3A_6] : memref<2x10240x32xf32, #tpu.memory_space<vmem>>, vector<1x10000x32xf32>
    %get3A_8 = vector.shape_cast %get3A_7 : vector<1x10000x32xf32> to vector<10000x32xf32>
    %get3A_9 = arith.constant 1 : index
    %get3A_10 = arith.constant 0 : index
    %get3A_11 = arith.constant 0 : index
    %get3A_12 = vector.load %arg0[%get3A_9, %get3A_10, %get3A_11] : memref<2x10240x32xf32, #tpu.memory_space<vmem>>, vector<1x10000x32xf32>
    %get3A_13 = vector.shape_cast %get3A_12 : vector<1x10000x32xf32> to vector<10000x32xf32>
    %add3A = arith.addf %get3A_8, %get3A_13 : vector<10000x32xf32>
    %mul3A = vector.broadcast %get3A_0 : f32 to vector<10000x32xf32>
    %mul3A_14 = arith.mulf %mul3A, %get3A_3 : vector<10000x32xf32>
    %add3A_15 = arith.addf %add3A, %mul3A_14 : vector<10000x32xf32>
    %get3A_16 = arith.constant 0 : index
    %get3A_17 = arith.constant 0 : index
    %get3A_18 = vector.load %arg2[%get3A_16, %get3A_17] : memref<1x32xf32, #tpu.memory_space<vmem>>, vector<1x32xf32>
    %add3A_19 = vector.broadcast %get3A_18 : vector<1x32xf32> to vector<10000x32xf32>
    %add3A_20 = arith.addf %add3A_15, %add3A_19 : vector<10000x32xf32>
    %max3A = arith.constant 0.000000e+00 : f32
    %max3A_21 = vector.broadcast %max3A : f32 to vector<10000x32xf32>
    %max3A_22 = arith.maximumf %add3A_20, %max3A_21 : vector<10000x32xf32>
    %get3A_23 = arith.constant 0 : index
    %get3A_24 = arith.constant 0 : index
    %get3A_25 = vector.load %arg3[%get3A_23, %get3A_24] : memref<32x32xf32, #tpu.memory_space<vmem>>, vector<32x32xf32>
    %dot_general3A = arith.constant dense<0.000000e+00> : vector<10000x32xf32>
    %dot_general3A_26 = tpu.matmul %max3A_22, %get3A_25, %dot_general3A {dimension_numbers = #tpu.dot_dimension_numbers<[1], [0], [0], [1], [0, 0, 1, 1], [], []>, transpose_lhs_hint = false} : vector<10000x32xf32>, vector<32x32xf32>, vector<10000x32xf32> -> vector<10000x32xf32>
    %get3A_27 = arith.constant 0 : index
    %get3A_28 = arith.constant 0 : index
    %get3A_29 = vector.load %arg4[%get3A_27, %get3A_28] : memref<1x32xf32, #tpu.memory_space<vmem>>, vector<1x32xf32>
    %add3A_30 = vector.broadcast %get3A_29 : vector<1x32xf32> to vector<10000x32xf32>
    %add3A_31 = arith.addf %dot_general3A_26, %add3A_30 : vector<10000x32xf32>
    %max3A_32 = arith.constant 0.000000e+00 : f32
    %max3A_33 = vector.broadcast %max3A_32 : f32 to vector<10000x32xf32>
    %max3A_34 = arith.maximumf %add3A_31, %max3A_33 : vector<10000x32xf32>
    %iota3A = tpu.iota {dimensions = array<i32: 0>} : vector<128x10000xi32>
    %get3A_35 = arith.constant 0 : index
    %get3A_36 = arith.constant 0 : index
    %get3A_37 = vector.load %arg5[%get3A_35, %get3A_36] : memref<1x10000xi32, #tpu.memory_space<vmem>>, vector<1x10000xi32>
    %eq3A = vector.broadcast %get3A_37 : vector<1x10000xi32> to vector<128x10000xi32>
    %eq3A_38 = arith.cmpi eq, %iota3A, %eq3A : vector<128x10000xi32>
    %convert_element_type3A = arith.extui %eq3A_38 : vector<128x10000xi1> to vector<128x10000xi32>
    %convert_element_type3A_39 = arith.sitofp %convert_element_type3A : vector<128x10000xi32> to vector<128x10000xf32>
    %dot_general3A_40 = arith.constant dense<0.000000e+00> : vector<128x32xf32>
    %dot_general3A_41 = tpu.matmul %convert_element_type3A_39, %max3A_34, %dot_general3A_40 {dimension_numbers = #tpu.dot_dimension_numbers<[1], [0], [0], [1], [0, 0, 1, 1], [], []>, transpose_lhs_hint = false} : vector<128x10000xf32>, vector<10000x32xf32>, vector<128x32xf32> -> vector<128x32xf32>
    %get3A_42 = arith.constant 0 : index
    %get3A_43 = arith.constant 0 : index
    %get3A_44 = vector.load %arg6[%get3A_42, %get3A_43] : memref<128x32xf32, #tpu.memory_space<vmem>>, vector<128x32xf32>
    %get3A_45 = arith.constant 0 : index
    %get3A_46 = arith.constant 0 : index
    %get3A_47 = vector.load %arg8[%get3A_45, %get3A_46] : memref<32x32xf32, #tpu.memory_space<vmem>>, vector<32x32xf32>
    %dot_general3A_48 = arith.constant dense<0.000000e+00> : vector<128x32xf32>
    %dot_general3A_49 = tpu.matmul %get3A_44, %get3A_47, %dot_general3A_48 {dimension_numbers = #tpu.dot_dimension_numbers<[1], [0], [0], [1], [0, 0, 1, 1], [], []>, transpose_lhs_hint = false} : vector<128x32xf32>, vector<32x32xf32>, vector<128x32xf32> -> vector<128x32xf32>
    %get3A_50 = arith.constant 0 : index
    %get3A_51 = arith.constant 0 : index
    %get3A_52 = vector.load %arg7[%get3A_50, %get3A_51] : memref<128x32xf32, #tpu.memory_space<vmem>>, vector<128x32xf32>
    %get3A_53 = arith.constant 0 : index
    %get3A_54 = arith.constant 0 : index
    %get3A_55 = vector.load %arg9[%get3A_53, %get3A_54] : memref<32x32xf32, #tpu.memory_space<vmem>>, vector<32x32xf32>
    %dot_general3A_56 = arith.constant dense<0.000000e+00> : vector<128x32xf32>
    %dot_general3A_57 = tpu.matmul %get3A_52, %get3A_55, %dot_general3A_56 {dimension_numbers = #tpu.dot_dimension_numbers<[1], [0], [0], [1], [0, 0, 1, 1], [], []>, transpose_lhs_hint = false} : vector<128x32xf32>, vector<32x32xf32>, vector<128x32xf32> -> vector<128x32xf32>
    %add3A_58 = arith.addf %dot_general3A_49, %dot_general3A_57 : vector<128x32xf32>
    %get3A_59 = arith.constant 0 : index
    %get3A_60 = arith.constant 0 : index
    %get3A_61 = vector.load %arg10[%get3A_59, %get3A_60] : memref<32x32xf32, #tpu.memory_space<vmem>>, vector<32x32xf32>
    %dot_general3A_62 = arith.constant dense<0.000000e+00> : vector<128x32xf32>
    %dot_general3A_63 = tpu.matmul %dot_general3A_41, %get3A_61, %dot_general3A_62 {dimension_numbers = #tpu.dot_dimension_numbers<[1], [0], [0], [1], [0, 0, 1, 1], [], []>, transpose_lhs_hint = false} : vector<128x32xf32>, vector<32x32xf32>, vector<128x32xf32> -> vector<128x32xf32>
    %add3A_64 = arith.addf %add3A_58, %dot_general3A_63 : vector<128x32xf32>
    %get3A_65 = arith.constant 0 : index
    %get3A_66 = arith.constant 0 : index
    %get3A_67 = vector.load %arg11[%get3A_65, %get3A_66] : memref<1x32xf32, #tpu.memory_space<vmem>>, vector<1x32xf32>
    %add3A_68 = vector.broadcast %get3A_67 : vector<1x32xf32> to vector<128x32xf32>
    %add3A_69 = arith.addf %add3A_64, %add3A_68 : vector<128x32xf32>
    %max3A_70 = arith.constant 0.000000e+00 : f32
    %max3A_71 = vector.broadcast %max3A_70 : f32 to vector<128x32xf32>
    %max3A_72 = arith.maximumf %add3A_69, %max3A_71 : vector<128x32xf32>
    %get3A_73 = arith.constant 0 : index
    %get3A_74 = arith.constant 0 : index
    %get3A_75 = vector.load %arg12[%get3A_73, %get3A_74] : memref<32x32xf32, #tpu.memory_space<vmem>>, vector<32x32xf32>
    %dot_general3A_76 = arith.constant dense<0.000000e+00> : vector<128x32xf32>
    %dot_general3A_77 = tpu.matmul %max3A_72, %get3A_75, %dot_general3A_76 {dimension_numbers = #tpu.dot_dimension_numbers<[1], [0], [0], [1], [0, 0, 1, 1], [], []>, transpose_lhs_hint = false} : vector<128x32xf32>, vector<32x32xf32>, vector<128x32xf32> -> vector<128x32xf32>
    %get3A_78 = arith.constant 0 : index
    %get3A_79 = arith.constant 0 : index
    %get3A_80 = vector.load %arg13[%get3A_78, %get3A_79] : memref<1x32xf32, #tpu.memory_space<vmem>>, vector<1x32xf32>
    %add3A_81 = vector.broadcast %get3A_80 : vector<1x32xf32> to vector<128x32xf32>
    %add3A_82 = arith.addf %dot_general3A_77, %add3A_81 : vector<128x32xf32>
    %swap3A = arith.constant 0 : index
    %swap3A_83 = arith.constant 0 : index
    %swap3A_84 = vector.load %arg15[%swap3A, %swap3A_83] : memref<128x32xf32, #tpu.memory_space<vmem>>, vector<128x32xf32>
    tpu.vector_store %arg15[%swap3A, %swap3A_83], %add3A_82 {strides = array<i32>} : memref<128x32xf32, #tpu.memory_space<vmem>>, vector<128x32xf32>,
    return
  }
}

</mosaic_0001>

<sc_bundles>
// kernel: kernel.12.cloned.1.call-start
scs
__scs_entry_jumppad:
0x0: {  	(pc) =	sbr.rel $0x88, $3  }
0x1: {  	(tag) =	ssettag $0x0;
	lr =	simm.s32 $0x1  }
0x2: {  	[smem:$0x3F8B] =	sst lr;
	_ =	strace $0xD0000000  }
0x3: {  	_ = 	snop  }
0x4: {  	_ = 	snop  }
0x5: {  	_ = 	snop  }
0x6: {  	_ = 	snop  }
0x7: {  	_ = 	snop  }
__scs_overlays_trampoline_lowered:
0x8: {  	[smem:$0x3F9A] =	sst s0  }
0x9: {  	[smem:$0x3F9B] =	sst s1  }
0xa: {  	[smem:$0x3F9C] =	sst s2  }
0xb: {  	[smem:$0x3F9D] =	sst s3  }
0xc: {  	[smem:$0x3F9E] =	sst s4  }
0xd: {  	[smem:$0x3F9F] =	sst s5  }
0xe: {  	[smem:$0x3FA0] =	sst s6  }
0xf: {  	[smem:$0x3FA1] =	sst s7  }
0x10: {  	[smem:$0x3FA2] =	sst s8  }
0x11: {  	[smem:$0x3FA3] =	sst s9;
	s0 =	simm.s32 @!p0 $0x0  }
0x12: {  	s1 =	sld [smem:$0x3F89];
	s0 =	simm.s32 @p0 $0x1  }
0x13: {  	[smem:$0x3FA4] =	sst s0;
	s0 =	simm.s32 @!p1 $0x0  }
0x14: {  	s2 =	sld [smem:$0x3F88];
	s0 =	simm.s32 @p1 $0x1  }
0x15: {  	[smem:$0x3FA5] =	sst s0;
	s0 =	simm.s32 @!p2 $0x0  }
0x16: {  	s3 =	sld [smem:$0x3FDB];
	s0 =	simm.s32 @p2 $0x1  }
0x17: {  	s4 =	simm.s32 $0x1BF5;
	[smem:$0x3FA7] =	sst s0  }
0x18: {  	s0 =	sld [smem:$0x3F8A];
	_ =	swait.ge [sflag:s4], $0x0  }
0x19: {  	s7 =	sld [smem:$0x3F8B]  }
0x1a: {  	s8 =	sadd.s32 $0xFFFFE003, lr  }
0x1b: {  	s9 =	sadd.s32 $0xFFFFFEF7, lr;
	s5 =	simm.s32 $0xFFFFFFFF;
	p2 =	slt.u32 s8, $0xFFFFF086  }
0x1c: {  	p1 =	slt.u32 s9, $0xF7A;
	s5 =	simm.s32 @!p2 $0x0  }
0x1d: {  	s5 =	simm.s32 @p1 $0x1;
	p0 =	seq.s32 s7, s2  }
0x1e: {  	s7 =	smul.u32 @!p0 $0xF7A, s2;
	p2 =	seq.s32 @!p0 s5, $0x0  }
0x1f: {  	s9 =	smul.u32 $0xF7A, s1;
	s8 =	simm.s32 @!p0 $0x1BF5;
	p2 =	por !p2, p0  }
0x20: {  	[sflag:s8] =	ssyncset.s32 @!p0 $0xFFFFF086;
	s6 =	sadd.s32 @!p0 s3, s7;
	s7 =	simm.s32 @!p0 $0x108  }
0x21: {  	s3 =	sadd.s32 s3, s9;
	s6 =	sadd.s32 @!p0 $0x88, s6;
	s7 =	simm.s32 @p2 $0x1082  }
0x22: {  	[simem:s7], [sflag:s8] =	dma.local @!p0 [hbm:s6], $0xF7A  }
0x23: {  	s9 =	sor.u32 $0xD0000000, s2;
	s6 =	simm.s32 $0x108;
	_ =	swait.ge @!p0 [sflag:s8], $0x0  }
0x24: {  	s3 =	sadd.s32 $0x88, s3;
	s6 =	simm.s32 @!p1 $0x1082;
	[sflag:s4] =	ssyncset.s32 $0xFFFFF086  }
0x25: {  	[simem:s6], [sflag:s4] =	dma.local [hbm:s3], $0xF7A  }
0x26: {  	[smem:$0x3F8B] =	sst s1;
	(tag) =	ssettag s2;
	_ =	strace s9  }
0x27: {  	s1 =	sld [smem:$0x3F9B]  }
0x28: {  	s2 =	sld [smem:$0x3F9C]  }
0x29: {  	s4 =	sld [smem:$0x3F9E]  }
0x2a: {  	p0 =	seq.s32 s5, $0x0;
	s5 =	sld [smem:$0x3F9F]  }
0x2b: {  	s6 =	sld [smem:$0x3FA0]  }
0x2c: {  	s7 =	sld [smem:$0x3FA1]  }
0x2d: {  	s3 =	simm.s32 $0x108;
	s8 =	sld [smem:$0x3FA2]  }
0x2e: {  	s3 =	simm.s32 @!p0 $0x1082;
	s9 =	sld [smem:$0x3FA3]  }
0x2f: {  	lr =	sadd.s32 s0, s3;
	s0 =	sld [smem:$0x3F9A]  }
0x30: {  	s3 =	sld [smem:$0x3F9D]  }
0x31: {  	[smem:$0x3FA6] =	sst s10  }
0x32: {  	s10 =	sld [smem:$0x3FA4];
	_ =	sdelay $0x3  }
0x33: {  	p0 =	seq.s32 s10, $0x1;
	s10 =	sld [smem:$0x3FA6];
	_ =	sdelay $0x3  }
0x34: {  	[smem:$0x3FA6] =	sst s10  }
0x35: {  	s10 =	sld [smem:$0x3FA5];
	_ =	sdelay $0x3  }
0x36: {  	p1 =	seq.s32 s10, $0x1;
	s10 =	sld [smem:$0x3FA6];
	_ =	sdelay $0x3  }
0x37: {  	[smem:$0x3FA6] =	sst s10  }
0x38: {  	s10 =	sld [smem:$0x3FA7]  }
0x39: {  	_ = 	snop;
	(pc) =	sbr.ind lr, $3  }
0x3a: {  	_ = 	snop  }
0x3b: {  	_ = 	snop  }
0x3c: {  	p2 =	seq.s32 s10, $0x1;
	s10 =	sld [smem:$0x3FA6]  }
0x3d: {  	_ =	shalt  }
0x3e: {  	_ =	shalt  }
0x3f: {  	_ =	shalt  }
0x40: {  	_ =	shalt  }
0x41: {  	_ =	shalt  }
0x42: {  	_ =	shalt  }
0x43: {  	_ =	shalt  }
0x44: {  	_ =	shalt  }
0x45: {  	_ =	shalt  }
0x46: {  	_ =	shalt  }
0x47: {  	_ =	shalt  }
0x48: {  	_ =	shalt  }
0x49: {  	_ =	shalt  }
0x4a: {  	_ =	shalt  }
0x4b: {  	_ =	shalt  }
0x4c: {  	_ =	shalt  }
0x4d: {  	_ =	shalt  }
0x4e: {  	_ =	shalt  }
0x4f: {  	_ =	shalt  }
0x50: {  	_ =	shalt  }
0x51: {  	_ =	shalt  }
0x52: {  	_ =	shalt  }
0x53: {  	_ =	shalt  }
0x54: {  	_ =	shalt  }
0x55: {  	_ =	shalt  }
0x56: {  	_ =	shalt  }
0x57: {  	_ =	shalt  }
0x58: {  	_ =	shalt  }
0x59: {  	_ =	shalt  }
0x5a: {  	_ =	shalt  }
0x5b: {  	_ =	shalt  }
0x5c: {  	_ =	shalt  }
0x5d: {  	_ =	shalt  }
0x5e: {  	_ =	shalt  }
0x5f: {  	_ =	shalt  }
0x60: {  	_ =	shalt  }
0x61: {  	_ =	shalt  }
0x62: {  	_ =	shalt  }
0x63: {  	_ =	shalt  }
0x64: {  	_ =	shalt  }
0x65: {  	_ =	shalt  }
0x66: {  	_ =	shalt  }
0x67: {  	_ =	shalt  }
0x68: {  	_ =	shalt  }
0x69: {  	_ =	shalt  }
0x6a: {  	_ =	shalt  }
0x6b: {  	_ =	shalt  }
0x6c: {  	_ =	shalt  }
0x6d: {  	_ =	shalt  }
0x6e: {  	_ =	shalt  }
0x6f: {  	_ =	shalt  }
0x70: {  	_ =	shalt  }
0x71: {  	_ =	shalt  }
0x72: {  	_ =	shalt  }
0x73: {  	_ =	shalt  }
0x74: {  	_ =	shalt  }
0x75: {  	_ =	shalt  }
0x76: {  	_ =	shalt  }
0x77: {  	_ =	shalt  }
0x78: {  	_ =	shalt  }
0x79: {  	_ =	shalt  }
0x7a: {  	_ =	shalt  }
0x7b: {  	_ =	shalt  }
0x7c: {  	_ =	shalt  }
0x7d: {  	_ =	shalt  }
0x7e: {  	_ =	shalt  }
0x7f: {  	_ =	shalt  }
0x80: {  	_ =	shalt  }
0x81: {  	_ =	shalt  }
0x82: {  	_ =	shalt  }
0x83: {  	_ =	shalt  }
0x84: {  	_ =	shalt  }
0x85: {  	_ =	shalt  }
0x86: {  	_ =	shalt  }
0x87: {  	_ =	shalt  }
.Lfunc_end0:
.L_simem_size_0:
called_computation.1_lowered:
.L_overlay_start_0:
0x88: {  	s2 =	sld [smem:$0x3FD9]  }
0x89: {  	s3 =	sld [smem:$0x3FFE];
	_ =	sdelay $0x1  }
0x8a: {  	s1 =	srdreg.scid  }
0x8b: {  	s0 =	sand.u32 $0x1, s1  }
0x8c: {  	s16 =	sshll.u32 s0, $0xA;
	s2 =	sadd.s32 s3, s2  }
0x8d: {  	s2 =	sadd.s32 s2, s16  }
0x8e: {  	[smem:$0x3FB2] =	sst s2  }
0x8f: {  	_ = 	snop  }
0x90: {  	(tm) =	ssettm $0x1  }
0x91: {  	s17 =	sld [smem:$0x3FFB];
	_ =	sdelay $0x3  }
0x92: {  	_ =	strace s17  }
0x93: {  	s2 =	sld [smem:$0x3FFC];
	_ =	sdelay $0x3  }
0x94: {  	_ =	strace s2  }
0x95: {  	s2 =	sld [smem:$0x3FFD];
	_ =	sdelay $0x3  }
0x96: {  	_ =	strace s2  }
0x97: {  	_ =	strace $0x8FFFFFFF  }
0x98: {  	s18 =	sld [smem:$0x3FDB];
	_ =	sdelay $0x1  }
0x99: {  	s19 =	simm.s32 $_scs_section_size  }
0x9a: {  	s4 =	simm.s32 $_size__tile_overlayer_lowered;
	s5 =	simm.s32 $_tile_overlayer_lowered  }
0x9b: {  	s22 =	simm.s32 $0x1BFF;
	s21 =	sshll.u32 s5, $0x1;
	s2 =	sadd.s32 s19, s18  }
0x9c: {  	s6 =	simm.s32 $0x0;
	s20 =	sshll.u32 s4, $0x1;
	s4 =	sadd.s32 s21, s2  }
0x9d: {  	[timem:s6], [sflag:s22] =	dma.local [hbm:s4], s20  }
0x9e: {  	_ =	swait.ge [sflag:s22], s20  }
0x9f: {  	s3 =	ssub.s32 $0x0, s20;
	[sflag:s22] =	ssyncset.done $0x0  }
0xa0: {  	[sflag:s22] =	ssyncadd.s32 s3;
	_ =	sdelay $0x1  }
0xa1: {  	s23 =	simm.s32 $0x1B8B  }
0xa2: {  	_ =	swait.ge [sflag:s23], $0x1  }
0xa3: {  	[sflag:s23] =	ssyncset.done $0x0  }
0xa4: {  	s25 =	simm.s32 $0x1B8E;
	s24 =	sld [smem:$0x3FFE];
	[sflag:s23] =	ssyncadd.s32 $0xFFFFFFFF  }
0xa5: {  	s26 =	simm.s32 $execute0_lowered;
	[smem:$0x3FD2] =	sst s25  }
0xa6: {  	s4 =	sshll.u32 s26, $0x1;
	_ =	strace $0x80000049;
	[dreg:$0x1] =	wrdreg $0xFFFFFFFF  }
0xa7: {  	s28 =	simm.s32 $_size_execute0_lowered;
	s2 =	sadd.s32 s2, s4;
	[dreg:$0x0] =	wrdreg $0x0  }
0xa8: {  	s4 =	sshll.u32 s28, $0x1;
	[dreg:$0x2] =	wrdreg s2  }
0xa9: {  	[dreg:$0x3] =	wrdreg s4  }
0xaa: {  	[dreg:$0x4] =	wrdreg $0xC0  }
0xab: {  	_ =	task [dreg:s6], $0x5FFFF  }
0xac: {  	[dreg:$0x1] =	wrdreg $0xFFFFFFFF  }
0xad: {  	[dreg:$0x0] =	wrdreg $0x60  }
0xae: {  	[dreg:$0x2] =	wrdreg s24  }
0xaf: {  	[dreg:$0x3] =	wrdreg $0x90000  }
0xb0: {  	[dreg:$0x4] =	wrdreg $0x9  }
0xb1: {  	_ =	task.clear_ibuf [dreg:s6], $0x5FFFF;
	_ =	strace $0x90000049  }
0xb2: {  	s29 =	simm.s32 $0x9;
	_ =	strace $0x8000004B  }
0xb3: {  	_ =	swait.ge [sflag:s29], $0x1  }
0xb4: {  	[sflag:s29] =	ssyncadd.s32 $0xFFFFFFFF  }
0xb5: {  	_ =	strace $0x9000004B  }
0xb6: {  	_ =	sfence  }
0xb7: {  	s30 =	sld [smem:$0x0];
	_ =	sdelay $0x2  }
0xb8: {  	s31 =	sshll.u32 s1, $0xD;
	s1 =	sshrl.u32 s1, $0x2  }
0xb9: {  	s3 =	sand.u32 $0x4000, s31;
	s1 =	sadd.s32 s1, s30  }
0xba: {  	s0 =	sor.u32 s3, s0;
	s1 =	sshll.u32 s1, $0x11  }
0xbb: {  	s0 =	sor.u32 s1, s0  }
0xbc: {  	s0 =	sadd.s32 $0x8F2B, s0  }
0xbd: {  	[sflag:s0] =	ssyncadd.remote.s32 $0x1  }
0xbe: {  	_ =	sfence.sel $0xFFFF  }
0xbf: {  	[dreg:$0x0] =	wrdreg $0xFFFFFFFF;
	(pc) =	sbr.abs _section_cstart, $3  }
0xc0: {  	[dreg:$0x1] =	wrdreg $0xFFFFFFFF  }
0xc1: {  	_ =	task.clear_ibuf [dreg:s6], $0x2FFFF;
	_ =	strace $0x9FFFFFFF  }
0xc2: {  	(tm) =	ssettm $0x7FFFFFFF  }
0xc3: {  	_ =	shalt  }
tec
execute0_lowered:
.L_overlay_start_1:
0x0: {  	(tag) =	ssettag $0x1  }
0x1: {  	s0 =	srdreg.scid;
	s24 =	stileid.u32  }
0x2: {  	s5 =	rddreg [dreg:$0x0];
	s13 =	simm.s32 $0x2800;
	s14 =	simm.s32 $0x80  }
0x3: {  	s15 =	simm.s32 $0x5000;
	s16 =	simm.s32 $0x6000;
	s17 =	simm.s32 $0x100  }
0x4: {  	s18 =	simm.s32 $0x7000;
	s19 =	simm.s32 $0x180;
	s20 =	simm.s32 $0x8000  }
0x5: {  	s21 =	simm.s32 $0x1;
	s22 =	simm.s32 $0x2;
	s23 =	simm.s32 $0x3  }
0x6: {  	s28 =	simm.s32 $0x4F00;
	s29 =	simm.s32 $0x4F80;
	s30 =	simm.s32 $0x0  }
0x7: {  	s1 =	sand.u32 $0x1, s0;
	s7 =	smul.u32 $0x5000, s24;
	s4 =	sadd.s32 $0x2E00, s5  }
0x8: {  	s31 =	sshll.u32 s24, $0x6;
	s2 =	sshll.u32 s1, $0x4;
	s8 =	smul.u32 $0x50000, s1  }
0x9: {  	s1 =	ssub.s32 $0x2, s1;
	s3 =	sor.u32 s24, s2;
	s2 =	rddreg [dreg:$0x1]  }
0xa: {  	s26 =	sshrl.u32 s7, $0x3;
	s10 =	sshrl.u32 s1, $0x1;
	s24 =	simm.s32 $0x4  }
0xb: {  	s6 =	smul.u32 $0x500, s3;
	s3 =	simm.s32 $0x0;
	s25 =	sadd.s32 s7, s8  }
0xc: {  	s8 =	sadd.s32 s26, s5;
	s1 =	ssub.s32 s1, s10;
	s12 =	sadd.s32 s7, s2  }
0xd: {  	s26 =	simm.s32 $0x4E80;
	[smem:$0x7FF] =	sst s3;
	s10 =	smax.u32 s1, $0x1  }
0xe: {  	_ =	strace $0x8000004A;
	s9 =	sadd.s32 s6, s5;
	s6 =	sshrl.u32 s25, $0x3  }
0xf: {  	s25 =	simm.s32 $0x4E00;
	s11 =	sadd.s32 s6, s5;
	s5 =	sadd.s32 $0x20E00, s8  }
0x10: {  	s6 =	sor.u32 $0x1C05, s31;
	s7 =	sadd.s32 $0x16E00, s9;
	s8 =	sadd.s32 $0xCE00, s9  }
0x11: {  	s9 =	sadd.s32 $0x2AE00, s11;
	s11 =	sshrl.u32 s12, $0x3;
	s12 =	simm.s32 $0x5  }
.LBB2_1:
0x12: {  	[spmem:s11], [sflag:s6] =	dma.local [hbm:s5], $0xA00  }
0x13: {  	_ =	swait.ge [sflag:s12], $0xA00  }
0x14: {  	[sflag:s12] =	ssyncset.done $0x0  }
0x15: {  	[sflag:s12] =	ssyncadd.s32 $0xFFFFF600  }
0x16: {  	[tilespmem:s3], [sflag:$0x5] =	stream.linear.gather [hbm4b:s7+s3], $0x2800, $0x38;
	[tilespmem:$0xE000] =	vst v63  }
0x17: {  	_ =	swait.ge [sflag:s12], $0x2800  }
0x18: {  	[sflag:s12] =	ssyncset.done $0x0  }
0x19: {  	[sflag:s12] =	ssyncadd.s32 $0xFFFFD800  }
0x1a: {  	[tilespmem:s13], [sflag:$0x5] =	stream.linear.gather [hbm4b:s8+s3], $0x2800, $0x38;
	[tilespmem:$0xE000] =	vst v63  }
0x1b: {  	_ =	swait.ge [sflag:s12], $0x2800  }
0x1c: {  	[sflag:s12] =	ssyncset.done $0x0  }
0x1d: {  	[sflag:s12] =	ssyncadd.s32 $0xFFFFD800  }
0x1e: {  	[bflag:$0x0] =	sbarrier.arrive $0xFFFF  }
0x1f: {  	[tilespmem:s15], [sflag:$0x1] =	stream.indirect.gather [hbm4b:s4+s14], $0x20, s3, s14, $0xb8;
	[tilespmem:$0xE000] =	vst v63  }
0x20: {  	_ = 	snop  }
0x21: {  	[tilespmem:s16], [sflag:$0x2] =	stream.indirect.gather [hbm4b:s4+s14], $0x20, s14, s14, $0xb8;
	[tilespmem:$0xE000] =	vst v63  }
0x22: {  	_ = 	snop  }
0x23: {  	[tilespmem:s18], [sflag:$0x3] =	stream.indirect.gather [hbm4b:s4+s14], $0x20, s17, s14, $0xb8;
	[tilespmem:$0xE000] =	vst v63  }
0x24: {  	_ = 	snop  }
0x25: {  	[tilespmem:s20], [sflag:$0x4] =	stream.indirect.gather [hbm4b:s4+s14], $0x20, s19, s14, $0xb8;
	[tilespmem:$0xE000] =	vst v63  }
0x26: {  	_ =	swait.ge [sflag:s21], $0x1000  }
0x27: {  	[sflag:s21] =	ssyncset.done $0x0  }
0x28: {  	s1 =	simm.s32 $0x2800;
	[sflag:s21] =	ssyncadd.s32 $0xFFFFF000  }
0x29: {  	[spmem:s2] =	stream.indirect.scatter.add.f32 [tilespmem:s15], [sflag:$0x5], $0x20, s1, s14, $0xb8;
	[tilespmem:$0xE000] =	vst v63  }
0x2a: {  	_ =	swait.ge [sflag:s12], $0x1000  }
0x2b: {  	[sflag:s12] =	ssyncset.done $0x0  }
0x2c: {  	s0 =	simm.s32 $0x200;
	[sflag:s12] =	ssyncadd.s32 $0xFFFFF000  }
0x2d: {  	[tilespmem:s15], [sflag:$0x1] =	stream.indirect.gather [hbm4b:s4+s14], $0x20, s0, s14, $0xb8;
	[tilespmem:$0xE000] =	vst v63  }
0x2e: {  	_ =	swait.ge [sflag:s22], $0x1000  }
0x2f: {  	[sflag:s22] =	ssyncset.done $0x0  }
0x30: {  	s0 =	simm.s32 $0x2880;
	[sflag:s22] =	ssyncadd.s32 $0xFFFFF000  }
0x31: {  	[spmem:s2] =	stream.indirect.scatter.add.f32 [tilespmem:s16], [sflag:$0x5], $0x20, s0, s14, $0xb8;
	[tilespmem:$0xE000] =	vst v63  }
0x32: {  	_ =	swait.ge [sflag:s12], $0x1000  }
0x33: {  	[sflag:s12] =	ssyncset.done $0x0  }
0x34: {  	s0 =	simm.s32 $0x280;
	[sflag:s12] =	ssyncadd.s32 $0xFFFFF000  }
0x35: {  	[tilespmem:s16], [sflag:$0x2] =	stream.indirect.gather [hbm4b:s4+s14], $0x20, s0, s14, $0xb8;
	[tilespmem:$0xE000] =	vst v63  }
0x36: {  	_ =	swait.ge [sflag:s23], $0x1000  }
0x37: {  	[sflag:s23] =	ssyncset.done $0x0  }
0x38: {  	s0 =	simm.s32 $0x2900;
	[sflag:s23] =	ssyncadd.s32 $0xFFFFF000  }
0x39: {  	[spmem:s2] =	stream.indirect.scatter.add.f32 [tilespmem:s18], [sflag:$0x5], $0x20, s0, s14, $0xb8;
	[tilespmem:$0xE000] =	vst v63  }
0x3a: {  	_ =	swait.ge [sflag:s12], $0x1000  }
0x3b: {  	[sflag:s12] =	ssyncset.done $0x0  }
0x3c: {  	s0 =	simm.s32 $0x300;
	[sflag:s12] =	ssyncadd.s32 $0xFFFFF000  }
0x3d: {  	[tilespmem:s18], [sflag:$0x3] =	stream.indirect.gather [hbm4b:s4+s14], $0x20, s0, s14, $0xb8;
	[tilespmem:$0xE000] =	vst v63  }
0x3e: {  	_ =	swait.ge [sflag:s24], $0x1000  }
0x3f: {  	[sflag:s24] =	ssyncset.done $0x0  }
0x40: {  	s0 =	simm.s32 $0x2980;
	[sflag:s24] =	ssyncadd.s32 $0xFFFFF000  }
0x41: {  	[spmem:s2] =	stream.indirect.scatter.add.f32 [tilespmem:s20], [sflag:$0x5], $0x20, s0, s14, $0xb8;
	[tilespmem:$0xE000] =	vst v63  }
0x42: {  	_ =	swait.ge [sflag:s12], $0x1000  }
0x43: {  	[sflag:s12] =	ssyncset.done $0x0  }
0x44: {  	s31 =	simm.s32 $0x800;
	s1 =	simm.s32 $0x380;
	[sflag:s12] =	ssyncadd.s32 $0xFFFFF000  }
.LBB2_2:
0x45: {  	[tilespmem:s20], [sflag:$0x4] =	stream.indirect.gather [hbm4b:s4+s14], $0x20, s1, s14, $0xb8;
	[tilespmem:$0xE000] =	vst v63  }
0x46: {  	s1 =	smov.u32 s31  }
0x47: {  	p0 =	sne.s32 s31, $0x9000;
	s31 =	sadd.s32 $0x800, s31;
	_ =	swait.ge [sflag:s21], $0x1000  }
0x48: {  	s1 =	sshra.s32 s1, $0x2;
	[sflag:s21] =	ssyncset.done $0x0  }
0x49: {  	s0 =	sadd.s32 $0x2800, s1;
	[sflag:s21] =	ssyncadd.s32 $0xFFFFF000  }
0x4a: {  	[spmem:s2] =	stream.indirect.scatter.add.f32 [tilespmem:s15], [sflag:$0x5], $0x20, s0, s14, $0xb8;
	[tilespmem:$0xE000] =	vst v63  }
0x4b: {  	_ =	swait.ge [sflag:s12], $0x1000  }
0x4c: {  	[sflag:s12] =	ssyncset.done $0x0  }
0x4d: {  	s0 =	sadd.s32 $0x200, s1;
	[sflag:s12] =	ssyncadd.s32 $0xFFFFF000  }
0x4e: {  	[tilespmem:s15], [sflag:$0x1] =	stream.indirect.gather [hbm4b:s4+s14], $0x20, s0, s14, $0xb8;
	[tilespmem:$0xE000] =	vst v63  }
0x4f: {  	_ =	swait.ge [sflag:s22], $0x1000  }
0x50: {  	[sflag:s22] =	ssyncset.done $0x0  }
0x51: {  	s0 =	sadd.s32 $0x2880, s1;
	[sflag:s22] =	ssyncadd.s32 $0xFFFFF000  }
0x52: {  	[spmem:s2] =	stream.indirect.scatter.add.f32 [tilespmem:s16], [sflag:$0x5], $0x20, s0, s14, $0xb8;
	[tilespmem:$0xE000] =	vst v63  }
0x53: {  	_ =	swait.ge [sflag:s12], $0x1000  }
0x54: {  	[sflag:s12] =	ssyncset.done $0x0  }
0x55: {  	s0 =	sadd.s32 $0x280, s1;
	[sflag:s12] =	ssyncadd.s32 $0xFFFFF000  }
0x56: {  	[tilespmem:s16], [sflag:$0x2] =	stream.indirect.gather [hbm4b:s4+s14], $0x20, s0, s14, $0xb8;
	[tilespmem:$0xE000] =	vst v63  }
0x57: {  	_ =	swait.ge [sflag:s23], $0x1000  }
0x58: {  	[sflag:s23] =	ssyncset.done $0x0  }
0x59: {  	s0 =	sadd.s32 $0x2900, s1;
	[sflag:s23] =	ssyncadd.s32 $0xFFFFF000  }
0x5a: {  	[spmem:s2] =	stream.indirect.scatter.add.f32 [tilespmem:s18], [sflag:$0x5], $0x20, s0, s14, $0xb8;
	[tilespmem:$0xE000] =	vst v63  }
0x5b: {  	_ =	swait.ge [sflag:s12], $0x1000  }
0x5c: {  	[sflag:s12] =	ssyncset.done $0x0  }
0x5d: {  	s0 =	sadd.s32 $0x300, s1;
	[sflag:s12] =	ssyncadd.s32 $0xFFFFF000  }
0x5e: {  	[tilespmem:s18], [sflag:$0x3] =	stream.indirect.gather [hbm4b:s4+s14], $0x20, s0, s14, $0xb8;
	[tilespmem:$0xE000] =	vst v63  }
0x5f: {  	_ =	swait.ge [sflag:s24], $0x1000  }
0x60: {  	[sflag:s24] =	ssyncset.done $0x0  }
.Ltmp0:
0x61: {  	s0 =	sadd.s32 $0x2980, s1;
	[sflag:s24] =	ssyncadd.s32 $0xFFFFF000;
	(pc) =	sbr.rel @p0 .LBB2_2-.Ltmp0, $4  }
0x62: {  	[spmem:s2] =	stream.indirect.scatter.add.f32 [tilespmem:s20], [sflag:$0x5], $0x20, s0, s14, $0xb8;
	[tilespmem:$0xE000] =	vst v63  }
0x63: {  	_ =	swait.ge [sflag:s12], $0x1000  }
0x64: {  	[sflag:s12] =	ssyncset.done $0x0  }
0x65: {  	s1 =	sadd.s32 $0x380, s1;
	[sflag:s12] =	ssyncadd.s32 $0xFFFFF000  }
0x66: {  	[tilespmem:s20], [sflag:$0x4] =	stream.indirect.gather [hbm4b:s4+s14], $0x20, s1, s14, $0xb8;
	[tilespmem:$0xE000] =	vst v63  }
0x67: {  	_ =	swait.ge [sflag:s21], $0x1000  }
0x68: {  	[sflag:s21] =	ssyncset.done $0x0  }
0x69: {  	[sflag:s21] =	ssyncadd.s32 $0xFFFFF000  }
0x6a: {  	[spmem:s2] =	stream.indirect.scatter.add.f32 [tilespmem:s15], [sflag:$0x5], $0x20, s25, s14, $0xb8;
	[tilespmem:$0xE000] =	vst v63  }
0x6b: {  	_ =	swait.ge [sflag:s12], $0x1000  }
0x6c: {  	[sflag:s12] =	ssyncset.done $0x0  }
0x6d: {  	[sflag:s12] =	ssyncadd.s32 $0xFFFFF000  }
0x6e: {  	_ =	swait.ge [sflag:s22], $0x1000  }
0x6f: {  	[sflag:s22] =	ssyncset.done $0x0  }
0x70: {  	[sflag:s22] =	ssyncadd.s32 $0xFFFFF000  }
0x71: {  	[spmem:s2] =	stream.indirect.scatter.add.f32 [tilespmem:s16], [sflag:$0x5], $0x20, s26, s14, $0xb8;
	[tilespmem:$0xE000] =	vst v63  }
0x72: {  	_ =	swait.ge [sflag:s12], $0x1000  }
0x73: {  	[sflag:s12] =	ssyncset.done $0x0  }
0x74: {  	[sflag:s12] =	ssyncadd.s32 $0xFFFFF000  }
0x75: {  	_ =	swait.ge [sflag:s23], $0x1000  }
0x76: {  	[sflag:s23] =	ssyncset.done $0x0  }
0x77: {  	[sflag:s23] =	ssyncadd.s32 $0xFFFFF000  }
0x78: {  	[spmem:s2] =	stream.indirect.scatter.add.f32 [tilespmem:s18], [sflag:$0x5], $0x20, s28, s14, $0xb8;
	[tilespmem:$0xE000] =	vst v63  }
0x79: {  	_ =	swait.ge [sflag:s12], $0x1000  }
0x7a: {  	[sflag:s12] =	ssyncset.done $0x0  }
0x7b: {  	[sflag:s12] =	ssyncadd.s32 $0xFFFFF000  }
0x7c: {  	_ =	swait.ge [sflag:s24], $0x1000  }
0x7d: {  	[sflag:s24] =	ssyncset.done $0x0  }
0x7e: {  	[sflag:s24] =	ssyncadd.s32 $0xFFFFF000  }
0x7f: {  	[spmem:s2] =	stream.indirect.scatter.add.f32 [tilespmem:s20], [sflag:$0x5], $0x20, s29, s14, $0xb8;
	[tilespmem:$0xE000] =	vst v63  }
0x80: {  	_ =	swait.ge [sflag:s12], $0x1000  }
0x81: {  	s30 =	sadd.s32 $0x1, s30;
	[sflag:s12] =	ssyncset.done $0x0  }
0x82: {  	p0 =	sne.s32 s30, s10;
	[sflag:s12] =	ssyncadd.s32 $0xFFFFF000  }
.Ltmp1:
0x83: {  	[bflag:$0x0] =	sbarrier.arrive $0xFFFF;
	(pc) =	sbr.rel @p0 .LBB2_1-.Ltmp1, $4  }
0x84: {  	[hbm:s9], [sflag:s6] =	dma.local [spmem:s11], $0xA00  }
0x85: {  	_ =	swait.ge [sflag:s12], $0xA00  }
0x86: {  	[sflag:s12] =	ssyncset.done $0x0  }
0x87: {  	[sflag:s12] =	ssyncadd.s32 $0xFFFFF600  }
0x88: {  	_ =	sfence.sel $0x180000  }
0x89: {  	[bflag:$0x0] =	sbarrier.arrive $0xFFFF  }
0x8a: {  	_ =	strace $0x9000004A  }
0x8b: {  	s0 =	stileid.u32;
	[bflag:$0x2] =	sbarrier.arrive $0xFFFF  }
0x8c: {  	p0 =	sne.s32 s0, $0x0;
	s0 =	rddreg [dreg:$0x2]  }
0x8d: {  	s0 =	sadd.s32 @!p0 $0x100000, s0  }
0x8e: {  	[sflag:s0] =	ssyncadd.tile.s32 @!p0 $0x1;
	_ =	shalt  }
.Lfunc_end2:
_tile_overlayer_lowered:
.L_overlay_start_2:
0x8f: {  	(tag) =	ssettag $0x2  }
0x90: {  	s0 =	rddreg [dreg:$0x0];
	s2 =	stileid.u32  }
0x91: {  	s1 =	rddreg [dreg:$0x1];
	p0 =	sne.s32 s2, $0x0  }
0x92: {  	s3 =	rddreg [dreg:$0x2];
	[bflag:$0x3] =	sbarrier.arrive $0xFFFF;
	s2 =	simm.s32 @!p0 $0x1C05  }
0x93: {  	[timem:s3], [sflag:s2] =	dma.local @!p0 [hbm:s0], s1  }
0x94: {  	s0 =	simm.s32 @!p0 $0x5  }
0x95: {  	_ =	swait.ge @!p0 [sflag:s0], s1  }
0x96: {  	s1 =	ssub.s32 @!p0 $0x0, s1;
	[sflag:s0] =	ssyncset.done @!p0 $0x0  }
0x97: {  	[sflag:s0] =	ssyncadd.s32 @!p0 s1  }
0x98: {  	[bflag:$0x3] =	sbarrier.arrive $0xFFFF  }
0x99: {  	_ =	shalt  }

// kernel: kernel.15.cloned.1.call-start
scs
__scs_entry_jumppad:
0x0: {  	(pc) =	sbr.rel $0x88, $3  }
0x1: {  	(tag) =	ssettag $0x0;
	lr =	simm.s32 $0x1  }
0x2: {  	[smem:$0x3F8B] =	sst lr;
	_ =	strace $0xD0000000  }
0x3: {  	_ = 	snop  }
0x4: {  	_ = 	snop  }
0x5: {  	_ = 	snop  }
0x6: {  	_ = 	snop  }
0x7: {  	_ = 	snop  }
__scs_overlays_trampoline_lowered:
0x8: {  	[smem:$0x3F9A] =	sst s0  }
0x9: {  	[smem:$0x3F9B] =	sst s1  }
0xa: {  	[smem:$0x3F9C] =	sst s2  }
0xb: {  	[smem:$0x3F9D] =	sst s3  }
0xc: {  	[smem:$0x3F9E] =	sst s4  }
0xd: {  	[smem:$0x3F9F] =	sst s5  }
0xe: {  	[smem:$0x3FA0] =	sst s6  }
0xf: {  	[smem:$0x3FA1] =	sst s7  }
0x10: {  	[smem:$0x3FA2] =	sst s8  }
0x11: {  	[smem:$0x3FA3] =	sst s9;
	s0 =	simm.s32 @!p0 $0x0  }
0x12: {  	s1 =	sld [smem:$0x3F89];
	s0 =	simm.s32 @p0 $0x1  }
0x13: {  	[smem:$0x3FA4] =	sst s0;
	s0 =	simm.s32 @!p1 $0x0  }
0x14: {  	s2 =	sld [smem:$0x3F88];
	s0 =	simm.s32 @p1 $0x1  }
0x15: {  	[smem:$0x3FA5] =	sst s0;
	s0 =	simm.s32 @!p2 $0x0  }
0x16: {  	s3 =	sld [smem:$0x3FDB];
	s0 =	simm.s32 @p2 $0x1  }
0x17: {  	s4 =	simm.s32 $0x1BF5;
	[smem:$0x3FA7] =	sst s0  }
0x18: {  	s0 =	sld [smem:$0x3F8A];
	_ =	swait.ge [sflag:s4], $0x0  }
0x19: {  	s7 =	sld [smem:$0x3F8B]  }
0x1a: {  	s8 =	sadd.s32 $0xFFFFE003, lr  }
0x1b: {  	s9 =	sadd.s32 $0xFFFFFEF7, lr;
	s5 =	simm.s32 $0xFFFFFFFF;
	p2 =	slt.u32 s8, $0xFFFFF086  }
0x1c: {  	p1 =	slt.u32 s9, $0xF7A;
	s5 =	simm.s32 @!p2 $0x0  }
0x1d: {  	s5 =	simm.s32 @p1 $0x1;
	p0 =	seq.s32 s7, s2  }
0x1e: {  	s7 =	smul.u32 @!p0 $0xF7A, s2;
	p2 =	seq.s32 @!p0 s5, $0x0  }
0x1f: {  	s9 =	smul.u32 $0xF7A, s1;
	s8 =	simm.s32 @!p0 $0x1BF5;
	p2 =	por !p2, p0  }
0x20: {  	[sflag:s8] =	ssyncset.s32 @!p0 $0xFFFFF086;
	s6 =	sadd.s32 @!p0 s3, s7;
	s7 =	simm.s32 @!p0 $0x108  }
0x21: {  	s3 =	sadd.s32 s3, s9;
	s6 =	sadd.s32 @!p0 $0x88, s6;
	s7 =	simm.s32 @p2 $0x1082  }
0x22: {  	[simem:s7], [sflag:s8] =	dma.local @!p0 [hbm:s6], $0xF7A  }
0x23: {  	s9 =	sor.u32 $0xD0000000, s2;
	s6 =	simm.s32 $0x108;
	_ =	swait.ge @!p0 [sflag:s8], $0x0  }
0x24: {  	s3 =	sadd.s32 $0x88, s3;
	s6 =	simm.s32 @!p1 $0x1082;
	[sflag:s4] =	ssyncset.s32 $0xFFFFF086  }
0x25: {  	[simem:s6], [sflag:s4] =	dma.local [hbm:s3], $0xF7A  }
0x26: {  	[smem:$0x3F8B] =	sst s1;
	(tag) =	ssettag s2;
	_ =	strace s9  }
0x27: {  	s1 =	sld [smem:$0x3F9B]  }
0x28: {  	s2 =	sld [smem:$0x3F9C]  }
0x29: {  	s4 =	sld [smem:$0x3F9E]  }
0x2a: {  	p0 =	seq.s32 s5, $0x0;
	s5 =	sld [smem:$0x3F9F]  }
0x2b: {  	s6 =	sld [smem:$0x3FA0]  }
0x2c: {  	s7 =	sld [smem:$0x3FA1]  }
0x2d: {  	s3 =	simm.s32 $0x108;
	s8 =	sld [smem:$0x3FA2]  }
0x2e: {  	s3 =	simm.s32 @!p0 $0x1082;
	s9 =	sld [smem:$0x3FA3]  }
0x2f: {  	lr =	sadd.s32 s0, s3;
	s0 =	sld [smem:$0x3F9A]  }
0x30: {  	s3 =	sld [smem:$0x3F9D]  }
0x31: {  	[smem:$0x3FA6] =	sst s10  }
0x32: {  	s10 =	sld [smem:$0x3FA4];
	_ =	sdelay $0x3  }
0x33: {  	p0 =	seq.s32 s10, $0x1;
	s10 =	sld [smem:$0x3FA6];
	_ =	sdelay $0x3  }
0x34: {  	[smem:$0x3FA6] =	sst s10  }
0x35: {  	s10 =	sld [smem:$0x3FA5];
	_ =	sdelay $0x3  }
0x36: {  	p1 =	seq.s32 s10, $0x1;
	s10 =	sld [smem:$0x3FA6];
	_ =	sdelay $0x3  }
0x37: {  	[smem:$0x3FA6] =	sst s10  }
0x38: {  	s10 =	sld [smem:$0x3FA7]  }
0x39: {  	_ = 	snop;
	(pc) =	sbr.ind lr, $3  }
0x3a: {  	_ = 	snop  }
0x3b: {  	_ = 	snop  }
0x3c: {  	p2 =	seq.s32 s10, $0x1;
	s10 =	sld [smem:$0x3FA6]  }
0x3d: {  	_ =	shalt  }
0x3e: {  	_ =	shalt  }
0x3f: {  	_ =	shalt  }
0x40: {  	_ =	shalt  }
0x41: {  	_ =	shalt  }
0x42: {  	_ =	shalt  }
0x43: {  	_ =	shalt  }
0x44: {  	_ =	shalt  }
0x45: {  	_ =	shalt  }
0x46: {  	_ =	shalt  }
0x47: {  	_ =	shalt  }
0x48: {  	_ =	shalt  }
0x49: {  	_ =	shalt  }
0x4a: {  	_ =	shalt  }
0x4b: {  	_ =	shalt  }
0x4c: {  	_ =	shalt  }
0x4d: {  	_ =	shalt  }
0x4e: {  	_ =	shalt  }
0x4f: {  	_ =	shalt  }
0x50: {  	_ =	shalt  }
0x51: {  	_ =	shalt  }
0x52: {  	_ =	shalt  }
0x53: {  	_ =	shalt  }
0x54: {  	_ =	shalt  }
0x55: {  	_ =	shalt  }
0x56: {  	_ =	shalt  }
0x57: {  	_ =	shalt  }
0x58: {  	_ =	shalt  }
0x59: {  	_ =	shalt  }
0x5a: {  	_ =	shalt  }
0x5b: {  	_ =	shalt  }
0x5c: {  	_ =	shalt  }
0x5d: {  	_ =	shalt  }
0x5e: {  	_ =	shalt  }
0x5f: {  	_ =	shalt  }
0x60: {  	_ =	shalt  }
0x61: {  	_ =	shalt  }
0x62: {  	_ =	shalt  }
0x63: {  	_ =	shalt  }
0x64: {  	_ =	shalt  }
0x65: {  	_ =	shalt  }
0x66: {  	_ =	shalt  }
0x67: {  	_ =	shalt  }
0x68: {  	_ =	shalt  }
0x69: {  	_ =	shalt  }
0x6a: {  	_ =	shalt  }
0x6b: {  	_ =	shalt  }
0x6c: {  	_ =	shalt  }
0x6d: {  	_ =	shalt  }
0x6e: {  	_ =	shalt  }
0x6f: {  	_ =	shalt  }
0x70: {  	_ =	shalt  }
0x71: {  	_ =	shalt  }
0x72: {  	_ =	shalt  }
0x73: {  	_ =	shalt  }
0x74: {  	_ =	shalt  }
0x75: {  	_ =	shalt  }
0x76: {  	_ =	shalt  }
0x77: {  	_ =	shalt  }
0x78: {  	_ =	shalt  }
0x79: {  	_ =	shalt  }
0x7a: {  	_ =	shalt  }
0x7b: {  	_ =	shalt  }
0x7c: {  	_ =	shalt  }
0x7d: {  	_ =	shalt  }
0x7e: {  	_ =	shalt  }
0x7f: {  	_ =	shalt  }
0x80: {  	_ =	shalt  }
0x81: {  	_ =	shalt  }
0x82: {  	_ =	shalt  }
0x83: {  	_ =	shalt  }
0x84: {  	_ =	shalt  }
0x85: {  	_ =	shalt  }
0x86: {  	_ =	shalt  }
0x87: {  	_ =	shalt  }
.Lfunc_end0:
.L_simem_size_0:
called_computation.2_lowered:
.L_overlay_start_0:
0x88: {  	s2 =	sld [smem:$0x3FD9]  }
0x89: {  	s3 =	sld [smem:$0x3FFE];
	_ =	sdelay $0x1  }
0x8a: {  	s1 =	srdreg.scid  }
0x8b: {  	s0 =	sand.u32 $0x1, s1  }
0x8c: {  	s16 =	sshll.u32 s0, $0xA;
	s2 =	sadd.s32 s3, s2  }
0x8d: {  	s2 =	sadd.s32 s2, s16  }
0x8e: {  	[smem:$0x3FB2] =	sst s2  }
0x8f: {  	_ = 	snop  }
0x90: {  	(tm) =	ssettm $0x1  }
0x91: {  	s17 =	sld [smem:$0x3FFB];
	_ =	sdelay $0x3  }
0x92: {  	_ =	strace s17  }
0x93: {  	s2 =	sld [smem:$0x3FFC];
	_ =	sdelay $0x3  }
0x94: {  	_ =	strace s2  }
0x95: {  	s2 =	sld [smem:$0x3FFD];
	_ =	sdelay $0x3  }
0x96: {  	_ =	strace s2  }
0x97: {  	_ =	strace $0x8FFFFFFF  }
0x98: {  	s18 =	sld [smem:$0x3FDB];
	_ =	sdelay $0x1  }
0x99: {  	s19 =	simm.s32 $_scs_section_size  }
0x9a: {  	s4 =	simm.s32 $_size__tile_overlayer_lowered;
	s5 =	simm.s32 $_tile_overlayer_lowered  }
0x9b: {  	s22 =	simm.s32 $0x1BFF;
	s21 =	sshll.u32 s5, $0x1;
	s2 =	sadd.s32 s19, s18  }
0x9c: {  	s6 =	simm.s32 $0x0;
	s20 =	sshll.u32 s4, $0x1;
	s4 =	sadd.s32 s21, s2  }
0x9d: {  	[timem:s6], [sflag:s22] =	dma.local [hbm:s4], s20  }
0x9e: {  	_ =	swait.ge [sflag:s22], s20  }
0x9f: {  	s3 =	ssub.s32 $0x0, s20;
	[sflag:s22] =	ssyncset.done $0x0  }
0xa0: {  	[sflag:s22] =	ssyncadd.s32 s3;
	_ =	sdelay $0x1  }
0xa1: {  	s23 =	simm.s32 $0x1B8B  }
0xa2: {  	_ =	swait.ge [sflag:s23], $0x1  }
0xa3: {  	[sflag:s23] =	ssyncset.done $0x0  }
0xa4: {  	s25 =	simm.s32 $0x1B8E;
	s24 =	sld [smem:$0x3FFE];
	[sflag:s23] =	ssyncadd.s32 $0xFFFFFFFF  }
0xa5: {  	s26 =	simm.s32 $execute0_lowered;
	[smem:$0x3FD2] =	sst s25  }
0xa6: {  	s4 =	sshll.u32 s26, $0x1;
	_ =	strace $0x8000004C;
	[dreg:$0x1] =	wrdreg $0xFFFFFFFF  }
0xa7: {  	s28 =	simm.s32 $_size_execute0_lowered;
	s2 =	sadd.s32 s2, s4;
	[dreg:$0x0] =	wrdreg $0x0  }
0xa8: {  	s4 =	sshll.u32 s28, $0x1;
	[dreg:$0x2] =	wrdreg s2  }
0xa9: {  	[dreg:$0x3] =	wrdreg s4  }
0xaa: {  	[dreg:$0x4] =	wrdreg $0xC0  }
0xab: {  	_ =	task [dreg:s6], $0x5FFFF  }
0xac: {  	[dreg:$0x1] =	wrdreg $0xFFFFFFFF  }
0xad: {  	[dreg:$0x0] =	wrdreg $0x60  }
0xae: {  	[dreg:$0x2] =	wrdreg s24  }
0xaf: {  	[dreg:$0x3] =	wrdreg $0x90000  }
0xb0: {  	[dreg:$0x4] =	wrdreg $0x9  }
0xb1: {  	_ =	task.clear_ibuf [dreg:s6], $0x5FFFF;
	_ =	strace $0x9000004C  }
0xb2: {  	s29 =	simm.s32 $0x9;
	_ =	strace $0x8000004E  }
0xb3: {  	_ =	swait.ge [sflag:s29], $0x1  }
0xb4: {  	[sflag:s29] =	ssyncadd.s32 $0xFFFFFFFF  }
0xb5: {  	_ =	strace $0x9000004E  }
0xb6: {  	_ =	sfence  }
0xb7: {  	s30 =	sld [smem:$0x0];
	_ =	sdelay $0x2  }
0xb8: {  	s31 =	sshll.u32 s1, $0xD;
	s1 =	sshrl.u32 s1, $0x2  }
0xb9: {  	s3 =	sand.u32 $0x4000, s31;
	s1 =	sadd.s32 s1, s30  }
0xba: {  	s0 =	sor.u32 s3, s0;
	s1 =	sshll.u32 s1, $0x11  }
0xbb: {  	s0 =	sor.u32 s1, s0  }
0xbc: {  	s0 =	sadd.s32 $0x8F2B, s0  }
0xbd: {  	[sflag:s0] =	ssyncadd.remote.s32 $0x1  }
0xbe: {  	_ =	sfence.sel $0xFFFF  }
0xbf: {  	[dreg:$0x0] =	wrdreg $0xFFFFFFFF;
	(pc) =	sbr.abs _section_cstart, $3  }
0xc0: {  	[dreg:$0x1] =	wrdreg $0xFFFFFFFF  }
0xc1: {  	_ =	task.clear_ibuf [dreg:s6], $0x2FFFF;
	_ =	strace $0x9FFFFFFF  }
0xc2: {  	(tm) =	ssettm $0x7FFFFFFF  }
0xc3: {  	_ =	shalt  }
tec
execute0_lowered:
.L_overlay_start_1:
0x0: {  	(tag) =	ssettag $0x1  }
0x1: {  	s0 =	srdreg.scid;
	s24 =	stileid.u32  }
0x2: {  	s5 =	rddreg [dreg:$0x0];
	s13 =	simm.s32 $0x2800;
	s14 =	simm.s32 $0x80  }
0x3: {  	s15 =	simm.s32 $0x5000;
	s16 =	simm.s32 $0x6000;
	s17 =	simm.s32 $0x100  }
0x4: {  	s18 =	simm.s32 $0x7000;
	s19 =	simm.s32 $0x180;
	s20 =	simm.s32 $0x8000  }
0x5: {  	s21 =	simm.s32 $0x1;
	s22 =	simm.s32 $0x2;
	s23 =	simm.s32 $0x3  }
0x6: {  	s28 =	simm.s32 $0x4F00;
	s29 =	simm.s32 $0x4F80;
	s30 =	simm.s32 $0x0  }
0x7: {  	s1 =	sand.u32 $0x1, s0;
	s7 =	smul.u32 $0x5000, s24;
	s4 =	sadd.s32 $0x2E00, s5  }
0x8: {  	s31 =	sshll.u32 s24, $0x6;
	s2 =	sshll.u32 s1, $0x4;
	s8 =	smul.u32 $0x50000, s1  }
0x9: {  	s1 =	ssub.s32 $0x2, s1;
	s3 =	sor.u32 s24, s2;
	s2 =	rddreg [dreg:$0x1]  }
0xa: {  	s26 =	sshrl.u32 s7, $0x3;
	s10 =	sshrl.u32 s1, $0x1;
	s24 =	simm.s32 $0x4  }
0xb: {  	s6 =	smul.u32 $0x500, s3;
	s3 =	simm.s32 $0x0;
	s25 =	sadd.s32 s7, s8  }
0xc: {  	s8 =	sadd.s32 s26, s5;
	s1 =	ssub.s32 s1, s10;
	s12 =	sadd.s32 s7, s2  }
0xd: {  	s26 =	simm.s32 $0x4E80;
	[smem:$0x7FF] =	sst s3;
	s10 =	smax.u32 s1, $0x1  }
0xe: {  	_ =	strace $0x8000004D;
	s9 =	sadd.s32 s6, s5;
	s6 =	sshrl.u32 s25, $0x3  }
0xf: {  	s25 =	simm.s32 $0x4E00;
	s11 =	sadd.s32 s6, s5;
	s5 =	sadd.s32 $0x20E00, s8  }
0x10: {  	s6 =	sor.u32 $0x1C05, s31;
	s7 =	sadd.s32 $0x16E00, s9;
	s8 =	sadd.s32 $0xCE00, s9  }
0x11: {  	s9 =	sadd.s32 $0x2AE00, s11;
	s11 =	sshrl.u32 s12, $0x3;
	s12 =	simm.s32 $0x5  }
.LBB2_1:
0x12: {  	[spmem:s11], [sflag:s6] =	dma.local [hbm:s5], $0xA00  }
0x13: {  	_ =	swait.ge [sflag:s12], $0xA00  }
0x14: {  	[sflag:s12] =	ssyncset.done $0x0  }
0x15: {  	[sflag:s12] =	ssyncadd.s32 $0xFFFFF600  }
0x16: {  	[tilespmem:s3], [sflag:$0x5] =	stream.linear.gather [hbm4b:s7+s3], $0x2800, $0x38;
	[tilespmem:$0xE000] =	vst v63  }
0x17: {  	_ =	swait.ge [sflag:s12], $0x2800  }
0x18: {  	[sflag:s12] =	ssyncset.done $0x0  }
0x19: {  	[sflag:s12] =	ssyncadd.s32 $0xFFFFD800  }
0x1a: {  	[tilespmem:s13], [sflag:$0x5] =	stream.linear.gather [hbm4b:s8+s3], $0x2800, $0x38;
	[tilespmem:$0xE000] =	vst v63  }
0x1b: {  	_ =	swait.ge [sflag:s12], $0x2800  }
0x1c: {  	[sflag:s12] =	ssyncset.done $0x0  }
0x1d: {  	[sflag:s12] =	ssyncadd.s32 $0xFFFFD800  }
0x1e: {  	[bflag:$0x0] =	sbarrier.arrive $0xFFFF  }
0x1f: {  	[tilespmem:s15], [sflag:$0x1] =	stream.indirect.gather [hbm4b:s4+s14], $0x20, s3, s14, $0xb8;
	[tilespmem:$0xE000] =	vst v63  }
0x20: {  	_ = 	snop  }
0x21: {  	[tilespmem:s16], [sflag:$0x2] =	stream.indirect.gather [hbm4b:s4+s14], $0x20, s14, s14, $0xb8;
	[tilespmem:$0xE000] =	vst v63  }
0x22: {  	_ = 	snop  }
0x23: {  	[tilespmem:s18], [sflag:$0x3] =	stream.indirect.gather [hbm4b:s4+s14], $0x20, s17, s14, $0xb8;
	[tilespmem:$0xE000] =	vst v63  }
0x24: {  	_ = 	snop  }
0x25: {  	[tilespmem:s20], [sflag:$0x4] =	stream.indirect.gather [hbm4b:s4+s14], $0x20, s19, s14, $0xb8;
	[tilespmem:$0xE000] =	vst v63  }
0x26: {  	_ =	swait.ge [sflag:s21], $0x1000  }
0x27: {  	[sflag:s21] =	ssyncset.done $0x0  }
0x28: {  	s1 =	simm.s32 $0x2800;
	[sflag:s21] =	ssyncadd.s32 $0xFFFFF000  }
0x29: {  	[spmem:s2] =	stream.indirect.scatter.add.f32 [tilespmem:s15], [sflag:$0x5], $0x20, s1, s14, $0xb8;
	[tilespmem:$0xE000] =	vst v63  }
0x2a: {  	_ =	swait.ge [sflag:s12], $0x1000  }
0x2b: {  	[sflag:s12] =	ssyncset.done $0x0  }
0x2c: {  	s0 =	simm.s32 $0x200;
	[sflag:s12] =	ssyncadd.s32 $0xFFFFF000  }
0x2d: {  	[tilespmem:s15], [sflag:$0x1] =	stream.indirect.gather [hbm4b:s4+s14], $0x20, s0, s14, $0xb8;
	[tilespmem:$0xE000] =	vst v63  }
0x2e: {  	_ =	swait.ge [sflag:s22], $0x1000  }
0x2f: {  	[sflag:s22] =	ssyncset.done $0x0  }
0x30: {  	s0 =	simm.s32 $0x2880;
	[sflag:s22] =	ssyncadd.s32 $0xFFFFF000  }
0x31: {  	[spmem:s2] =	stream.indirect.scatter.add.f32 [tilespmem:s16], [sflag:$0x5], $0x20, s0, s14, $0xb8;
	[tilespmem:$0xE000] =	vst v63  }
0x32: {  	_ =	swait.ge [sflag:s12], $0x1000  }
0x33: {  	[sflag:s12] =	ssyncset.done $0x0  }
0x34: {  	s0 =	simm.s32 $0x280;
	[sflag:s12] =	ssyncadd.s32 $0xFFFFF000  }
0x35: {  	[tilespmem:s16], [sflag:$0x2] =	stream.indirect.gather [hbm4b:s4+s14], $0x20, s0, s14, $0xb8;
	[tilespmem:$0xE000] =	vst v63  }
0x36: {  	_ =	swait.ge [sflag:s23], $0x1000  }
0x37: {  	[sflag:s23] =	ssyncset.done $0x0  }
0x38: {  	s0 =	simm.s32 $0x2900;
	[sflag:s23] =	ssyncadd.s32 $0xFFFFF000  }
0x39: {  	[spmem:s2] =	stream.indirect.scatter.add.f32 [tilespmem:s18], [sflag:$0x5], $0x20, s0, s14, $0xb8;
	[tilespmem:$0xE000] =	vst v63  }
0x3a: {  	_ =	swait.ge [sflag:s12], $0x1000  }
0x3b: {  	[sflag:s12] =	ssyncset.done $0x0  }
0x3c: {  	s0 =	simm.s32 $0x300;
	[sflag:s12] =	ssyncadd.s32 $0xFFFFF000  }
0x3d: {  	[tilespmem:s18], [sflag:$0x3] =	stream.indirect.gather [hbm4b:s4+s14], $0x20, s0, s14, $0xb8;
	[tilespmem:$0xE000] =	vst v63  }
0x3e: {  	_ =	swait.ge [sflag:s24], $0x1000  }
0x3f: {  	[sflag:s24] =	ssyncset.done $0x0  }
0x40: {  	s0 =	simm.s32 $0x2980;
	[sflag:s24] =	ssyncadd.s32 $0xFFFFF000  }
0x41: {  	[spmem:s2] =	stream.indirect.scatter.add.f32 [tilespmem:s20], [sflag:$0x5], $0x20, s0, s14, $0xb8;
	[tilespmem:$0xE000] =	vst v63  }
0x42: {  	_ =	swait.ge [sflag:s12], $0x1000  }
0x43: {  	[sflag:s12] =	ssyncset.done $0x0  }
0x44: {  	s31 =	simm.s32 $0x800;
	s1 =	simm.s32 $0x380;
	[sflag:s12] =	ssyncadd.s32 $0xFFFFF000  }
.LBB2_2:
0x45: {  	[tilespmem:s20], [sflag:$0x4] =	stream.indirect.gather [hbm4b:s4+s14], $0x20, s1, s14, $0xb8;
	[tilespmem:$0xE000] =	vst v63  }
0x46: {  	s1 =	smov.u32 s31  }
0x47: {  	p0 =	sne.s32 s31, $0x9000;
	s31 =	sadd.s32 $0x800, s31;
	_ =	swait.ge [sflag:s21], $0x1000  }
0x48: {  	s1 =	sshra.s32 s1, $0x2;
	[sflag:s21] =	ssyncset.done $0x0  }
0x49: {  	s0 =	sadd.s32 $0x2800, s1;
	[sflag:s21] =	ssyncadd.s32 $0xFFFFF000  }
0x4a: {  	[spmem:s2] =	stream.indirect.scatter.add.f32 [tilespmem:s15], [sflag:$0x5], $0x20, s0, s14, $0xb8;
	[tilespmem:$0xE000] =	vst v63  }
0x4b: {  	_ =	swait.ge [sflag:s12], $0x1000  }
0x4c: {  	[sflag:s12] =	ssyncset.done $0x0  }
0x4d: {  	s0 =	sadd.s32 $0x200, s1;
	[sflag:s12] =	ssyncadd.s32 $0xFFFFF000  }
0x4e: {  	[tilespmem:s15], [sflag:$0x1] =	stream.indirect.gather [hbm4b:s4+s14], $0x20, s0, s14, $0xb8;
	[tilespmem:$0xE000] =	vst v63  }
0x4f: {  	_ =	swait.ge [sflag:s22], $0x1000  }
0x50: {  	[sflag:s22] =	ssyncset.done $0x0  }
0x51: {  	s0 =	sadd.s32 $0x2880, s1;
	[sflag:s22] =	ssyncadd.s32 $0xFFFFF000  }
0x52: {  	[spmem:s2] =	stream.indirect.scatter.add.f32 [tilespmem:s16], [sflag:$0x5], $0x20, s0, s14, $0xb8;
	[tilespmem:$0xE000] =	vst v63  }
0x53: {  	_ =	swait.ge [sflag:s12], $0x1000  }
0x54: {  	[sflag:s12] =	ssyncset.done $0x0  }
0x55: {  	s0 =	sadd.s32 $0x280, s1;
	[sflag:s12] =	ssyncadd.s32 $0xFFFFF000  }
0x56: {  	[tilespmem:s16], [sflag:$0x2] =	stream.indirect.gather [hbm4b:s4+s14], $0x20, s0, s14, $0xb8;
	[tilespmem:$0xE000] =	vst v63  }
0x57: {  	_ =	swait.ge [sflag:s23], $0x1000  }
0x58: {  	[sflag:s23] =	ssyncset.done $0x0  }
0x59: {  	s0 =	sadd.s32 $0x2900, s1;
	[sflag:s23] =	ssyncadd.s32 $0xFFFFF000  }
0x5a: {  	[spmem:s2] =	stream.indirect.scatter.add.f32 [tilespmem:s18], [sflag:$0x5], $0x20, s0, s14, $0xb8;
	[tilespmem:$0xE000] =	vst v63  }
0x5b: {  	_ =	swait.ge [sflag:s12], $0x1000  }
0x5c: {  	[sflag:s12] =	ssyncset.done $0x0  }
0x5d: {  	s0 =	sadd.s32 $0x300, s1;
	[sflag:s12] =	ssyncadd.s32 $0xFFFFF000  }
0x5e: {  	[tilespmem:s18], [sflag:$0x3] =	stream.indirect.gather [hbm4b:s4+s14], $0x20, s0, s14, $0xb8;
	[tilespmem:$0xE000] =	vst v63  }
0x5f: {  	_ =	swait.ge [sflag:s24], $0x1000  }
0x60: {  	[sflag:s24] =	ssyncset.done $0x0  }
.Ltmp0:
0x61: {  	s0 =	sadd.s32 $0x2980, s1;
	[sflag:s24] =	ssyncadd.s32 $0xFFFFF000;
	(pc) =	sbr.rel @p0 .LBB2_2-.Ltmp0, $4  }
0x62: {  	[spmem:s2] =	stream.indirect.scatter.add.f32 [tilespmem:s20], [sflag:$0x5], $0x20, s0, s14, $0xb8;
	[tilespmem:$0xE000] =	vst v63  }
0x63: {  	_ =	swait.ge [sflag:s12], $0x1000  }
0x64: {  	[sflag:s12] =	ssyncset.done $0x0  }
0x65: {  	s1 =	sadd.s32 $0x380, s1;
	[sflag:s12] =	ssyncadd.s32 $0xFFFFF000  }
0x66: {  	[tilespmem:s20], [sflag:$0x4] =	stream.indirect.gather [hbm4b:s4+s14], $0x20, s1, s14, $0xb8;
	[tilespmem:$0xE000] =	vst v63  }
0x67: {  	_ =	swait.ge [sflag:s21], $0x1000  }
0x68: {  	[sflag:s21] =	ssyncset.done $0x0  }
0x69: {  	[sflag:s21] =	ssyncadd.s32 $0xFFFFF000  }
0x6a: {  	[spmem:s2] =	stream.indirect.scatter.add.f32 [tilespmem:s15], [sflag:$0x5], $0x20, s25, s14, $0xb8;
	[tilespmem:$0xE000] =	vst v63  }
0x6b: {  	_ =	swait.ge [sflag:s12], $0x1000  }
0x6c: {  	[sflag:s12] =	ssyncset.done $0x0  }
0x6d: {  	[sflag:s12] =	ssyncadd.s32 $0xFFFFF000  }
0x6e: {  	_ =	swait.ge [sflag:s22], $0x1000  }
0x6f: {  	[sflag:s22] =	ssyncset.done $0x0  }
0x70: {  	[sflag:s22] =	ssyncadd.s32 $0xFFFFF000  }
0x71: {  	[spmem:s2] =	stream.indirect.scatter.add.f32 [tilespmem:s16], [sflag:$0x5], $0x20, s26, s14, $0xb8;
	[tilespmem:$0xE000] =	vst v63  }
0x72: {  	_ =	swait.ge [sflag:s12], $0x1000  }
0x73: {  	[sflag:s12] =	ssyncset.done $0x0  }
0x74: {  	[sflag:s12] =	ssyncadd.s32 $0xFFFFF000  }
0x75: {  	_ =	swait.ge [sflag:s23], $0x1000  }
0x76: {  	[sflag:s23] =	ssyncset.done $0x0  }
0x77: {  	[sflag:s23] =	ssyncadd.s32 $0xFFFFF000  }
0x78: {  	[spmem:s2] =	stream.indirect.scatter.add.f32 [tilespmem:s18], [sflag:$0x5], $0x20, s28, s14, $0xb8;
	[tilespmem:$0xE000] =	vst v63  }
0x79: {  	_ =	swait.ge [sflag:s12], $0x1000  }
0x7a: {  	[sflag:s12] =	ssyncset.done $0x0  }
0x7b: {  	[sflag:s12] =	ssyncadd.s32 $0xFFFFF000  }
0x7c: {  	_ =	swait.ge [sflag:s24], $0x1000  }
0x7d: {  	[sflag:s24] =	ssyncset.done $0x0  }
0x7e: {  	[sflag:s24] =	ssyncadd.s32 $0xFFFFF000  }
0x7f: {  	[spmem:s2] =	stream.indirect.scatter.add.f32 [tilespmem:s20], [sflag:$0x5], $0x20, s29, s14, $0xb8;
	[tilespmem:$0xE000] =	vst v63  }
0x80: {  	_ =	swait.ge [sflag:s12], $0x1000  }
0x81: {  	s30 =	sadd.s32 $0x1, s30;
	[sflag:s12] =	ssyncset.done $0x0  }
0x82: {  	p0 =	sne.s32 s30, s10;
	[sflag:s12] =	ssyncadd.s32 $0xFFFFF000  }
.Ltmp1:
0x83: {  	[bflag:$0x0] =	sbarrier.arrive $0xFFFF;
	(pc) =	sbr.rel @p0 .LBB2_1-.Ltmp1, $4  }
0x84: {  	[hbm:s9], [sflag:s6] =	dma.local [spmem:s11], $0xA00  }
0x85: {  	_ =	swait.ge [sflag:s12], $0xA00  }
0x86: {  	[sflag:s12] =	ssyncset.done $0x0  }
0x87: {  	[sflag:s12] =	ssyncadd.s32 $0xFFFFF600  }
0x88: {  	_ =	sfence.sel $0x180000  }
0x89: {  	[bflag:$0x0] =	sbarrier.arrive $0xFFFF  }
0x8a: {  	_ =	strace $0x9000004D  }
0x8b: {  	s0 =	stileid.u32;
	[bflag:$0x2] =	sbarrier.arrive $0xFFFF  }
0x8c: {  	p0 =	sne.s32 s0, $0x0;
	s0 =	rddreg [dreg:$0x2]  }
0x8d: {  	s0 =	sadd.s32 @!p0 $0x100000, s0  }
0x8e: {  	[sflag:s0] =	ssyncadd.tile.s32 @!p0 $0x1;
	_ =	shalt  }
.Lfunc_end2:
_tile_overlayer_lowered:
.L_overlay_start_2:
0x8f: {  	(tag) =	ssettag $0x2  }
0x90: {  	s0 =	rddreg [dreg:$0x0];
	s2 =	stileid.u32  }
0x91: {  	s1 =	rddreg [dreg:$0x1];
	p0 =	sne.s32 s2, $0x0  }
0x92: {  	s3 =	rddreg [dreg:$0x2];
	[bflag:$0x3] =	sbarrier.arrive $0xFFFF;
	s2 =	simm.s32 @!p0 $0x1C05  }
0x93: {  	[timem:s3], [sflag:s2] =	dma.local @!p0 [hbm:s0], s1  }
0x94: {  	s0 =	simm.s32 @!p0 $0x5  }
0x95: {  	_ =	swait.ge @!p0 [sflag:s0], s1  }
0x96: {  	s1 =	ssub.s32 @!p0 $0x0, s1;
	[sflag:s0] =	ssyncset.done @!p0 $0x0  }
0x97: {  	[sflag:s0] =	ssyncadd.s32 @!p0 s1  }
0x98: {  	[bflag:$0x3] =	sbarrier.arrive $0xFFFF  }
0x99: {  	_ =	shalt  }

// kernel: kernel.9.cloned.1.call-start
scs
__scs_entry_jumppad:
0x0: {  	(pc) =	sbr.rel $0x88, $3  }
0x1: {  	(tag) =	ssettag $0x0;
	lr =	simm.s32 $0x1  }
0x2: {  	[smem:$0x3F8B] =	sst lr;
	_ =	strace $0xD0000000  }
0x3: {  	_ = 	snop  }
0x4: {  	_ = 	snop  }
0x5: {  	_ = 	snop  }
0x6: {  	_ = 	snop  }
0x7: {  	_ = 	snop  }
__scs_overlays_trampoline_lowered:
0x8: {  	[smem:$0x3F9A] =	sst s0  }
0x9: {  	[smem:$0x3F9B] =	sst s1  }
0xa: {  	[smem:$0x3F9C] =	sst s2  }
0xb: {  	[smem:$0x3F9D] =	sst s3  }
0xc: {  	[smem:$0x3F9E] =	sst s4  }
0xd: {  	[smem:$0x3F9F] =	sst s5  }
0xe: {  	[smem:$0x3FA0] =	sst s6  }
0xf: {  	[smem:$0x3FA1] =	sst s7  }
0x10: {  	[smem:$0x3FA2] =	sst s8  }
0x11: {  	[smem:$0x3FA3] =	sst s9;
	s0 =	simm.s32 @!p0 $0x0  }
0x12: {  	s1 =	sld [smem:$0x3F89];
	s0 =	simm.s32 @p0 $0x1  }
0x13: {  	[smem:$0x3FA4] =	sst s0;
	s0 =	simm.s32 @!p1 $0x0  }
0x14: {  	s2 =	sld [smem:$0x3F88];
	s0 =	simm.s32 @p1 $0x1  }
0x15: {  	[smem:$0x3FA5] =	sst s0;
	s0 =	simm.s32 @!p2 $0x0  }
0x16: {  	s3 =	sld [smem:$0x3FDB];
	s0 =	simm.s32 @p2 $0x1  }
0x17: {  	s4 =	simm.s32 $0x1BF5;
	[smem:$0x3FA7] =	sst s0  }
0x18: {  	s0 =	sld [smem:$0x3F8A];
	_ =	swait.ge [sflag:s4], $0x0  }
0x19: {  	s7 =	sld [smem:$0x3F8B]  }
0x1a: {  	s8 =	sadd.s32 $0xFFFFE003, lr  }
0x1b: {  	s9 =	sadd.s32 $0xFFFFFEF7, lr;
	s5 =	simm.s32 $0xFFFFFFFF;
	p2 =	slt.u32 s8, $0xFFFFF086  }
0x1c: {  	p1 =	slt.u32 s9, $0xF7A;
	s5 =	simm.s32 @!p2 $0x0  }
0x1d: {  	s5 =	simm.s32 @p1 $0x1;
	p0 =	seq.s32 s7, s2  }
0x1e: {  	s7 =	smul.u32 @!p0 $0xF7A, s2;
	p2 =	seq.s32 @!p0 s5, $0x0  }
0x1f: {  	s9 =	smul.u32 $0xF7A, s1;
	s8 =	simm.s32 @!p0 $0x1BF5;
	p2 =	por !p2, p0  }
0x20: {  	[sflag:s8] =	ssyncset.s32 @!p0 $0xFFFFF086;
	s6 =	sadd.s32 @!p0 s3, s7;
	s7 =	simm.s32 @!p0 $0x108  }
0x21: {  	s3 =	sadd.s32 s3, s9;
	s6 =	sadd.s32 @!p0 $0x88, s6;
	s7 =	simm.s32 @p2 $0x1082  }
0x22: {  	[simem:s7], [sflag:s8] =	dma.local @!p0 [hbm:s6], $0xF7A  }
0x23: {  	s9 =	sor.u32 $0xD0000000, s2;
	s6 =	simm.s32 $0x108;
	_ =	swait.ge @!p0 [sflag:s8], $0x0  }
0x24: {  	s3 =	sadd.s32 $0x88, s3;
	s6 =	simm.s32 @!p1 $0x1082;
	[sflag:s4] =	ssyncset.s32 $0xFFFFF086  }
0x25: {  	[simem:s6], [sflag:s4] =	dma.local [hbm:s3], $0xF7A  }
0x26: {  	[smem:$0x3F8B] =	sst s1;
	(tag) =	ssettag s2;
	_ =	strace s9  }
0x27: {  	s1 =	sld [smem:$0x3F9B]  }
0x28: {  	s2 =	sld [smem:$0x3F9C]  }
0x29: {  	s4 =	sld [smem:$0x3F9E]  }
0x2a: {  	p0 =	seq.s32 s5, $0x0;
	s5 =	sld [smem:$0x3F9F]  }
0x2b: {  	s6 =	sld [smem:$0x3FA0]  }
0x2c: {  	s7 =	sld [smem:$0x3FA1]  }
0x2d: {  	s3 =	simm.s32 $0x108;
	s8 =	sld [smem:$0x3FA2]  }
0x2e: {  	s3 =	simm.s32 @!p0 $0x1082;
	s9 =	sld [smem:$0x3FA3]  }
0x2f: {  	lr =	sadd.s32 s0, s3;
	s0 =	sld [smem:$0x3F9A]  }
0x30: {  	s3 =	sld [smem:$0x3F9D]  }
0x31: {  	[smem:$0x3FA6] =	sst s10  }
0x32: {  	s10 =	sld [smem:$0x3FA4];
	_ =	sdelay $0x3  }
0x33: {  	p0 =	seq.s32 s10, $0x1;
	s10 =	sld [smem:$0x3FA6];
	_ =	sdelay $0x3  }
0x34: {  	[smem:$0x3FA6] =	sst s10  }
0x35: {  	s10 =	sld [smem:$0x3FA5];
	_ =	sdelay $0x3  }
0x36: {  	p1 =	seq.s32 s10, $0x1;
	s10 =	sld [smem:$0x3FA6];
	_ =	sdelay $0x3  }
0x37: {  	[smem:$0x3FA6] =	sst s10  }
0x38: {  	s10 =	sld [smem:$0x3FA7]  }
0x39: {  	_ = 	snop;
	(pc) =	sbr.ind lr, $3  }
0x3a: {  	_ = 	snop  }
0x3b: {  	_ = 	snop  }
0x3c: {  	p2 =	seq.s32 s10, $0x1;
	s10 =	sld [smem:$0x3FA6]  }
0x3d: {  	_ =	shalt  }
0x3e: {  	_ =	shalt  }
0x3f: {  	_ =	shalt  }
0x40: {  	_ =	shalt  }
0x41: {  	_ =	shalt  }
0x42: {  	_ =	shalt  }
0x43: {  	_ =	shalt  }
0x44: {  	_ =	shalt  }
0x45: {  	_ =	shalt  }
0x46: {  	_ =	shalt  }
0x47: {  	_ =	shalt  }
0x48: {  	_ =	shalt  }
0x49: {  	_ =	shalt  }
0x4a: {  	_ =	shalt  }
0x4b: {  	_ =	shalt  }
0x4c: {  	_ =	shalt  }
0x4d: {  	_ =	shalt  }
0x4e: {  	_ =	shalt  }
0x4f: {  	_ =	shalt  }
0x50: {  	_ =	shalt  }
0x51: {  	_ =	shalt  }
0x52: {  	_ =	shalt  }
0x53: {  	_ =	shalt  }
0x54: {  	_ =	shalt  }
0x55: {  	_ =	shalt  }
0x56: {  	_ =	shalt  }
0x57: {  	_ =	shalt  }
0x58: {  	_ =	shalt  }
0x59: {  	_ =	shalt  }
0x5a: {  	_ =	shalt  }
0x5b: {  	_ =	shalt  }
0x5c: {  	_ =	shalt  }
0x5d: {  	_ =	shalt  }
0x5e: {  	_ =	shalt  }
0x5f: {  	_ =	shalt  }
0x60: {  	_ =	shalt  }
0x61: {  	_ =	shalt  }
0x62: {  	_ =	shalt  }
0x63: {  	_ =	shalt  }
0x64: {  	_ =	shalt  }
0x65: {  	_ =	shalt  }
0x66: {  	_ =	shalt  }
0x67: {  	_ =	shalt  }
0x68: {  	_ =	shalt  }
0x69: {  	_ =	shalt  }
0x6a: {  	_ =	shalt  }
0x6b: {  	_ =	shalt  }
0x6c: {  	_ =	shalt  }
0x6d: {  	_ =	shalt  }
0x6e: {  	_ =	shalt  }
0x6f: {  	_ =	shalt  }
0x70: {  	_ =	shalt  }
0x71: {  	_ =	shalt  }
0x72: {  	_ =	shalt  }
0x73: {  	_ =	shalt  }
0x74: {  	_ =	shalt  }
0x75: {  	_ =	shalt  }
0x76: {  	_ =	shalt  }
0x77: {  	_ =	shalt  }
0x78: {  	_ =	shalt  }
0x79: {  	_ =	shalt  }
0x7a: {  	_ =	shalt  }
0x7b: {  	_ =	shalt  }
0x7c: {  	_ =	shalt  }
0x7d: {  	_ =	shalt  }
0x7e: {  	_ =	shalt  }
0x7f: {  	_ =	shalt  }
0x80: {  	_ =	shalt  }
0x81: {  	_ =	shalt  }
0x82: {  	_ =	shalt  }
0x83: {  	_ =	shalt  }
0x84: {  	_ =	shalt  }
0x85: {  	_ =	shalt  }
0x86: {  	_ =	shalt  }
0x87: {  	_ =	shalt  }
.Lfunc_end0:
.L_simem_size_0:
called_computation_lowered:
.L_overlay_start_0:
0x88: {  	s2 =	sld [smem:$0x3FD9]  }
0x89: {  	s3 =	sld [smem:$0x3FFE];
	_ =	sdelay $0x1  }
0x8a: {  	s1 =	srdreg.scid  }
0x8b: {  	s0 =	sand.u32 $0x1, s1  }
0x8c: {  	s16 =	sshll.u32 s0, $0xA;
	s2 =	sadd.s32 s3, s2  }
0x8d: {  	s2 =	sadd.s32 s2, s16  }
0x8e: {  	[smem:$0x3FB2] =	sst s2  }
0x8f: {  	_ = 	snop  }
0x90: {  	(tm) =	ssettm $0x1  }
0x91: {  	s17 =	sld [smem:$0x3FFB];
	_ =	sdelay $0x3  }
0x92: {  	_ =	strace s17  }
0x93: {  	s2 =	sld [smem:$0x3FFC];
	_ =	sdelay $0x3  }
0x94: {  	_ =	strace s2  }
0x95: {  	s2 =	sld [smem:$0x3FFD];
	_ =	sdelay $0x3  }
0x96: {  	_ =	strace s2  }
0x97: {  	_ =	strace $0x8FFFFFFF  }
0x98: {  	s18 =	sld [smem:$0x3FDB];
	_ =	sdelay $0x1  }
0x99: {  	s19 =	simm.s32 $_scs_section_size  }
0x9a: {  	s4 =	simm.s32 $_size__tile_overlayer_lowered;
	s5 =	simm.s32 $_tile_overlayer_lowered  }
0x9b: {  	s22 =	simm.s32 $0x1BFF;
	s21 =	sshll.u32 s5, $0x1;
	s2 =	sadd.s32 s19, s18  }
0x9c: {  	s6 =	simm.s32 $0x0;
	s20 =	sshll.u32 s4, $0x1;
	s4 =	sadd.s32 s21, s2  }
0x9d: {  	[timem:s6], [sflag:s22] =	dma.local [hbm:s4], s20  }
0x9e: {  	_ =	swait.ge [sflag:s22], s20  }
0x9f: {  	s3 =	ssub.s32 $0x0, s20;
	[sflag:s22] =	ssyncset.done $0x0  }
0xa0: {  	[sflag:s22] =	ssyncadd.s32 s3;
	_ =	sdelay $0x1  }
0xa1: {  	s23 =	simm.s32 $0x1B8B  }
0xa2: {  	_ =	swait.ge [sflag:s23], $0x1  }
0xa3: {  	[sflag:s23] =	ssyncset.done $0x0  }
0xa4: {  	s25 =	simm.s32 $0x1B8E;
	s24 =	sld [smem:$0x3FFE];
	[sflag:s23] =	ssyncadd.s32 $0xFFFFFFFF  }
0xa5: {  	s26 =	simm.s32 $execute0_lowered;
	[smem:$0x3FD2] =	sst s25  }
0xa6: {  	s4 =	sshll.u32 s26, $0x1;
	_ =	strace $0x80000046;
	[dreg:$0x1] =	wrdreg $0xFFFFFFFF  }
0xa7: {  	s28 =	simm.s32 $_size_execute0_lowered;
	s2 =	sadd.s32 s2, s4;
	[dreg:$0x0] =	wrdreg $0x0  }
0xa8: {  	s4 =	sshll.u32 s28, $0x1;
	[dreg:$0x2] =	wrdreg s2  }
0xa9: {  	[dreg:$0x3] =	wrdreg s4  }
0xaa: {  	[dreg:$0x4] =	wrdreg $0xC0  }
0xab: {  	_ =	task [dreg:s6], $0x5FFFF  }
0xac: {  	[dreg:$0x1] =	wrdreg $0xFFFFFFFF  }
0xad: {  	[dreg:$0x0] =	wrdreg $0x60  }
0xae: {  	[dreg:$0x2] =	wrdreg s24  }
0xaf: {  	[dreg:$0x3] =	wrdreg $0x90000  }
0xb0: {  	[dreg:$0x4] =	wrdreg $0x9  }
0xb1: {  	_ =	task.clear_ibuf [dreg:s6], $0x5FFFF;
	_ =	strace $0x90000046  }
0xb2: {  	s29 =	simm.s32 $0x9;
	_ =	strace $0x80000048  }
0xb3: {  	_ =	swait.ge [sflag:s29], $0x1  }
0xb4: {  	[sflag:s29] =	ssyncadd.s32 $0xFFFFFFFF  }
0xb5: {  	_ =	strace $0x90000048  }
0xb6: {  	_ =	sfence  }
0xb7: {  	s30 =	sld [smem:$0x0];
	_ =	sdelay $0x2  }
0xb8: {  	s31 =	sshll.u32 s1, $0xD;
	s1 =	sshrl.u32 s1, $0x2  }
0xb9: {  	s3 =	sand.u32 $0x4000, s31;
	s1 =	sadd.s32 s1, s30  }
0xba: {  	s0 =	sor.u32 s3, s0;
	s1 =	sshll.u32 s1, $0x11  }
0xbb: {  	s0 =	sor.u32 s1, s0  }
0xbc: {  	s0 =	sadd.s32 $0x8F2B, s0  }
0xbd: {  	[sflag:s0] =	ssyncadd.remote.s32 $0x1  }
0xbe: {  	_ =	sfence.sel $0xFFFF  }
0xbf: {  	[dreg:$0x0] =	wrdreg $0xFFFFFFFF;
	(pc) =	sbr.abs _section_cstart, $3  }
0xc0: {  	[dreg:$0x1] =	wrdreg $0xFFFFFFFF  }
0xc1: {  	_ =	task.clear_ibuf [dreg:s6], $0x2FFFF;
	_ =	strace $0x9FFFFFFF  }
0xc2: {  	(tm) =	ssettm $0x7FFFFFFF  }
0xc3: {  	_ =	shalt  }
tec
execute0_lowered:
.L_overlay_start_1:
0x0: {  	(tag) =	ssettag $0x1  }
0x1: {  	s0 =	srdreg.scid;
	s24 =	stileid.u32  }
0x2: {  	s5 =	rddreg [dreg:$0x0];
	s13 =	simm.s32 $0x2800;
	s14 =	simm.s32 $0x80  }
0x3: {  	s15 =	simm.s32 $0x5000;
	s16 =	simm.s32 $0x6000;
	s17 =	simm.s32 $0x100  }
0x4: {  	s18 =	simm.s32 $0x7000;
	s19 =	simm.s32 $0x180;
	s20 =	simm.s32 $0x8000  }
0x5: {  	s21 =	simm.s32 $0x1;
	s22 =	simm.s32 $0x2;
	s23 =	simm.s32 $0x3  }
0x6: {  	s28 =	simm.s32 $0x4F00;
	s29 =	simm.s32 $0x4F80;
	s30 =	simm.s32 $0x0  }
0x7: {  	s1 =	sand.u32 $0x1, s0;
	s7 =	smul.u32 $0x5000, s24;
	s4 =	sadd.s32 $0x2E00, s5  }
0x8: {  	s31 =	sshll.u32 s24, $0x6;
	s2 =	sshll.u32 s1, $0x4;
	s8 =	smul.u32 $0x50000, s1  }
0x9: {  	s1 =	ssub.s32 $0x2, s1;
	s3 =	sor.u32 s24, s2;
	s2 =	rddreg [dreg:$0x1]  }
0xa: {  	s26 =	sshrl.u32 s7, $0x3;
	s10 =	sshrl.u32 s1, $0x1;
	s24 =	simm.s32 $0x4  }
0xb: {  	s6 =	smul.u32 $0x500, s3;
	s3 =	simm.s32 $0x0;
	s25 =	sadd.s32 s7, s8  }
0xc: {  	s8 =	sadd.s32 s26, s5;
	s1 =	ssub.s32 s1, s10;
	s12 =	sadd.s32 s7, s2  }
0xd: {  	s26 =	simm.s32 $0x4E80;
	[smem:$0x7FF] =	sst s3;
	s10 =	smax.u32 s1, $0x1  }
0xe: {  	_ =	strace $0x80000047;
	s9 =	sadd.s32 s6, s5;
	s6 =	sshrl.u32 s25, $0x3  }
0xf: {  	s25 =	simm.s32 $0x4E00;
	s11 =	sadd.s32 s6, s5;
	s5 =	sadd.s32 $0x20E00, s8  }
0x10: {  	s6 =	sor.u32 $0x1C05, s31;
	s7 =	sadd.s32 $0x16E00, s9;
	s8 =	sadd.s32 $0xCE00, s9  }
0x11: {  	s9 =	sadd.s32 $0x2AE00, s11;
	s11 =	sshrl.u32 s12, $0x3;
	s12 =	simm.s32 $0x5  }
.LBB2_1:
0x12: {  	[spmem:s11], [sflag:s6] =	dma.local [hbm:s5], $0xA00  }
0x13: {  	_ =	swait.ge [sflag:s12], $0xA00  }
0x14: {  	[sflag:s12] =	ssyncset.done $0x0  }
0x15: {  	[sflag:s12] =	ssyncadd.s32 $0xFFFFF600  }
0x16: {  	[tilespmem:s3], [sflag:$0x5] =	stream.linear.gather [hbm4b:s7+s3], $0x2800, $0x38;
	[tilespmem:$0xE000] =	vst v63  }
0x17: {  	_ =	swait.ge [sflag:s12], $0x2800  }
0x18: {  	[sflag:s12] =	ssyncset.done $0x0  }
0x19: {  	[sflag:s12] =	ssyncadd.s32 $0xFFFFD800  }
0x1a: {  	[tilespmem:s13], [sflag:$0x5] =	stream.linear.gather [hbm4b:s8+s3], $0x2800, $0x38;
	[tilespmem:$0xE000] =	vst v63  }
0x1b: {  	_ =	swait.ge [sflag:s12], $0x2800  }
0x1c: {  	[sflag:s12] =	ssyncset.done $0x0  }
0x1d: {  	[sflag:s12] =	ssyncadd.s32 $0xFFFFD800  }
0x1e: {  	[bflag:$0x0] =	sbarrier.arrive $0xFFFF  }
0x1f: {  	[tilespmem:s15], [sflag:$0x1] =	stream.indirect.gather [hbm4b:s4+s14], $0x20, s3, s14, $0xb8;
	[tilespmem:$0xE000] =	vst v63  }
0x20: {  	_ = 	snop  }
0x21: {  	[tilespmem:s16], [sflag:$0x2] =	stream.indirect.gather [hbm4b:s4+s14], $0x20, s14, s14, $0xb8;
	[tilespmem:$0xE000] =	vst v63  }
0x22: {  	_ = 	snop  }
0x23: {  	[tilespmem:s18], [sflag:$0x3] =	stream.indirect.gather [hbm4b:s4+s14], $0x20, s17, s14, $0xb8;
	[tilespmem:$0xE000] =	vst v63  }
0x24: {  	_ = 	snop  }
0x25: {  	[tilespmem:s20], [sflag:$0x4] =	stream.indirect.gather [hbm4b:s4+s14], $0x20, s19, s14, $0xb8;
	[tilespmem:$0xE000] =	vst v63  }
0x26: {  	_ =	swait.ge [sflag:s21], $0x1000  }
0x27: {  	[sflag:s21] =	ssyncset.done $0x0  }
0x28: {  	s1 =	simm.s32 $0x2800;
	[sflag:s21] =	ssyncadd.s32 $0xFFFFF000  }
0x29: {  	[spmem:s2] =	stream.indirect.scatter.add.f32 [tilespmem:s15], [sflag:$0x5], $0x20, s1, s14, $0xb8;
	[tilespmem:$0xE000] =	vst v63  }
0x2a: {  	_ =	swait.ge [sflag:s12], $0x1000  }
0x2b: {  	[sflag:s12] =	ssyncset.done $0x0  }
0x2c: {  	s0 =	simm.s32 $0x200;
	[sflag:s12] =	ssyncadd.s32 $0xFFFFF000  }
0x2d: {  	[tilespmem:s15], [sflag:$0x1] =	stream.indirect.gather [hbm4b:s4+s14], $0x20, s0, s14, $0xb8;
	[tilespmem:$0xE000] =	vst v63  }
0x2e: {  	_ =	swait.ge [sflag:s22], $0x1000  }
0x2f: {  	[sflag:s22] =	ssyncset.done $0x0  }
0x30: {  	s0 =	simm.s32 $0x2880;
	[sflag:s22] =	ssyncadd.s32 $0xFFFFF000  }
0x31: {  	[spmem:s2] =	stream.indirect.scatter.add.f32 [tilespmem:s16], [sflag:$0x5], $0x20, s0, s14, $0xb8;
	[tilespmem:$0xE000] =	vst v63  }
0x32: {  	_ =	swait.ge [sflag:s12], $0x1000  }
0x33: {  	[sflag:s12] =	ssyncset.done $0x0  }
0x34: {  	s0 =	simm.s32 $0x280;
	[sflag:s12] =	ssyncadd.s32 $0xFFFFF000  }
0x35: {  	[tilespmem:s16], [sflag:$0x2] =	stream.indirect.gather [hbm4b:s4+s14], $0x20, s0, s14, $0xb8;
	[tilespmem:$0xE000] =	vst v63  }
0x36: {  	_ =	swait.ge [sflag:s23], $0x1000  }
0x37: {  	[sflag:s23] =	ssyncset.done $0x0  }
0x38: {  	s0 =	simm.s32 $0x2900;
	[sflag:s23] =	ssyncadd.s32 $0xFFFFF000  }
0x39: {  	[spmem:s2] =	stream.indirect.scatter.add.f32 [tilespmem:s18], [sflag:$0x5], $0x20, s0, s14, $0xb8;
	[tilespmem:$0xE000] =	vst v63  }
0x3a: {  	_ =	swait.ge [sflag:s12], $0x1000  }
0x3b: {  	[sflag:s12] =	ssyncset.done $0x0  }
0x3c: {  	s0 =	simm.s32 $0x300;
	[sflag:s12] =	ssyncadd.s32 $0xFFFFF000  }
0x3d: {  	[tilespmem:s18], [sflag:$0x3] =	stream.indirect.gather [hbm4b:s4+s14], $0x20, s0, s14, $0xb8;
	[tilespmem:$0xE000] =	vst v63  }
0x3e: {  	_ =	swait.ge [sflag:s24], $0x1000  }
0x3f: {  	[sflag:s24] =	ssyncset.done $0x0  }
0x40: {  	s0 =	simm.s32 $0x2980;
	[sflag:s24] =	ssyncadd.s32 $0xFFFFF000  }
0x41: {  	[spmem:s2] =	stream.indirect.scatter.add.f32 [tilespmem:s20], [sflag:$0x5], $0x20, s0, s14, $0xb8;
	[tilespmem:$0xE000] =	vst v63  }
0x42: {  	_ =	swait.ge [sflag:s12], $0x1000  }
0x43: {  	[sflag:s12] =	ssyncset.done $0x0  }
0x44: {  	s31 =	simm.s32 $0x800;
	s1 =	simm.s32 $0x380;
	[sflag:s12] =	ssyncadd.s32 $0xFFFFF000  }
.LBB2_2:
0x45: {  	[tilespmem:s20], [sflag:$0x4] =	stream.indirect.gather [hbm4b:s4+s14], $0x20, s1, s14, $0xb8;
	[tilespmem:$0xE000] =	vst v63  }
0x46: {  	s1 =	smov.u32 s31  }
0x47: {  	p0 =	sne.s32 s31, $0x9000;
	s31 =	sadd.s32 $0x800, s31;
	_ =	swait.ge [sflag:s21], $0x1000  }
0x48: {  	s1 =	sshra.s32 s1, $0x2;
	[sflag:s21] =	ssyncset.done $0x0  }
0x49: {  	s0 =	sadd.s32 $0x2800, s1;
	[sflag:s21] =	ssyncadd.s32 $0xFFFFF000  }
0x4a: {  	[spmem:s2] =	stream.indirect.scatter.add.f32 [tilespmem:s15], [sflag:$0x5], $0x20, s0, s14, $0xb8;
	[tilespmem:$0xE000] =	vst v63  }
0x4b: {  	_ =	swait.ge [sflag:s12], $0x1000  }
0x4c: {  	[sflag:s12] =	ssyncset.done $0x0  }
0x4d: {  	s0 =	sadd.s32 $0x200, s1;
	[sflag:s12] =	ssyncadd.s32 $0xFFFFF000  }
0x4e: {  	[tilespmem:s15], [sflag:$0x1] =	stream.indirect.gather [hbm4b:s4+s14], $0x20, s0, s14, $0xb8;
	[tilespmem:$0xE000] =	vst v63  }
0x4f: {  	_ =	swait.ge [sflag:s22], $0x1000  }
0x50: {  	[sflag:s22] =	ssyncset.done $0x0  }
0x51: {  	s0 =	sadd.s32 $0x2880, s1;
	[sflag:s22] =	ssyncadd.s32 $0xFFFFF000  }
0x52: {  	[spmem:s2] =	stream.indirect.scatter.add.f32 [tilespmem:s16], [sflag:$0x5], $0x20, s0, s14, $0xb8;
	[tilespmem:$0xE000] =	vst v63  }
0x53: {  	_ =	swait.ge [sflag:s12], $0x1000  }
0x54: {  	[sflag:s12] =	ssyncset.done $0x0  }
0x55: {  	s0 =	sadd.s32 $0x280, s1;
	[sflag:s12] =	ssyncadd.s32 $0xFFFFF000  }
0x56: {  	[tilespmem:s16], [sflag:$0x2] =	stream.indirect.gather [hbm4b:s4+s14], $0x20, s0, s14, $0xb8;
	[tilespmem:$0xE000] =	vst v63  }
0x57: {  	_ =	swait.ge [sflag:s23], $0x1000  }
0x58: {  	[sflag:s23] =	ssyncset.done $0x0  }
0x59: {  	s0 =	sadd.s32 $0x2900, s1;
	[sflag:s23] =	ssyncadd.s32 $0xFFFFF000  }
0x5a: {  	[spmem:s2] =	stream.indirect.scatter.add.f32 [tilespmem:s18], [sflag:$0x5], $0x20, s0, s14, $0xb8;
	[tilespmem:$0xE000] =	vst v63  }
0x5b: {  	_ =	swait.ge [sflag:s12], $0x1000  }
0x5c: {  	[sflag:s12] =	ssyncset.done $0x0  }
0x5d: {  	s0 =	sadd.s32 $0x300, s1;
	[sflag:s12] =	ssyncadd.s32 $0xFFFFF000  }
0x5e: {  	[tilespmem:s18], [sflag:$0x3] =	stream.indirect.gather [hbm4b:s4+s14], $0x20, s0, s14, $0xb8;
	[tilespmem:$0xE000] =	vst v63  }
0x5f: {  	_ =	swait.ge [sflag:s24], $0x1000  }
0x60: {  	[sflag:s24] =	ssyncset.done $0x0  }
.Ltmp0:
0x61: {  	s0 =	sadd.s32 $0x2980, s1;
	[sflag:s24] =	ssyncadd.s32 $0xFFFFF000;
	(pc) =	sbr.rel @p0 .LBB2_2-.Ltmp0, $4  }
0x62: {  	[spmem:s2] =	stream.indirect.scatter.add.f32 [tilespmem:s20], [sflag:$0x5], $0x20, s0, s14, $0xb8;
	[tilespmem:$0xE000] =	vst v63  }
0x63: {  	_ =	swait.ge [sflag:s12], $0x1000  }
0x64: {  	[sflag:s12] =	ssyncset.done $0x0  }
0x65: {  	s1 =	sadd.s32 $0x380, s1;
	[sflag:s12] =	ssyncadd.s32 $0xFFFFF000  }
0x66: {  	[tilespmem:s20], [sflag:$0x4] =	stream.indirect.gather [hbm4b:s4+s14], $0x20, s1, s14, $0xb8;
	[tilespmem:$0xE000] =	vst v63  }
0x67: {  	_ =	swait.ge [sflag:s21], $0x1000  }
0x68: {  	[sflag:s21] =	ssyncset.done $0x0  }
0x69: {  	[sflag:s21] =	ssyncadd.s32 $0xFFFFF000  }
0x6a: {  	[spmem:s2] =	stream.indirect.scatter.add.f32 [tilespmem:s15], [sflag:$0x5], $0x20, s25, s14, $0xb8;
	[tilespmem:$0xE000] =	vst v63  }
0x6b: {  	_ =	swait.ge [sflag:s12], $0x1000  }
0x6c: {  	[sflag:s12] =	ssyncset.done $0x0  }
0x6d: {  	[sflag:s12] =	ssyncadd.s32 $0xFFFFF000  }
0x6e: {  	_ =	swait.ge [sflag:s22], $0x1000  }
0x6f: {  	[sflag:s22] =	ssyncset.done $0x0  }
0x70: {  	[sflag:s22] =	ssyncadd.s32 $0xFFFFF000  }
0x71: {  	[spmem:s2] =	stream.indirect.scatter.add.f32 [tilespmem:s16], [sflag:$0x5], $0x20, s26, s14, $0xb8;
	[tilespmem:$0xE000] =	vst v63  }
0x72: {  	_ =	swait.ge [sflag:s12], $0x1000  }
0x73: {  	[sflag:s12] =	ssyncset.done $0x0  }
0x74: {  	[sflag:s12] =	ssyncadd.s32 $0xFFFFF000  }
0x75: {  	_ =	swait.ge [sflag:s23], $0x1000  }
0x76: {  	[sflag:s23] =	ssyncset.done $0x0  }
0x77: {  	[sflag:s23] =	ssyncadd.s32 $0xFFFFF000  }
0x78: {  	[spmem:s2] =	stream.indirect.scatter.add.f32 [tilespmem:s18], [sflag:$0x5], $0x20, s28, s14, $0xb8;
	[tilespmem:$0xE000] =	vst v63  }
0x79: {  	_ =	swait.ge [sflag:s12], $0x1000  }
0x7a: {  	[sflag:s12] =	ssyncset.done $0x0  }
0x7b: {  	[sflag:s12] =	ssyncadd.s32 $0xFFFFF000  }
0x7c: {  	_ =	swait.ge [sflag:s24], $0x1000  }
0x7d: {  	[sflag:s24] =	ssyncset.done $0x0  }
0x7e: {  	[sflag:s24] =	ssyncadd.s32 $0xFFFFF000  }
0x7f: {  	[spmem:s2] =	stream.indirect.scatter.add.f32 [tilespmem:s20], [sflag:$0x5], $0x20, s29, s14, $0xb8;
	[tilespmem:$0xE000] =	vst v63  }
0x80: {  	_ =	swait.ge [sflag:s12], $0x1000  }
0x81: {  	s30 =	sadd.s32 $0x1, s30;
	[sflag:s12] =	ssyncset.done $0x0  }
0x82: {  	p0 =	sne.s32 s30, s10;
	[sflag:s12] =	ssyncadd.s32 $0xFFFFF000  }
.Ltmp1:
0x83: {  	[bflag:$0x0] =	sbarrier.arrive $0xFFFF;
	(pc) =	sbr.rel @p0 .LBB2_1-.Ltmp1, $4  }
0x84: {  	[hbm:s9], [sflag:s6] =	dma.local [spmem:s11], $0xA00  }
0x85: {  	_ =	swait.ge [sflag:s12], $0xA00  }
0x86: {  	[sflag:s12] =	ssyncset.done $0x0  }
0x87: {  	[sflag:s12] =	ssyncadd.s32 $0xFFFFF600  }
0x88: {  	_ =	sfence.sel $0x180000  }
0x89: {  	[bflag:$0x0] =	sbarrier.arrive $0xFFFF  }
0x8a: {  	_ =	strace $0x90000047  }
0x8b: {  	s0 =	stileid.u32;
	[bflag:$0x2] =	sbarrier.arrive $0xFFFF  }
0x8c: {  	p0 =	sne.s32 s0, $0x0;
	s0 =	rddreg [dreg:$0x2]  }
0x8d: {  	s0 =	sadd.s32 @!p0 $0x100000, s0  }
0x8e: {  	[sflag:s0] =	ssyncadd.tile.s32 @!p0 $0x1;
	_ =	shalt  }
.Lfunc_end2:
_tile_overlayer_lowered:
.L_overlay_start_2:
0x8f: {  	(tag) =	ssettag $0x2  }
0x90: {  	s0 =	rddreg [dreg:$0x0];
	s2 =	stileid.u32  }
0x91: {  	s1 =	rddreg [dreg:$0x1];
	p0 =	sne.s32 s2, $0x0  }
0x92: {  	s3 =	rddreg [dreg:$0x2];
	[bflag:$0x3] =	sbarrier.arrive $0xFFFF;
	s2 =	simm.s32 @!p0 $0x1C05  }
0x93: {  	[timem:s3], [sflag:s2] =	dma.local @!p0 [hbm:s0], s1  }
0x94: {  	s0 =	simm.s32 @!p0 $0x5  }
0x95: {  	_ =	swait.ge @!p0 [sflag:s0], s1  }
0x96: {  	s1 =	ssub.s32 @!p0 $0x0, s1;
	[sflag:s0] =	ssyncset.done @!p0 $0x0  }
0x97: {  	[sflag:s0] =	ssyncadd.s32 @!p0 s1  }
0x98: {  	[bflag:$0x3] =	sbarrier.arrive $0xFFFF  }
0x99: {  	_ =	shalt  }

</sc_bundles>
